<compile_context>
chip_gen: v7x
topology: tpu7x:2x2x1
jax: 0.10.2.dev20260603
libtpu: 0.0.44.dev20260713+nightly
codegen_flags: <defaults>
</compile_context>

<pallas_src>
import functools
import math

import jax
import jax.numpy as jnp
from jax import lax
from jax.experimental import pallas as pl
from jax.experimental.pallas import tpu as pltpu
from jax.experimental.pallas import tpu_sc as plsc

D_MODEL_K = 128
SCALE = math.sqrt(float(D_MODEL_K))

_info = plsc.get_sparse_core_info()
_NC, _NS, _L = _info.num_cores, _info.num_subcores, _info.num_lanes
_NW = _NC * _NS

_B_TOTAL = 1024 * 200
_B_PER_W = _B_TOTAL // _NW
_CHUNK = 128
_N_CHUNKS = _B_PER_W // _CHUNK
_NBUF = 5
_ROW_UNROLL = 4


def _make_emb_kernel():
  mesh = plsc.VectorSubcoreMesh(core_axis_name="c", subcore_axis_name="s")

  scratch = [pltpu.VMEM((_B_PER_W,), jnp.int32)]
  scratch += [pltpu.VMEM((_CHUNK, D_MODEL_K), jnp.float32)] * _NBUF
  scratch += [pltpu.SemaphoreType.DMA] * (2 * _NBUF)

  @functools.partial(
      pl.kernel,
      mesh=mesh,
      out_type=jax.ShapeDtypeStruct((_B_TOTAL, D_MODEL_K), jnp.float32),
      scratch_types=scratch,
  )
  def emb(table_hbm, idx_hbm, out_hbm, idx_all, *bufs_and_sems):
    rows = bufs_and_sems[:_NBUF]
    gsem = bufs_and_sems[_NBUF:2 * _NBUF]
    ssem = bufs_and_sems[2 * _NBUF:]

    wid = lax.axis_index("s") * _NC + lax.axis_index("c")
    base = wid * _B_PER_W

    pltpu.sync_copy(idx_hbm.at[pl.ds(base, _B_PER_W)], idx_all)

    def start_gather(b, l):
      pltpu.make_async_copy(
          table_hbm.at[idx_all.at[pl.ds(l * _CHUNK, _CHUNK)]], rows[b],
          gsem[b]).start()

    def start_scatter(b, l):
      pltpu.make_async_copy(
          rows[b], out_hbm.at[pl.ds(base + l * _CHUNK, _CHUNK)],
          ssem[b]).start()

    def wait_gather(b):
      pltpu.make_async_copy(table_hbm.at[pl.ds(0, _CHUNK)], rows[b],
                            gsem[b]).wait()

    def wait_scatter(b):
      pltpu.make_async_copy(rows[b], out_hbm.at[pl.ds(0, _CHUNK)],
                            ssem[b]).wait()

    for b in range(_NBUF - 1):
      start_gather(b, b)

    def group_body(g, carry):
      for b in range(_NBUF):
        l = g + b
        bp = (b + _NBUF - 1) % _NBUF

        @pl.when(l + _NBUF - 1 < _N_CHUNKS)
        def _():
          @pl.when(l >= 1)
          def _():
            wait_scatter(bp)
          start_gather(bp, l + _NBUF - 1)

        wait_gather(b)

        def row_body(r4, c):
          for u in range(_ROW_UNROLL):
            r = r4 * _ROW_UNROLL + u
            for gcol in range(D_MODEL_K // _L):
              sl = pl.ds(gcol * _L, _L)
              rows[b][r, sl] = rows[b][r, sl] * SCALE
          return c

        lax.fori_loop(0, _CHUNK // _ROW_UNROLL, row_body, 0)
        start_scatter(b, l)
      return carry

    lax.fori_loop(0, _N_CHUNKS // _NBUF, lambda i, c: group_body(i * _NBUF, c),
                  0)

    for b in range(_NBUF):
      wait_scatter(b)

  return emb


_emb = _make_emb_kernel()


@jax.jit
def kernel(x, lut):
  idx = x.reshape(-1).astype(jnp.int32)
  out = _emb(lut, idx)
  return out.reshape(x.shape[0], x.shape[1], D_MODEL_K)

# --- scband reference (transcript-rebuilt; emitter-appended) ---
"""Pipeline reference for scband-embeddings-17575006175480 (READ-ONLY COPY).

The authoritative reference and input builder live on the scoring server;
editing this copy changes nothing except your own understanding.
"""

import math
import jax, jax.numpy as jnp
import numpy as np

D_MODEL = 128
VOCAB = 100000


def setup_inputs(seed: int = 0) -> dict:
    key = jax.random.key(seed)
    k1, k2 = jax.random.split(key)
    x = jax.random.randint(k1, (1024, 200), 0, VOCAB, dtype=jnp.int64 if jax.config.jax_enable_x64 else jnp.int32)
    lut = jax.random.normal(k2, (VOCAB, D_MODEL), dtype=jnp.float32)
    return {"x": x, "lut": lut}


def reference(x, lut):
    # Embeddings.forward: self.lut(x) * math.sqrt(self.d_model)
    emb = jnp.take(lut, x, axis=0)
    return emb * math.sqrt(D_MODEL)

if __name__ == "__main__":
    import jax
    _d = setup_inputs()
    print(jax.jit(kernel)(*tuple(_d.values())))

</pallas_src>

<mosaic_0001>
#map = affine_map<(d0, d1) -> (0, 0)>
#map1 = affine_map<(d0, d1) -> (0)>
module attributes {stable_mosaic.version = 14 : i64} {
  func.func @emb(%arg0: i32, %arg1: i32, %arg2: memref<100000x128xf32, #tpu.memory_space<hbm>>, %arg3: memref<204800xi32, #tpu.memory_space<hbm>>, %arg4: memref<204800x128xf32, #tpu.memory_space<hbm>>, %arg5: memref<6400xi32, #tpu.memory_space<vmem>>, %arg6: memref<128x128xf32, #tpu.memory_space<vmem>>, %arg7: memref<128x128xf32, #tpu.memory_space<vmem>>, %arg8: memref<128x128xf32, #tpu.memory_space<vmem>>, %arg9: memref<128x128xf32, #tpu.memory_space<vmem>>, %arg10: memref<128x128xf32, #tpu.memory_space<vmem>>, %arg11: memref<!tpu.dma_semaphore, #tpu.memory_space<semaphore_mem>>, %arg12: memref<!tpu.dma_semaphore, #tpu.memory_space<semaphore_mem>>, %arg13: memref<!tpu.dma_semaphore, #tpu.memory_space<semaphore_mem>>, %arg14: memref<!tpu.dma_semaphore, #tpu.memory_space<semaphore_mem>>, %arg15: memref<!tpu.dma_semaphore, #tpu.memory_space<semaphore_mem>>, %arg16: memref<!tpu.dma_semaphore, #tpu.memory_space<semaphore_mem>>, %arg17: memref<!tpu.dma_semaphore, #tpu.memory_space<semaphore_mem>>, %arg18: memref<!tpu.dma_semaphore, #tpu.memory_space<semaphore_mem>>, %arg19: memref<!tpu.dma_semaphore, #tpu.memory_space<semaphore_mem>>, %arg20: memref<!tpu.dma_semaphore, #tpu.memory_space<semaphore_mem>>) attributes {dimension_semantics = [#tpu.dimension_semantics<core_parallel>, #tpu.dimension_semantics<subcore_parallel>], iteration_bounds = array<i64: 2, 16>, scalar_prefetch = 0 : i64, scratch_operands = 16 : i64, tpu.core_type = #tpu.core_type<sc_vector_subcore>, window_params = [{transform_indices = #map}, {transform_indices = #map1}, {transform_indices = #map}]} {
    %mul3A = arith.constant 2 : i32
    %mul3A_0 = arith.muli %arg1, %mul3A : i32
    %add3A = arith.addi %mul3A_0, %arg0 : i32
    %mul3A_1 = arith.constant 6400 : i32
    %mul3A_2 = arith.muli %add3A, %mul3A_1 : i32
    "tpu.region"() ({
      %run_scoped3A = tpu.sem_alloc : memref<!tpu.dma_semaphore, #tpu.memory_space<semaphore_mem>>
      %dma_start3A_56 = tpu.memref_slice %arg3[%mul3A_2] : memref<204800xi32, #tpu.memory_space<hbm>> -> memref<6400xi32, #tpu.memory_space<hbm>>
      %dma_start3A_57 = tpu.memref_slice %arg3[%mul3A_2] : memref<204800xi32, #tpu.memory_space<hbm>> -> memref<6400xi32, #tpu.memory_space<hbm>>
      tpu.enqueue_dma source(%dma_start3A_57 : memref<6400xi32, #tpu.memory_space<hbm>>) target(%arg5 : memref<6400xi32, #tpu.memory_space<vmem>>) target_semaphore(%run_scoped3A : memref<!tpu.dma_semaphore, #tpu.memory_space<semaphore_mem>>)
      %dma_wait3A_58 = tpu.memref_slice %arg3[%mul3A_2] : memref<204800xi32, #tpu.memory_space<hbm>> -> memref<6400xi32, #tpu.memory_space<hbm>>
      %dma_wait3A_59 = tpu.memref_slice %arg3[%mul3A_2] : memref<204800xi32, #tpu.memory_space<hbm>> -> memref<6400xi32, #tpu.memory_space<hbm>>
      tpu.wait_dma2 semaphore(%run_scoped3A : memref<!tpu.dma_semaphore, #tpu.memory_space<semaphore_mem>>) src(%dma_wait3A_59 : memref<6400xi32, #tpu.memory_space<hbm>>) dst(%arg5 : memref<6400xi32, #tpu.memory_space<vmem>>)
      tpu.yield
    }) : () -> ()
    %dma_start3A = arith.constant 0 : i32
    %dma_start3A_3 = tpu.memref_slice %arg5[%dma_start3A] : memref<6400xi32, #tpu.memory_space<vmem>> -> memref<128xi32, #tpu.memory_space<vmem>>
    %dma_start3A_4 = arith.constant 0 : i32
    %dma_start3A_5 = arith.constant 0 : i32
    %dma_start3A_6 = tpu.memref_slice %arg2[%dma_start3A_4, %dma_start3A_5] : memref<100000x128xf32, #tpu.memory_space<hbm>> -> memref<100000x128xf32, #tpu.memory_space<hbm>>
    tpu.enqueue_indirect_dma source(%dma_start3A_6 : memref<100000x128xf32, #tpu.memory_space<hbm>>) target(%arg6 : memref<128x128xf32, #tpu.memory_space<vmem>>) offsets(%dma_start3A_3 : memref<128xi32, #tpu.memory_space<vmem>>) semaphore(%arg11 : memref<!tpu.dma_semaphore, #tpu.memory_space<semaphore_mem>>)
    %dma_start3A_7 = arith.constant 128 : i32
    %dma_start3A_8 = tpu.memref_slice %arg5[%dma_start3A_7] : memref<6400xi32, #tpu.memory_space<vmem>> -> memref<128xi32, #tpu.memory_space<vmem>>
    %dma_start3A_9 = arith.constant 0 : i32
    %dma_start3A_10 = arith.constant 0 : i32
    %dma_start3A_11 = tpu.memref_slice %arg2[%dma_start3A_9, %dma_start3A_10] : memref<100000x128xf32, #tpu.memory_space<hbm>> -> memref<100000x128xf32, #tpu.memory_space<hbm>>
    tpu.enqueue_indirect_dma source(%dma_start3A_11 : memref<100000x128xf32, #tpu.memory_space<hbm>>) target(%arg7 : memref<128x128xf32, #tpu.memory_space<vmem>>) offsets(%dma_start3A_8 : memref<128xi32, #tpu.memory_space<vmem>>) semaphore(%arg12 : memref<!tpu.dma_semaphore, #tpu.memory_space<semaphore_mem>>)
    %dma_start3A_12 = arith.constant 256 : i32
    %dma_start3A_13 = tpu.memref_slice %arg5[%dma_start3A_12] : memref<6400xi32, #tpu.memory_space<vmem>> -> memref<128xi32, #tpu.memory_space<vmem>>
    %dma_start3A_14 = arith.constant 0 : i32
    %dma_start3A_15 = arith.constant 0 : i32
    %dma_start3A_16 = tpu.memref_slice %arg2[%dma_start3A_14, %dma_start3A_15] : memref<100000x128xf32, #tpu.memory_space<hbm>> -> memref<100000x128xf32, #tpu.memory_space<hbm>>
    tpu.enqueue_indirect_dma source(%dma_start3A_16 : memref<100000x128xf32, #tpu.memory_space<hbm>>) target(%arg8 : memref<128x128xf32, #tpu.memory_space<vmem>>) offsets(%dma_start3A_13 : memref<128xi32, #tpu.memory_space<vmem>>) semaphore(%arg13 : memref<!tpu.dma_semaphore, #tpu.memory_space<semaphore_mem>>)
    %dma_start3A_17 = arith.constant 384 : i32
    %dma_start3A_18 = tpu.memref_slice %arg5[%dma_start3A_17] : memref<6400xi32, #tpu.memory_space<vmem>> -> memref<128xi32, #tpu.memory_space<vmem>>
    %dma_start3A_19 = arith.constant 0 : i32
    %dma_start3A_20 = arith.constant 0 : i32
    %dma_start3A_21 = tpu.memref_slice %arg2[%dma_start3A_19, %dma_start3A_20] : memref<100000x128xf32, #tpu.memory_space<hbm>> -> memref<100000x128xf32, #tpu.memory_space<hbm>>
    tpu.enqueue_indirect_dma source(%dma_start3A_21 : memref<100000x128xf32, #tpu.memory_space<hbm>>) target(%arg9 : memref<128x128xf32, #tpu.memory_space<vmem>>) offsets(%dma_start3A_18 : memref<128xi32, #tpu.memory_space<vmem>>) semaphore(%arg14 : memref<!tpu.dma_semaphore, #tpu.memory_space<semaphore_mem>>)
    %scan3A = arith.constant 0 : i32
    %scan3A_22 = arith.constant 0 : i32
    %scan3A_23 = arith.constant 10 : i32
    %scan3A_24 = arith.addi %scan3A_22, %scan3A_23 : i32
    %scan3A_25 = arith.constant 1 : i32
    scf.for %scan3A_56 = %scan3A_22 to %scan3A_24 step %scan3A_25  : i32 {
      %mul3A_57 = arith.constant 5 : i32
      %mul3A_58 = arith.muli %scan3A_56, %mul3A_57 : i32
      %add3A_59 = arith.constant 0 : i32
      %add3A_60 = arith.addi %mul3A_58, %add3A_59 : i32
      %add3A_61 = arith.constant 5 : i32
      %add3A_62 = arith.addi %add3A_60, %add3A_61 : i32
      %sub3A = arith.constant 1 : i32
      %sub3A_63 = arith.subi %add3A_62, %sub3A : i32
      %lt3A = arith.constant 50 : i32
      %lt3A_64 = arith.cmpi slt, %sub3A_63, %lt3A : i32
      %convert_element_type3A = arith.extui %lt3A_64 : i1 to i32
      %cond3A = arith.constant 0 : i32
      %cond3A_65 = arith.cmpi ne, %convert_element_type3A, %cond3A : i32
      scf.if %cond3A_65 {
        %ge3A = arith.constant 1 : i32
        %ge3A_205 = arith.cmpi sge, %add3A_60, %ge3A : i32
        %convert_element_type3A_206 = arith.extui %ge3A_205 : i1 to i32
        %cond3A_207 = arith.constant 0 : i32
        %cond3A_208 = arith.cmpi ne, %convert_element_type3A_206, %cond3A_207 : i32
        scf.if %cond3A_208 {
          %dma_wait3A_219 = arith.constant 0 : i32
          %dma_wait3A_220 = arith.constant 0 : i32
          %dma_wait3A_221 = tpu.memref_slice %arg4[%dma_wait3A_219, %dma_wait3A_220] : memref<204800x128xf32, #tpu.memory_space<hbm>> -> memref<128x128xf32, #tpu.memory_space<hbm>>
          %dma_wait3A_222 = arith.constant 0 : i32
          %dma_wait3A_223 = arith.constant 0 : i32
          %dma_wait3A_224 = tpu.memref_slice %arg4[%dma_wait3A_222, %dma_wait3A_223] : memref<204800x128xf32, #tpu.memory_space<hbm>> -> memref<128x128xf32, #tpu.memory_space<hbm>>
          tpu.wait_dma2 semaphore(%arg20 : memref<!tpu.dma_semaphore, #tpu.memory_space<semaphore_mem>>) src(%arg10 : memref<128x128xf32, #tpu.memory_space<vmem>>) dst(%dma_wait3A_224 : memref<128x128xf32, #tpu.memory_space<hbm>>)
        } else {
        }
        %add3A_209 = arith.constant 5 : i32
        %add3A_210 = arith.addi %add3A_60, %add3A_209 : i32
        %sub3A_211 = arith.constant 1 : i32
        %sub3A_212 = arith.subi %add3A_210, %sub3A_211 : i32
        %mul3A_213 = arith.constant 128 : i32
        %mul3A_214 = arith.muli %sub3A_212, %mul3A_213 : i32
        %dma_start3A_215 = tpu.memref_slice %arg5[%mul3A_214] : memref<6400xi32, #tpu.memory_space<vmem>> -> memref<128xi32, #tpu.memory_space<vmem>>
        %dma_start3A_216 = arith.constant 0 : i32
        %dma_start3A_217 = arith.constant 0 : i32
        %dma_start3A_218 = tpu.memref_slice %arg2[%dma_start3A_216, %dma_start3A_217] : memref<100000x128xf32, #tpu.memory_space<hbm>> -> memref<100000x128xf32, #tpu.memory_space<hbm>>
        tpu.enqueue_indirect_dma source(%dma_start3A_218 : memref<100000x128xf32, #tpu.memory_space<hbm>>) target(%arg10 : memref<128x128xf32, #tpu.memory_space<vmem>>) offsets(%dma_start3A_215 : memref<128xi32, #tpu.memory_space<vmem>>) semaphore(%arg15 : memref<!tpu.dma_semaphore, #tpu.memory_space<semaphore_mem>>)
      } else {
      }
      %dma_wait3A_66 = arith.constant 0 : i32
      %dma_wait3A_67 = arith.constant 0 : i32
      %dma_wait3A_68 = tpu.memref_slice %arg2[%dma_wait3A_66, %dma_wait3A_67] : memref<100000x128xf32, #tpu.memory_space<hbm>> -> memref<128x128xf32, #tpu.memory_space<hbm>>
      %dma_wait3A_69 = arith.constant 0 : i32
      %dma_wait3A_70 = arith.constant 0 : i32
      %dma_wait3A_71 = tpu.memref_slice %arg2[%dma_wait3A_69, %dma_wait3A_70] : memref<100000x128xf32, #tpu.memory_space<hbm>> -> memref<128x128xf32, #tpu.memory_space<hbm>>
      tpu.wait_dma2 semaphore(%arg11 : memref<!tpu.dma_semaphore, #tpu.memory_space<semaphore_mem>>) src(%dma_wait3A_71 : memref<128x128xf32, #tpu.memory_space<hbm>>) dst(%arg6 : memref<128x128xf32, #tpu.memory_space<vmem>>)
      %scan3A_72 = arith.constant 0 : i32
      %scan3A_73 = arith.constant 0 : i32
      %scan3A_74 = arith.constant 32 : i32
      %scan3A_75 = arith.addi %scan3A_73, %scan3A_74 : i32
      %scan3A_76 = arith.constant 1 : i32
      scf.for %scan3A_205 = %scan3A_73 to %scan3A_75 step %scan3A_76  : i32 {
        %mul3A_206 = arith.constant 4 : i32
        %mul3A_207 = arith.muli %scan3A_205, %mul3A_206 : i32
        %add3A_208 = arith.constant 0 : i32
        %add3A_209 = arith.addi %mul3A_207, %add3A_208 : i32
        %get3A = arith.index_cast %add3A_209 : i32 to index
        %get3A_210 = arith.constant 0 : index
        %get3A_211 = tpu.vector_load %arg6[%get3A, %get3A_210] {strides = array<i32>} : memref<128x128xf32, #tpu.memory_space<vmem>>, vector<1x16xf32>,
        %get3A_212 = vector.shape_cast %get3A_211 : vector<1x16xf32> to vector<16xf32>
        %mul3A_213 = arith.constant 11.3137083 : f32
        %mul3A_214 = vector.broadcast %mul3A_213 : f32 to vector<16xf32>
        %mul3A_215 = arith.mulf %get3A_212, %mul3A_214 : vector<16xf32>
        %swap3A = arith.index_cast %add3A_209 : i32 to index
        %swap3A_216 = arith.constant 0 : index
        %swap3A_217 = tpu.vector_load %arg6[%swap3A, %swap3A_216] {strides = array<i32>} : memref<128x128xf32, #tpu.memory_space<vmem>>, vector<1x16xf32>,
        %swap3A_218 = vector.shape_cast %swap3A_217 : vector<1x16xf32> to vector<16xf32>
        %swap3A_219 = vector.shape_cast %mul3A_215 : vector<16xf32> to vector<1x16xf32>
        tpu.vector_store %arg6[%swap3A, %swap3A_216], %swap3A_219 {strides = array<i32>} : memref<128x128xf32, #tpu.memory_space<vmem>>, vector<1x16xf32>,
        %get3A_220 = arith.index_cast %add3A_209 : i32 to index
        %get3A_221 = arith.constant 16 : index
        %get3A_222 = tpu.vector_load %arg6[%get3A_220, %get3A_221] {strides = array<i32>} : memref<128x128xf32, #tpu.memory_space<vmem>>, vector<1x16xf32>,
        %get3A_223 = vector.shape_cast %get3A_222 : vector<1x16xf32> to vector<16xf32>
        %mul3A_224 = arith.constant 11.3137083 : f32
        %mul3A_225 = vector.broadcast %mul3A_224 : f32 to vector<16xf32>
        %mul3A_226 = arith.mulf %get3A_223, %mul3A_225 : vector<16xf32>
        %swap3A_227 = arith.index_cast %add3A_209 : i32 to index
        %swap3A_228 = arith.constant 16 : index
        %swap3A_229 = tpu.vector_load %arg6[%swap3A_227, %swap3A_228] {strides = array<i32>} : memref<128x128xf32, #tpu.memory_space<vmem>>, vector<1x16xf32>,
        %swap3A_230 = vector.shape_cast %swap3A_229 : vector<1x16xf32> to vector<16xf32>
        %swap3A_231 = vector.shape_cast %mul3A_226 : vector<16xf32> to vector<1x16xf32>
        tpu.vector_store %arg6[%swap3A_227, %swap3A_228], %swap3A_231 {strides = array<i32>} : memref<128x128xf32, #tpu.memory_space<vmem>>, vector<1x16xf32>,
        %get3A_232 = arith.index_cast %add3A_209 : i32 to index
        %get3A_233 = arith.constant 32 : index
        %get3A_234 = tpu.vector_load %arg6[%get3A_232, %get3A_233] {strides = array<i32>} : memref<128x128xf32, #tpu.memory_space<vmem>>, vector<1x16xf32>,
        %get3A_235 = vector.shape_cast %get3A_234 : vector<1x16xf32> to vector<16xf32>
        %mul3A_236 = arith.constant 11.3137083 : f32
        %mul3A_237 = vector.broadcast %mul3A_236 : f32 to vector<16xf32>
        %mul3A_238 = arith.mulf %get3A_235, %mul3A_237 : vector<16xf32>
        %swap3A_239 = arith.index_cast %add3A_209 : i32 to index
        %swap3A_240 = arith.constant 32 : index
        %swap3A_241 = tpu.vector_load %arg6[%swap3A_239, %swap3A_240] {strides = array<i32>} : memref<128x128xf32, #tpu.memory_space<vmem>>, vector<1x16xf32>,
        %swap3A_242 = vector.shape_cast %swap3A_241 : vector<1x16xf32> to vector<16xf32>
        %swap3A_243 = vector.shape_cast %mul3A_238 : vector<16xf32> to vector<1x16xf32>
        tpu.vector_store %arg6[%swap3A_239, %swap3A_240], %swap3A_243 {strides = array<i32>} : memref<128x128xf32, #tpu.memory_space<vmem>>, vector<1x16xf32>,
        %get3A_244 = arith.index_cast %add3A_209 : i32 to index
        %get3A_245 = arith.constant 48 : index
        %get3A_246 = tpu.vector_load %arg6[%get3A_244, %get3A_245] {strides = array<i32>} : memref<128x128xf32, #tpu.memory_space<vmem>>, vector<1x16xf32>,
        %get3A_247 = vector.shape_cast %get3A_246 : vector<1x16xf32> to vector<16xf32>
        %mul3A_248 = arith.constant 11.3137083 : f32
        %mul3A_249 = vector.broadcast %mul3A_248 : f32 to vector<16xf32>
        %mul3A_250 = arith.mulf %get3A_247, %mul3A_249 : vector<16xf32>
        %swap3A_251 = arith.index_cast %add3A_209 : i32 to index
        %swap3A_252 = arith.constant 48 : index
        %swap3A_253 = tpu.vector_load %arg6[%swap3A_251, %swap3A_252] {strides = array<i32>} : memref<128x128xf32, #tpu.memory_space<vmem>>, vector<1x16xf32>,
        %swap3A_254 = vector.shape_cast %swap3A_253 : vector<1x16xf32> to vector<16xf32>
        %swap3A_255 = vector.shape_cast %mul3A_250 : vector<16xf32> to vector<1x16xf32>
        tpu.vector_store %arg6[%swap3A_251, %swap3A_252], %swap3A_255 {strides = array<i32>} : memref<128x128xf32, #tpu.memory_space<vmem>>, vector<1x16xf32>,
        %get3A_256 = arith.index_cast %add3A_209 : i32 to index
        %get3A_257 = arith.constant 64 : index
        %get3A_258 = tpu.vector_load %arg6[%get3A_256, %get3A_257] {strides = array<i32>} : memref<128x128xf32, #tpu.memory_space<vmem>>, vector<1x16xf32>,
        %get3A_259 = vector.shape_cast %get3A_258 : vector<1x16xf32> to vector<16xf32>
        %mul3A_260 = arith.constant 11.3137083 : f32
        %mul3A_261 = vector.broadcast %mul3A_260 : f32 to vector<16xf32>
        %mul3A_262 = arith.mulf %get3A_259, %mul3A_261 : vector<16xf32>
        %swap3A_263 = arith.index_cast %add3A_209 : i32 to index
        %swap3A_264 = arith.constant 64 : index
        %swap3A_265 = tpu.vector_load %arg6[%swap3A_263, %swap3A_264] {strides = array<i32>} : memref<128x128xf32, #tpu.memory_space<vmem>>, vector<1x16xf32>,
        %swap3A_266 = vector.shape_cast %swap3A_265 : vector<1x16xf32> to vector<16xf32>
        %swap3A_267 = vector.shape_cast %mul3A_262 : vector<16xf32> to vector<1x16xf32>
        tpu.vector_store %arg6[%swap3A_263, %swap3A_264], %swap3A_267 {strides = array<i32>} : memref<128x128xf32, #tpu.memory_space<vmem>>, vector<1x16xf32>,
        %get3A_268 = arith.index_cast %add3A_209 : i32 to index
        %get3A_269 = arith.constant 80 : index
        %get3A_270 = tpu.vector_load %arg6[%get3A_268, %get3A_269] {strides = array<i32>} : memref<128x128xf32, #tpu.memory_space<vmem>>, vector<1x16xf32>,
        %get3A_271 = vector.shape_cast %get3A_270 : vector<1x16xf32> to vector<16xf32>
        %mul3A_272 = arith.constant 11.3137083 : f32
        %mul3A_273 = vector.broadcast %mul3A_272 : f32 to vector<16xf32>
        %mul3A_274 = arith.mulf %get3A_271, %mul3A_273 : vector<16xf32>
        %swap3A_275 = arith.index_cast %add3A_209 : i32 to index
        %swap3A_276 = arith.constant 80 : index
        %swap3A_277 = tpu.vector_load %arg6[%swap3A_275, %swap3A_276] {strides = array<i32>} : memref<128x128xf32, #tpu.memory_space<vmem>>, vector<1x16xf32>,
        %swap3A_278 = vector.shape_cast %swap3A_277 : vector<1x16xf32> to vector<16xf32>
        %swap3A_279 = vector.shape_cast %mul3A_274 : vector<16xf32> to vector<1x16xf32>
        tpu.vector_store %arg6[%swap3A_275, %swap3A_276], %swap3A_279 {strides = array<i32>} : memref<128x128xf32, #tpu.memory_space<vmem>>, vector<1x16xf32>,
        %get3A_280 = arith.index_cast %add3A_209 : i32 to index
        %get3A_281 = arith.constant 96 : index
        %get3A_282 = tpu.vector_load %arg6[%get3A_280, %get3A_281] {strides = array<i32>} : memref<128x128xf32, #tpu.memory_space<vmem>>, vector<1x16xf32>,
        %get3A_283 = vector.shape_cast %get3A_282 : vector<1x16xf32> to vector<16xf32>
        %mul3A_284 = arith.constant 11.3137083 : f32
        %mul3A_285 = vector.broadcast %mul3A_284 : f32 to vector<16xf32>
        %mul3A_286 = arith.mulf %get3A_283, %mul3A_285 : vector<16xf32>
        %swap3A_287 = arith.index_cast %add3A_209 : i32 to index
        %swap3A_288 = arith.constant 96 : index
        %swap3A_289 = tpu.vector_load %arg6[%swap3A_287, %swap3A_288] {strides = array<i32>} : memref<128x128xf32, #tpu.memory_space<vmem>>, vector<1x16xf32>,
        %swap3A_290 = vector.shape_cast %swap3A_289 : vector<1x16xf32> to vector<16xf32>
        %swap3A_291 = vector.shape_cast %mul3A_286 : vector<16xf32> to vector<1x16xf32>
        tpu.vector_store %arg6[%swap3A_287, %swap3A_288], %swap3A_291 {strides = array<i32>} : memref<128x128xf32, #tpu.memory_space<vmem>>, vector<1x16xf32>,
        %get3A_292 = arith.index_cast %add3A_209 : i32 to index
        %get3A_293 = arith.constant 112 : index
        %get3A_294 = tpu.vector_load %arg6[%get3A_292, %get3A_293] {strides = array<i32>} : memref<128x128xf32, #tpu.memory_space<vmem>>, vector<1x16xf32>,
        %get3A_295 = vector.shape_cast %get3A_294 : vector<1x16xf32> to vector<16xf32>
        %mul3A_296 = arith.constant 11.3137083 : f32
        %mul3A_297 = vector.broadcast %mul3A_296 : f32 to vector<16xf32>
        %mul3A_298 = arith.mulf %get3A_295, %mul3A_297 : vector<16xf32>
        %swap3A_299 = arith.index_cast %add3A_209 : i32 to index
        %swap3A_300 = arith.constant 112 : index
        %swap3A_301 = tpu.vector_load %arg6[%swap3A_299, %swap3A_300] {strides = array<i32>} : memref<128x128xf32, #tpu.memory_space<vmem>>, vector<1x16xf32>,
        %swap3A_302 = vector.shape_cast %swap3A_301 : vector<1x16xf32> to vector<16xf32>
        %swap3A_303 = vector.shape_cast %mul3A_298 : vector<16xf32> to vector<1x16xf32>
        tpu.vector_store %arg6[%swap3A_299, %swap3A_300], %swap3A_303 {strides = array<i32>} : memref<128x128xf32, #tpu.memory_space<vmem>>, vector<1x16xf32>,
        %mul3A_304 = arith.constant 4 : i32
        %mul3A_305 = arith.muli %scan3A_205, %mul3A_304 : i32
        %add3A_306 = arith.constant 1 : i32
        %add3A_307 = arith.addi %mul3A_305, %add3A_306 : i32
        %get3A_308 = arith.index_cast %add3A_307 : i32 to index
        %get3A_309 = arith.constant 0 : index
        %get3A_310 = tpu.vector_load %arg6[%get3A_308, %get3A_309] {strides = array<i32>} : memref<128x128xf32, #tpu.memory_space<vmem>>, vector<1x16xf32>,
        %get3A_311 = vector.shape_cast %get3A_310 : vector<1x16xf32> to vector<16xf32>
        %mul3A_312 = arith.constant 11.3137083 : f32
        %mul3A_313 = vector.broadcast %mul3A_312 : f32 to vector<16xf32>
        %mul3A_314 = arith.mulf %get3A_311, %mul3A_313 : vector<16xf32>
        %swap3A_315 = arith.index_cast %add3A_307 : i32 to index
        %swap3A_316 = arith.constant 0 : index
        %swap3A_317 = tpu.vector_load %arg6[%swap3A_315, %swap3A_316] {strides = array<i32>} : memref<128x128xf32, #tpu.memory_space<vmem>>, vector<1x16xf32>,
        %swap3A_318 = vector.shape_cast %swap3A_317 : vector<1x16xf32> to vector<16xf32>
        %swap3A_319 = vector.shape_cast %mul3A_314 : vector<16xf32> to vector<1x16xf32>
        tpu.vector_store %arg6[%swap3A_315, %swap3A_316], %swap3A_319 {strides = array<i32>} : memref<128x128xf32, #tpu.memory_space<vmem>>, vector<1x16xf32>,
        %get3A_320 = arith.index_cast %add3A_307 : i32 to index
        %get3A_321 = arith.constant 16 : index
        %get3A_322 = tpu.vector_load %arg6[%get3A_320, %get3A_321] {strides = array<i32>} : memref<128x128xf32, #tpu.memory_space<vmem>>, vector<1x16xf32>,
        %get3A_323 = vector.shape_cast %get3A_322 : vector<1x16xf32> to vector<16xf32>
        %mul3A_324 = arith.constant 11.3137083 : f32
        %mul3A_325 = vector.broadcast %mul3A_324 : f32 to vector<16xf32>
        %mul3A_326 = arith.mulf %get3A_323, %mul3A_325 : vector<16xf32>
        %swap3A_327 = arith.index_cast %add3A_307 : i32 to index
        %swap3A_328 = arith.constant 16 : index
        %swap3A_329 = tpu.vector_load %arg6[%swap3A_327, %swap3A_328] {strides = array<i32>} : memref<128x128xf32, #tpu.memory_space<vmem>>, vector<1x16xf32>,
        %swap3A_330 = vector.shape_cast %swap3A_329 : vector<1x16xf32> to vector<16xf32>
        %swap3A_331 = vector.shape_cast %mul3A_326 : vector<16xf32> to vector<1x16xf32>
        tpu.vector_store %arg6[%swap3A_327, %swap3A_328], %swap3A_331 {strides = array<i32>} : memref<128x128xf32, #tpu.memory_space<vmem>>, vector<1x16xf32>,
        %get3A_332 = arith.index_cast %add3A_307 : i32 to index
        %get3A_333 = arith.constant 32 : index
        %get3A_334 = tpu.vector_load %arg6[%get3A_332, %get3A_333] {strides = array<i32>} : memref<128x128xf32, #tpu.memory_space<vmem>>, vector<1x16xf32>,
        %get3A_335 = vector.shape_cast %get3A_334 : vector<1x16xf32> to vector<16xf32>
        %mul3A_336 = arith.constant 11.3137083 : f32
        %mul3A_337 = vector.broadcast %mul3A_336 : f32 to vector<16xf32>
        %mul3A_338 = arith.mulf %get3A_335, %mul3A_337 : vector<16xf32>
        %swap3A_339 = arith.index_cast %add3A_307 : i32 to index
        %swap3A_340 = arith.constant 32 : index
        %swap3A_341 = tpu.vector_load %arg6[%swap3A_339, %swap3A_340] {strides = array<i32>} : memref<128x128xf32, #tpu.memory_space<vmem>>, vector<1x16xf32>,
        %swap3A_342 = vector.shape_cast %swap3A_341 : vector<1x16xf32> to vector<16xf32>
        %swap3A_343 = vector.shape_cast %mul3A_338 : vector<16xf32> to vector<1x16xf32>
        tpu.vector_store %arg6[%swap3A_339, %swap3A_340], %swap3A_343 {strides = array<i32>} : memref<128x128xf32, #tpu.memory_space<vmem>>, vector<1x16xf32>,
        %get3A_344 = arith.index_cast %add3A_307 : i32 to index
        %get3A_345 = arith.constant 48 : index
        %get3A_346 = tpu.vector_load %arg6[%get3A_344, %get3A_345] {strides = array<i32>} : memref<128x128xf32, #tpu.memory_space<vmem>>, vector<1x16xf32>,
        %get3A_347 = vector.shape_cast %get3A_346 : vector<1x16xf32> to vector<16xf32>
        %mul3A_348 = arith.constant 11.3137083 : f32
        %mul3A_349 = vector.broadcast %mul3A_348 : f32 to vector<16xf32>
        %mul3A_350 = arith.mulf %get3A_347, %mul3A_349 : vector<16xf32>
        %swap3A_351 = arith.index_cast %add3A_307 : i32 to index
        %swap3A_352 = arith.constant 48 : index
        %swap3A_353 = tpu.vector_load %arg6[%swap3A_351, %swap3A_352] {strides = array<i32>} : memref<128x128xf32, #tpu.memory_space<vmem>>, vector<1x16xf32>,
        %swap3A_354 = vector.shape_cast %swap3A_353 : vector<1x16xf32> to vector<16xf32>
        %swap3A_355 = vector.shape_cast %mul3A_350 : vector<16xf32> to vector<1x16xf32>
        tpu.vector_store %arg6[%swap3A_351, %swap3A_352], %swap3A_355 {strides = array<i32>} : memref<128x128xf32, #tpu.memory_space<vmem>>, vector<1x16xf32>,
        %get3A_356 = arith.index_cast %add3A_307 : i32 to index
        %get3A_357 = arith.constant 64 : index
        %get3A_358 = tpu.vector_load %arg6[%get3A_356, %get3A_357] {strides = array<i32>} : memref<128x128xf32, #tpu.memory_space<vmem>>, vector<1x16xf32>,
        %get3A_359 = vector.shape_cast %get3A_358 : vector<1x16xf32> to vector<16xf32>
        %mul3A_360 = arith.constant 11.3137083 : f32
        %mul3A_361 = vector.broadcast %mul3A_360 : f32 to vector<16xf32>
        %mul3A_362 = arith.mulf %get3A_359, %mul3A_361 : vector<16xf32>
        %swap3A_363 = arith.index_cast %add3A_307 : i32 to index
        %swap3A_364 = arith.constant 64 : index
        %swap3A_365 = tpu.vector_load %arg6[%swap3A_363, %swap3A_364] {strides = array<i32>} : memref<128x128xf32, #tpu.memory_space<vmem>>, vector<1x16xf32>,
        %swap3A_366 = vector.shape_cast %swap3A_365 : vector<1x16xf32> to vector<16xf32>
        %swap3A_367 = vector.shape_cast %mul3A_362 : vector<16xf32> to vector<1x16xf32>
        tpu.vector_store %arg6[%swap3A_363, %swap3A_364], %swap3A_367 {strides = array<i32>} : memref<128x128xf32, #tpu.memory_space<vmem>>, vector<1x16xf32>,
        %get3A_368 = arith.index_cast %add3A_307 : i32 to index
        %get3A_369 = arith.constant 80 : index
        %get3A_370 = tpu.vector_load %arg6[%get3A_368, %get3A_369] {strides = array<i32>} : memref<128x128xf32, #tpu.memory_space<vmem>>, vector<1x16xf32>,
        %get3A_371 = vector.shape_cast %get3A_370 : vector<1x16xf32> to vector<16xf32>
        %mul3A_372 = arith.constant 11.3137083 : f32
        %mul3A_373 = vector.broadcast %mul3A_372 : f32 to vector<16xf32>
        %mul3A_374 = arith.mulf %get3A_371, %mul3A_373 : vector<16xf32>
        %swap3A_375 = arith.index_cast %add3A_307 : i32 to index
        %swap3A_376 = arith.constant 80 : index
        %swap3A_377 = tpu.vector_load %arg6[%swap3A_375, %swap3A_376] {strides = array<i32>} : memref<128x128xf32, #tpu.memory_space<vmem>>, vector<1x16xf32>,
        %swap3A_378 = vector.shape_cast %swap3A_377 : vector<1x16xf32> to vector<16xf32>
        %swap3A_379 = vector.shape_cast %mul3A_374 : vector<16xf32> to vector<1x16xf32>
        tpu.vector_store %arg6[%swap3A_375, %swap3A_376], %swap3A_379 {strides = array<i32>} : memref<128x128xf32, #tpu.memory_space<vmem>>, vector<1x16xf32>,
        %get3A_380 = arith.index_cast %add3A_307 : i32 to index
        %get3A_381 = arith.constant 96 : index
        %get3A_382 = tpu.vector_load %arg6[%get3A_380, %get3A_381] {strides = array<i32>} : memref<128x128xf32, #tpu.memory_space<vmem>>, vector<1x16xf32>,
        %get3A_383 = vector.shape_cast %get3A_382 : vector<1x16xf32> to vector<16xf32>
        %mul3A_384 = arith.constant 11.3137083 : f32
        %mul3A_385 = vector.broadcast %mul3A_384 : f32 to vector<16xf32>
        %mul3A_386 = arith.mulf %get3A_383, %mul3A_385 : vector<16xf32>
        %swap3A_387 = arith.index_cast %add3A_307 : i32 to index
        %swap3A_388 = arith.constant 96 : index
        %swap3A_389 = tpu.vector_load %arg6[%swap3A_387, %swap3A_388] {strides = array<i32>} : memref<128x128xf32, #tpu.memory_space<vmem>>, vector<1x16xf32>,
        %swap3A_390 = vector.shape_cast %swap3A_389 : vector<1x16xf32> to vector<16xf32>
        %swap3A_391 = vector.shape_cast %mul3A_386 : vector<16xf32> to vector<1x16xf32>
        tpu.vector_store %arg6[%swap3A_387, %swap3A_388], %swap3A_391 {strides = array<i32>} : memref<128x128xf32, #tpu.memory_space<vmem>>, vector<1x16xf32>,
        %get3A_392 = arith.index_cast %add3A_307 : i32 to index
        %get3A_393 = arith.constant 112 : index
        %get3A_394 = tpu.vector_load %arg6[%get3A_392, %get3A_393] {strides = array<i32>} : memref<128x128xf32, #tpu.memory_space<vmem>>, vector<1x16xf32>,
        %get3A_395 = vector.shape_cast %get3A_394 : vector<1x16xf32> to vector<16xf32>
        %mul3A_396 = arith.constant 11.3137083 : f32
        %mul3A_397 = vector.broadcast %mul3A_396 : f32 to vector<16xf32>
        %mul3A_398 = arith.mulf %get3A_395, %mul3A_397 : vector<16xf32>
        %swap3A_399 = arith.index_cast %add3A_307 : i32 to index
        %swap3A_400 = arith.constant 112 : index
        %swap3A_401 = tpu.vector_load %arg6[%swap3A_399, %swap3A_400] {strides = array<i32>} : memref<128x128xf32, #tpu.memory_space<vmem>>, vector<1x16xf32>,
        %swap3A_402 = vector.shape_cast %swap3A_401 : vector<1x16xf32> to vector<16xf32>
        %swap3A_403 = vector.shape_cast %mul3A_398 : vector<16xf32> to vector<1x16xf32>
        tpu.vector_store %arg6[%swap3A_399, %swap3A_400], %swap3A_403 {strides = array<i32>} : memref<128x128xf32, #tpu.memory_space<vmem>>, vector<1x16xf32>,
        %mul3A_404 = arith.constant 4 : i32
        %mul3A_405 = arith.muli %scan3A_205, %mul3A_404 : i32
        %add3A_406 = arith.constant 2 : i32
        %add3A_407 = arith.addi %mul3A_405, %add3A_406 : i32
        %get3A_408 = arith.index_cast %add3A_407 : i32 to index
        %get3A_409 = arith.constant 0 : index
        %get3A_410 = tpu.vector_load %arg6[%get3A_408, %get3A_409] {strides = array<i32>} : memref<128x128xf32, #tpu.memory_space<vmem>>, vector<1x16xf32>,
        %get3A_411 = vector.shape_cast %get3A_410 : vector<1x16xf32> to vector<16xf32>
        %mul3A_412 = arith.constant 11.3137083 : f32
        %mul3A_413 = vector.broadcast %mul3A_412 : f32 to vector<16xf32>
        %mul3A_414 = arith.mulf %get3A_411, %mul3A_413 : vector<16xf32>
        %swap3A_415 = arith.index_cast %add3A_407 : i32 to index
        %swap3A_416 = arith.constant 0 : index
        %swap3A_417 = tpu.vector_load %arg6[%swap3A_415, %swap3A_416] {strides = array<i32>} : memref<128x128xf32, #tpu.memory_space<vmem>>, vector<1x16xf32>,
        %swap3A_418 = vector.shape_cast %swap3A_417 : vector<1x16xf32> to vector<16xf32>
        %swap3A_419 = vector.shape_cast %mul3A_414 : vector<16xf32> to vector<1x16xf32>
        tpu.vector_store %arg6[%swap3A_415, %swap3A_416], %swap3A_419 {strides = array<i32>} : memref<128x128xf32, #tpu.memory_space<vmem>>, vector<1x16xf32>,
        %get3A_420 = arith.index_cast %add3A_407 : i32 to index
        %get3A_421 = arith.constant 16 : index
        %get3A_422 = tpu.vector_load %arg6[%get3A_420, %get3A_421] {strides = array<i32>} : memref<128x128xf32, #tpu.memory_space<vmem>>, vector<1x16xf32>,
        %get3A_423 = vector.shape_cast %get3A_422 : vector<1x16xf32> to vector<16xf32>
        %mul3A_424 = arith.constant 11.3137083 : f32
        %mul3A_425 = vector.broadcast %mul3A_424 : f32 to vector<16xf32>
        %mul3A_426 = arith.mulf %get3A_423, %mul3A_425 : vector<16xf32>
        %swap3A_427 = arith.index_cast %add3A_407 : i32 to index
        %swap3A_428 = arith.constant 16 : index
        %swap3A_429 = tpu.vector_load %arg6[%swap3A_427, %swap3A_428] {strides = array<i32>} : memref<128x128xf32, #tpu.memory_space<vmem>>, vector<1x16xf32>,
        %swap3A_430 = vector.shape_cast %swap3A_429 : vector<1x16xf32> to vector<16xf32>
        %swap3A_431 = vector.shape_cast %mul3A_426 : vector<16xf32> to vector<1x16xf32>
        tpu.vector_store %arg6[%swap3A_427, %swap3A_428], %swap3A_431 {strides = array<i32>} : memref<128x128xf32, #tpu.memory_space<vmem>>, vector<1x16xf32>,
        %get3A_432 = arith.index_cast %add3A_407 : i32 to index
        %get3A_433 = arith.constant 32 : index
        %get3A_434 = tpu.vector_load %arg6[%get3A_432, %get3A_433] {strides = array<i32>} : memref<128x128xf32, #tpu.memory_space<vmem>>, vector<1x16xf32>,
        %get3A_435 = vector.shape_cast %get3A_434 : vector<1x16xf32> to vector<16xf32>
        %mul3A_436 = arith.constant 11.3137083 : f32
        %mul3A_437 = vector.broadcast %mul3A_436 : f32 to vector<16xf32>
        %mul3A_438 = arith.mulf %get3A_435, %mul3A_437 : vector<16xf32>
        %swap3A_439 = arith.index_cast %add3A_407 : i32 to index
        %swap3A_440 = arith.constant 32 : index
        %swap3A_441 = tpu.vector_load %arg6[%swap3A_439, %swap3A_440] {strides = array<i32>} : memref<128x128xf32, #tpu.memory_space<vmem>>, vector<1x16xf32>,
        %swap3A_442 = vector.shape_cast %swap3A_441 : vector<1x16xf32> to vector<16xf32>
        %swap3A_443 = vector.shape_cast %mul3A_438 : vector<16xf32> to vector<1x16xf32>
        tpu.vector_store %arg6[%swap3A_439, %swap3A_440], %swap3A_443 {strides = array<i32>} : memref<128x128xf32, #tpu.memory_space<vmem>>, vector<1x16xf32>,
        %get3A_444 = arith.index_cast %add3A_407 : i32 to index
        %get3A_445 = arith.constant 48 : index
        %get3A_446 = tpu.vector_load %arg6[%get3A_444, %get3A_445] {strides = array<i32>} : memref<128x128xf32, #tpu.memory_space<vmem>>, vector<1x16xf32>,
        %get3A_447 = vector.shape_cast %get3A_446 : vector<1x16xf32> to vector<16xf32>
        %mul3A_448 = arith.constant 11.3137083 : f32
        %mul3A_449 = vector.broadcast %mul3A_448 : f32 to vector<16xf32>
        %mul3A_450 = arith.mulf %get3A_447, %mul3A_449 : vector<16xf32>
        %swap3A_451 = arith.index_cast %add3A_407 : i32 to index
        %swap3A_452 = arith.constant 48 : index
        %swap3A_453 = tpu.vector_load %arg6[%swap3A_451, %swap3A_452] {strides = array<i32>} : memref<128x128xf32, #tpu.memory_space<vmem>>, vector<1x16xf32>,
        %swap3A_454 = vector.shape_cast %swap3A_453 : vector<1x16xf32> to vector<16xf32>
        %swap3A_455 = vector.shape_cast %mul3A_450 : vector<16xf32> to vector<1x16xf32>
        tpu.vector_store %arg6[%swap3A_451, %swap3A_452], %swap3A_455 {strides = array<i32>} : memref<128x128xf32, #tpu.memory_space<vmem>>, vector<1x16xf32>,
        %get3A_456 = arith.index_cast %add3A_407 : i32 to index
        %get3A_457 = arith.constant 64 : index
        %get3A_458 = tpu.vector_load %arg6[%get3A_456, %get3A_457] {strides = array<i32>} : memref<128x128xf32, #tpu.memory_space<vmem>>, vector<1x16xf32>,
        %get3A_459 = vector.shape_cast %get3A_458 : vector<1x16xf32> to vector<16xf32>
        %mul3A_460 = arith.constant 11.3137083 : f32
        %mul3A_461 = vector.broadcast %mul3A_460 : f32 to vector<16xf32>
        %mul3A_462 = arith.mulf %get3A_459, %mul3A_461 : vector<16xf32>
        %swap3A_463 = arith.index_cast %add3A_407 : i32 to index
        %swap3A_464 = arith.constant 64 : index
        %swap3A_465 = tpu.vector_load %arg6[%swap3A_463, %swap3A_464] {strides = array<i32>} : memref<128x128xf32, #tpu.memory_space<vmem>>, vector<1x16xf32>,
        %swap3A_466 = vector.shape_cast %swap3A_465 : vector<1x16xf32> to vector<16xf32>
        %swap3A_467 = vector.shape_cast %mul3A_462 : vector<16xf32> to vector<1x16xf32>
        tpu.vector_store %arg6[%swap3A_463, %swap3A_464], %swap3A_467 {strides = array<i32>} : memref<128x128xf32, #tpu.memory_space<vmem>>, vector<1x16xf32>,
        %get3A_468 = arith.index_cast %add3A_407 : i32 to index
        %get3A_469 = arith.constant 80 : index
        %get3A_470 = tpu.vector_load %arg6[%get3A_468, %get3A_469] {strides = array<i32>} : memref<128x128xf32, #tpu.memory_space<vmem>>, vector<1x16xf32>,
        %get3A_471 = vector.shape_cast %get3A_470 : vector<1x16xf32> to vector<16xf32>
        %mul3A_472 = arith.constant 11.3137083 : f32
        %mul3A_473 = vector.broadcast %mul3A_472 : f32 to vector<16xf32>
        %mul3A_474 = arith.mulf %get3A_471, %mul3A_473 : vector<16xf32>
        %swap3A_475 = arith.index_cast %add3A_407 : i32 to index
        %swap3A_476 = arith.constant 80 : index
        %swap3A_477 = tpu.vector_load %arg6[%swap3A_475, %swap3A_476] {strides = array<i32>} : memref<128x128xf32, #tpu.memory_space<vmem>>, vector<1x16xf32>,
        %swap3A_478 = vector.shape_cast %swap3A_477 : vector<1x16xf32> to vector<16xf32>
        %swap3A_479 = vector.shape_cast %mul3A_474 : vector<16xf32> to vector<1x16xf32>
        tpu.vector_store %arg6[%swap3A_475, %swap3A_476], %swap3A_479 {strides = array<i32>} : memref<128x128xf32, #tpu.memory_space<vmem>>, vector<1x16xf32>,
        %get3A_480 = arith.index_cast %add3A_407 : i32 to index
        %get3A_481 = arith.constant 96 : index
        %get3A_482 = tpu.vector_load %arg6[%get3A_480, %get3A_481] {strides = array<i32>} : memref<128x128xf32, #tpu.memory_space<vmem>>, vector<1x16xf32>,
        %get3A_483 = vector.shape_cast %get3A_482 : vector<1x16xf32> to vector<16xf32>
        %mul3A_484 = arith.constant 11.3137083 : f32
        %mul3A_485 = vector.broadcast %mul3A_484 : f32 to vector<16xf32>
        %mul3A_486 = arith.mulf %get3A_483, %mul3A_485 : vector<16xf32>
        %swap3A_487 = arith.index_cast %add3A_407 : i32 to index
        %swap3A_488 = arith.constant 96 : index
        %swap3A_489 = tpu.vector_load %arg6[%swap3A_487, %swap3A_488] {strides = array<i32>} : memref<128x128xf32, #tpu.memory_space<vmem>>, vector<1x16xf32>,
        %swap3A_490 = vector.shape_cast %swap3A_489 : vector<1x16xf32> to vector<16xf32>
        %swap3A_491 = vector.shape_cast %mul3A_486 : vector<16xf32> to vector<1x16xf32>
        tpu.vector_store %arg6[%swap3A_487, %swap3A_488], %swap3A_491 {strides = array<i32>} : memref<128x128xf32, #tpu.memory_space<vmem>>, vector<1x16xf32>,
        %get3A_492 = arith.index_cast %add3A_407 : i32 to index
        %get3A_493 = arith.constant 112 : index
        %get3A_494 = tpu.vector_load %arg6[%get3A_492, %get3A_493] {strides = array<i32>} : memref<128x128xf32, #tpu.memory_space<vmem>>, vector<1x16xf32>,
        %get3A_495 = vector.shape_cast %get3A_494 : vector<1x16xf32> to vector<16xf32>
        %mul3A_496 = arith.constant 11.3137083 : f32
        %mul3A_497 = vector.broadcast %mul3A_496 : f32 to vector<16xf32>
        %mul3A_498 = arith.mulf %get3A_495, %mul3A_497 : vector<16xf32>
        %swap3A_499 = arith.index_cast %add3A_407 : i32 to index
        %swap3A_500 = arith.constant 112 : index
        %swap3A_501 = tpu.vector_load %arg6[%swap3A_499, %swap3A_500] {strides = array<i32>} : memref<128x128xf32, #tpu.memory_space<vmem>>, vector<1x16xf32>,
        %swap3A_502 = vector.shape_cast %swap3A_501 : vector<1x16xf32> to vector<16xf32>
        %swap3A_503 = vector.shape_cast %mul3A_498 : vector<16xf32> to vector<1x16xf32>
        tpu.vector_store %arg6[%swap3A_499, %swap3A_500], %swap3A_503 {strides = array<i32>} : memref<128x128xf32, #tpu.memory_space<vmem>>, vector<1x16xf32>,
        %mul3A_504 = arith.constant 4 : i32
        %mul3A_505 = arith.muli %scan3A_205, %mul3A_504 : i32
        %add3A_506 = arith.constant 3 : i32
        %add3A_507 = arith.addi %mul3A_505, %add3A_506 : i32
        %get3A_508 = arith.index_cast %add3A_507 : i32 to index
        %get3A_509 = arith.constant 0 : index
        %get3A_510 = tpu.vector_load %arg6[%get3A_508, %get3A_509] {strides = array<i32>} : memref<128x128xf32, #tpu.memory_space<vmem>>, vector<1x16xf32>,
        %get3A_511 = vector.shape_cast %get3A_510 : vector<1x16xf32> to vector<16xf32>
        %mul3A_512 = arith.constant 11.3137083 : f32
        %mul3A_513 = vector.broadcast %mul3A_512 : f32 to vector<16xf32>
        %mul3A_514 = arith.mulf %get3A_511, %mul3A_513 : vector<16xf32>
        %swap3A_515 = arith.index_cast %add3A_507 : i32 to index
        %swap3A_516 = arith.constant 0 : index
        %swap3A_517 = tpu.vector_load %arg6[%swap3A_515, %swap3A_516] {strides = array<i32>} : memref<128x128xf32, #tpu.memory_space<vmem>>, vector<1x16xf32>,
        %swap3A_518 = vector.shape_cast %swap3A_517 : vector<1x16xf32> to vector<16xf32>
        %swap3A_519 = vector.shape_cast %mul3A_514 : vector<16xf32> to vector<1x16xf32>
        tpu.vector_store %arg6[%swap3A_515, %swap3A_516], %swap3A_519 {strides = array<i32>} : memref<128x128xf32, #tpu.memory_space<vmem>>, vector<1x16xf32>,
        %get3A_520 = arith.index_cast %add3A_507 : i32 to index
        %get3A_521 = arith.constant 16 : index
        %get3A_522 = tpu.vector_load %arg6[%get3A_520, %get3A_521] {strides = array<i32>} : memref<128x128xf32, #tpu.memory_space<vmem>>, vector<1x16xf32>,
        %get3A_523 = vector.shape_cast %get3A_522 : vector<1x16xf32> to vector<16xf32>
        %mul3A_524 = arith.constant 11.3137083 : f32
        %mul3A_525 = vector.broadcast %mul3A_524 : f32 to vector<16xf32>
        %mul3A_526 = arith.mulf %get3A_523, %mul3A_525 : vector<16xf32>
        %swap3A_527 = arith.index_cast %add3A_507 : i32 to index
        %swap3A_528 = arith.constant 16 : index
        %swap3A_529 = tpu.vector_load %arg6[%swap3A_527, %swap3A_528] {strides = array<i32>} : memref<128x128xf32, #tpu.memory_space<vmem>>, vector<1x16xf32>,
        %swap3A_530 = vector.shape_cast %swap3A_529 : vector<1x16xf32> to vector<16xf32>
        %swap3A_531 = vector.shape_cast %mul3A_526 : vector<16xf32> to vector<1x16xf32>
        tpu.vector_store %arg6[%swap3A_527, %swap3A_528], %swap3A_531 {strides = array<i32>} : memref<128x128xf32, #tpu.memory_space<vmem>>, vector<1x16xf32>,
        %get3A_532 = arith.index_cast %add3A_507 : i32 to index
        %get3A_533 = arith.constant 32 : index
        %get3A_534 = tpu.vector_load %arg6[%get3A_532, %get3A_533] {strides = array<i32>} : memref<128x128xf32, #tpu.memory_space<vmem>>, vector<1x16xf32>,
        %get3A_535 = vector.shape_cast %get3A_534 : vector<1x16xf32> to vector<16xf32>
        %mul3A_536 = arith.constant 11.3137083 : f32
        %mul3A_537 = vector.broadcast %mul3A_536 : f32 to vector<16xf32>
        %mul3A_538 = arith.mulf %get3A_535, %mul3A_537 : vector<16xf32>
        %swap3A_539 = arith.index_cast %add3A_507 : i32 to index
        %swap3A_540 = arith.constant 32 : index
        %swap3A_541 = tpu.vector_load %arg6[%swap3A_539, %swap3A_540] {strides = array<i32>} : memref<128x128xf32, #tpu.memory_space<vmem>>, vector<1x16xf32>,
        %swap3A_542 = vector.shape_cast %swap3A_541 : vector<1x16xf32> to vector<16xf32>
        %swap3A_543 = vector.shape_cast %mul3A_538 : vector<16xf32> to vector<1x16xf32>
        tpu.vector_store %arg6[%swap3A_539, %swap3A_540], %swap3A_543 {strides = array<i32>} : memref<128x128xf32, #tpu.memory_space<vmem>>, vector<1x16xf32>,
        %get3A_544 = arith.index_cast %add3A_507 : i32 to index
        %get3A_545 = arith.constant 48 : index
        %get3A_546 = tpu.vector_load %arg6[%get3A_544, %get3A_545] {strides = array<i32>} : memref<128x128xf32, #tpu.memory_space<vmem>>, vector<1x16xf32>,
        %get3A_547 = vector.shape_cast %get3A_546 : vector<1x16xf32> to vector<16xf32>
        %mul3A_548 = arith.constant 11.3137083 : f32
        %mul3A_549 = vector.broadcast %mul3A_548 : f32 to vector<16xf32>
        %mul3A_550 = arith.mulf %get3A_547, %mul3A_549 : vector<16xf32>
        %swap3A_551 = arith.index_cast %add3A_507 : i32 to index
        %swap3A_552 = arith.constant 48 : index
        %swap3A_553 = tpu.vector_load %arg6[%swap3A_551, %swap3A_552] {strides = array<i32>} : memref<128x128xf32, #tpu.memory_space<vmem>>, vector<1x16xf32>,
        %swap3A_554 = vector.shape_cast %swap3A_553 : vector<1x16xf32> to vector<16xf32>
        %swap3A_555 = vector.shape_cast %mul3A_550 : vector<16xf32> to vector<1x16xf32>
        tpu.vector_store %arg6[%swap3A_551, %swap3A_552], %swap3A_555 {strides = array<i32>} : memref<128x128xf32, #tpu.memory_space<vmem>>, vector<1x16xf32>,
        %get3A_556 = arith.index_cast %add3A_507 : i32 to index
        %get3A_557 = arith.constant 64 : index
        %get3A_558 = tpu.vector_load %arg6[%get3A_556, %get3A_557] {strides = array<i32>} : memref<128x128xf32, #tpu.memory_space<vmem>>, vector<1x16xf32>,
        %get3A_559 = vector.shape_cast %get3A_558 : vector<1x16xf32> to vector<16xf32>
        %mul3A_560 = arith.constant 11.3137083 : f32
        %mul3A_561 = vector.broadcast %mul3A_560 : f32 to vector<16xf32>
        %mul3A_562 = arith.mulf %get3A_559, %mul3A_561 : vector<16xf32>
        %swap3A_563 = arith.index_cast %add3A_507 : i32 to index
        %swap3A_564 = arith.constant 64 : index
        %swap3A_565 = tpu.vector_load %arg6[%swap3A_563, %swap3A_564] {strides = array<i32>} : memref<128x128xf32, #tpu.memory_space<vmem>>, vector<1x16xf32>,
        %swap3A_566 = vector.shape_cast %swap3A_565 : vector<1x16xf32> to vector<16xf32>
        %swap3A_567 = vector.shape_cast %mul3A_562 : vector<16xf32> to vector<1x16xf32>
        tpu.vector_store %arg6[%swap3A_563, %swap3A_564], %swap3A_567 {strides = array<i32>} : memref<128x128xf32, #tpu.memory_space<vmem>>, vector<1x16xf32>,
        %get3A_568 = arith.index_cast %add3A_507 : i32 to index
        %get3A_569 = arith.constant 80 : index
        %get3A_570 = tpu.vector_load %arg6[%get3A_568, %get3A_569] {strides = array<i32>} : memref<128x128xf32, #tpu.memory_space<vmem>>, vector<1x16xf32>,
        %get3A_571 = vector.shape_cast %get3A_570 : vector<1x16xf32> to vector<16xf32>
        %mul3A_572 = arith.constant 11.3137083 : f32
        %mul3A_573 = vector.broadcast %mul3A_572 : f32 to vector<16xf32>
        %mul3A_574 = arith.mulf %get3A_571, %mul3A_573 : vector<16xf32>
        %swap3A_575 = arith.index_cast %add3A_507 : i32 to index
        %swap3A_576 = arith.constant 80 : index
        %swap3A_577 = tpu.vector_load %arg6[%swap3A_575, %swap3A_576] {strides = array<i32>} : memref<128x128xf32, #tpu.memory_space<vmem>>, vector<1x16xf32>,
        %swap3A_578 = vector.shape_cast %swap3A_577 : vector<1x16xf32> to vector<16xf32>
        %swap3A_579 = vector.shape_cast %mul3A_574 : vector<16xf32> to vector<1x16xf32>
        tpu.vector_store %arg6[%swap3A_575, %swap3A_576], %swap3A_579 {strides = array<i32>} : memref<128x128xf32, #tpu.memory_space<vmem>>, vector<1x16xf32>,
        %get3A_580 = arith.index_cast %add3A_507 : i32 to index
        %get3A_581 = arith.constant 96 : index
        %get3A_582 = tpu.vector_load %arg6[%get3A_580, %get3A_581] {strides = array<i32>} : memref<128x128xf32, #tpu.memory_space<vmem>>, vector<1x16xf32>,
        %get3A_583 = vector.shape_cast %get3A_582 : vector<1x16xf32> to vector<16xf32>
        %mul3A_584 = arith.constant 11.3137083 : f32
        %mul3A_585 = vector.broadcast %mul3A_584 : f32 to vector<16xf32>
        %mul3A_586 = arith.mulf %get3A_583, %mul3A_585 : vector<16xf32>
        %swap3A_587 = arith.index_cast %add3A_507 : i32 to index
        %swap3A_588 = arith.constant 96 : index
        %swap3A_589 = tpu.vector_load %arg6[%swap3A_587, %swap3A_588] {strides = array<i32>} : memref<128x128xf32, #tpu.memory_space<vmem>>, vector<1x16xf32>,
        %swap3A_590 = vector.shape_cast %swap3A_589 : vector<1x16xf32> to vector<16xf32>
        %swap3A_591 = vector.shape_cast %mul3A_586 : vector<16xf32> to vector<1x16xf32>
        tpu.vector_store %arg6[%swap3A_587, %swap3A_588], %swap3A_591 {strides = array<i32>} : memref<128x128xf32, #tpu.memory_space<vmem>>, vector<1x16xf32>,
        %get3A_592 = arith.index_cast %add3A_507 : i32 to index
        %get3A_593 = arith.constant 112 : index
        %get3A_594 = tpu.vector_load %arg6[%get3A_592, %get3A_593] {strides = array<i32>} : memref<128x128xf32, #tpu.memory_space<vmem>>, vector<1x16xf32>,
        %get3A_595 = vector.shape_cast %get3A_594 : vector<1x16xf32> to vector<16xf32>
        %mul3A_596 = arith.constant 11.3137083 : f32
        %mul3A_597 = vector.broadcast %mul3A_596 : f32 to vector<16xf32>
        %mul3A_598 = arith.mulf %get3A_595, %mul3A_597 : vector<16xf32>
        %swap3A_599 = arith.index_cast %add3A_507 : i32 to index
        %swap3A_600 = arith.constant 112 : index
        %swap3A_601 = tpu.vector_load %arg6[%swap3A_599, %swap3A_600] {strides = array<i32>} : memref<128x128xf32, #tpu.memory_space<vmem>>, vector<1x16xf32>,
        %swap3A_602 = vector.shape_cast %swap3A_601 : vector<1x16xf32> to vector<16xf32>
        %swap3A_603 = vector.shape_cast %mul3A_598 : vector<16xf32> to vector<1x16xf32>
        tpu.vector_store %arg6[%swap3A_599, %swap3A_600], %swap3A_603 {strides = array<i32>} : memref<128x128xf32, #tpu.memory_space<vmem>>, vector<1x16xf32>,
      }
      %scan3A_77 = arith.constant 32 : i32
      %mul3A_78 = arith.constant 128 : i32
      %mul3A_79 = arith.muli %add3A_60, %mul3A_78 : i32
      %add3A_80 = arith.addi %mul3A_2, %mul3A_79 : i32
      %dma_start3A_81 = arith.constant 0 : i32
      %dma_start3A_82 = tpu.memref_slice %arg4[%add3A_80, %dma_start3A_81] : memref<204800x128xf32, #tpu.memory_space<hbm>> -> memref<128x128xf32, #tpu.memory_space<hbm>>
      %dma_start3A_83 = arith.constant 0 : i32
      %dma_start3A_84 = tpu.memref_slice %arg4[%add3A_80, %dma_start3A_83] : memref<204800x128xf32, #tpu.memory_space<hbm>> -> memref<128x128xf32, #tpu.memory_space<hbm>>
      tpu.enqueue_dma source(%arg6 : memref<128x128xf32, #tpu.memory_space<vmem>>) target(%dma_start3A_84 : memref<128x128xf32, #tpu.memory_space<hbm>>) target_semaphore(%arg16 : memref<!tpu.dma_semaphore, #tpu.memory_space<semaphore_mem>>)
      %add3A_85 = arith.constant 1 : i32
      %add3A_86 = arith.addi %mul3A_58, %add3A_85 : i32
      %add3A_87 = arith.constant 5 : i32
      %add3A_88 = arith.addi %add3A_86, %add3A_87 : i32
      %sub3A_89 = arith.constant 1 : i32
      %sub3A_90 = arith.subi %add3A_88, %sub3A_89 : i32
      %lt3A_91 = arith.constant 50 : i32
      %lt3A_92 = arith.cmpi slt, %sub3A_90, %lt3A_91 : i32
      %convert_element_type3A_93 = arith.extui %lt3A_92 : i1 to i32
      %cond3A_94 = arith.constant 0 : i32
      %cond3A_95 = arith.cmpi ne, %convert_element_type3A_93, %cond3A_94 : i32
      scf.if %cond3A_95 {
        %ge3A = arith.constant 1 : i32
        %ge3A_205 = arith.cmpi sge, %add3A_86, %ge3A : i32
        %convert_element_type3A_206 = arith.extui %ge3A_205 : i1 to i32
        %cond3A_207 = arith.constant 0 : i32
        %cond3A_208 = arith.cmpi ne, %convert_element_type3A_206, %cond3A_207 : i32
        scf.if %cond3A_208 {
          %dma_wait3A_219 = arith.constant 0 : i32
          %dma_wait3A_220 = arith.constant 0 : i32
          %dma_wait3A_221 = tpu.memref_slice %arg4[%dma_wait3A_219, %dma_wait3A_220] : memref<204800x128xf32, #tpu.memory_space<hbm>> -> memref<128x128xf32, #tpu.memory_space<hbm>>
          %dma_wait3A_222 = arith.constant 0 : i32
          %dma_wait3A_223 = arith.constant 0 : i32
          %dma_wait3A_224 = tpu.memref_slice %arg4[%dma_wait3A_222, %dma_wait3A_223] : memref<204800x128xf32, #tpu.memory_space<hbm>> -> memref<128x128xf32, #tpu.memory_space<hbm>>
          tpu.wait_dma2 semaphore(%arg16 : memref<!tpu.dma_semaphore, #tpu.memory_space<semaphore_mem>>) src(%arg6 : memref<128x128xf32, #tpu.memory_space<vmem>>) dst(%dma_wait3A_224 : memref<128x128xf32, #tpu.memory_space<hbm>>)
        } else {
        }
        %add3A_209 = arith.constant 5 : i32
        %add3A_210 = arith.addi %add3A_86, %add3A_209 : i32
        %sub3A_211 = arith.constant 1 : i32
        %sub3A_212 = arith.subi %add3A_210, %sub3A_211 : i32
        %mul3A_213 = arith.constant 128 : i32
        %mul3A_214 = arith.muli %sub3A_212, %mul3A_213 : i32
        %dma_start3A_215 = tpu.memref_slice %arg5[%mul3A_214] : memref<6400xi32, #tpu.memory_space<vmem>> -> memref<128xi32, #tpu.memory_space<vmem>>
        %dma_start3A_216 = arith.constant 0 : i32
        %dma_start3A_217 = arith.constant 0 : i32
        %dma_start3A_218 = tpu.memref_slice %arg2[%dma_start3A_216, %dma_start3A_217] : memref<100000x128xf32, #tpu.memory_space<hbm>> -> memref<100000x128xf32, #tpu.memory_space<hbm>>
        tpu.enqueue_indirect_dma source(%dma_start3A_218 : memref<100000x128xf32, #tpu.memory_space<hbm>>) target(%arg6 : memref<128x128xf32, #tpu.memory_space<vmem>>) offsets(%dma_start3A_215 : memref<128xi32, #tpu.memory_space<vmem>>) semaphore(%arg11 : memref<!tpu.dma_semaphore, #tpu.memory_space<semaphore_mem>>)
      } else {
      }
      %dma_wait3A_96 = arith.constant 0 : i32
      %dma_wait3A_97 = arith.constant 0 : i32
      %dma_wait3A_98 = tpu.memref_slice %arg2[%dma_wait3A_96, %dma_wait3A_97] : memref<100000x128xf32, #tpu.memory_space<hbm>> -> memref<128x128xf32, #tpu.memory_space<hbm>>
      %dma_wait3A_99 = arith.constant 0 : i32
      %dma_wait3A_100 = arith.constant 0 : i32
      %dma_wait3A_101 = tpu.memref_slice %arg2[%dma_wait3A_99, %dma_wait3A_100] : memref<100000x128xf32, #tpu.memory_space<hbm>> -> memref<128x128xf32, #tpu.memory_space<hbm>>
      tpu.wait_dma2 semaphore(%arg12 : memref<!tpu.dma_semaphore, #tpu.memory_space<semaphore_mem>>) src(%dma_wait3A_101 : memref<128x128xf32, #tpu.memory_space<hbm>>) dst(%arg7 : memref<128x128xf32, #tpu.memory_space<vmem>>)
      %scan3A_102 = arith.constant 0 : i32
      %scan3A_103 = arith.constant 0 : i32
      %scan3A_104 = arith.constant 32 : i32
      %scan3A_105 = arith.addi %scan3A_103, %scan3A_104 : i32
      %scan3A_106 = arith.constant 1 : i32
      scf.for %scan3A_205 = %scan3A_103 to %scan3A_105 step %scan3A_106  : i32 {
        %mul3A_206 = arith.constant 4 : i32
        %mul3A_207 = arith.muli %scan3A_205, %mul3A_206 : i32
        %add3A_208 = arith.constant 0 : i32
        %add3A_209 = arith.addi %mul3A_207, %add3A_208 : i32
        %get3A = arith.index_cast %add3A_209 : i32 to index
        %get3A_210 = arith.constant 0 : index
        %get3A_211 = tpu.vector_load %arg7[%get3A, %get3A_210] {strides = array<i32>} : memref<128x128xf32, #tpu.memory_space<vmem>>, vector<1x16xf32>,
        %get3A_212 = vector.shape_cast %get3A_211 : vector<1x16xf32> to vector<16xf32>
        %mul3A_213 = arith.constant 11.3137083 : f32
        %mul3A_214 = vector.broadcast %mul3A_213 : f32 to vector<16xf32>
        %mul3A_215 = arith.mulf %get3A_212, %mul3A_214 : vector<16xf32>
        %swap3A = arith.index_cast %add3A_209 : i32 to index
        %swap3A_216 = arith.constant 0 : index
        %swap3A_217 = tpu.vector_load %arg7[%swap3A, %swap3A_216] {strides = array<i32>} : memref<128x128xf32, #tpu.memory_space<vmem>>, vector<1x16xf32>,
        %swap3A_218 = vector.shape_cast %swap3A_217 : vector<1x16xf32> to vector<16xf32>
        %swap3A_219 = vector.shape_cast %mul3A_215 : vector<16xf32> to vector<1x16xf32>
        tpu.vector_store %arg7[%swap3A, %swap3A_216], %swap3A_219 {strides = array<i32>} : memref<128x128xf32, #tpu.memory_space<vmem>>, vector<1x16xf32>,
        %get3A_220 = arith.index_cast %add3A_209 : i32 to index
        %get3A_221 = arith.constant 16 : index
        %get3A_222 = tpu.vector_load %arg7[%get3A_220, %get3A_221] {strides = array<i32>} : memref<128x128xf32, #tpu.memory_space<vmem>>, vector<1x16xf32>,
        %get3A_223 = vector.shape_cast %get3A_222 : vector<1x16xf32> to vector<16xf32>
        %mul3A_224 = arith.constant 11.3137083 : f32
        %mul3A_225 = vector.broadcast %mul3A_224 : f32 to vector<16xf32>
        %mul3A_226 = arith.mulf %get3A_223, %mul3A_225 : vector<16xf32>
        %swap3A_227 = arith.index_cast %add3A_209 : i32 to index
        %swap3A_228 = arith.constant 16 : index
        %swap3A_229 = tpu.vector_load %arg7[%swap3A_227, %swap3A_228] {strides = array<i32>} : memref<128x128xf32, #tpu.memory_space<vmem>>, vector<1x16xf32>,
        %swap3A_230 = vector.shape_cast %swap3A_229 : vector<1x16xf32> to vector<16xf32>
        %swap3A_231 = vector.shape_cast %mul3A_226 : vector<16xf32> to vector<1x16xf32>
        tpu.vector_store %arg7[%swap3A_227, %swap3A_228], %swap3A_231 {strides = array<i32>} : memref<128x128xf32, #tpu.memory_space<vmem>>, vector<1x16xf32>,
        %get3A_232 = arith.index_cast %add3A_209 : i32 to index
        %get3A_233 = arith.constant 32 : index
        %get3A_234 = tpu.vector_load %arg7[%get3A_232, %get3A_233] {strides = array<i32>} : memref<128x128xf32, #tpu.memory_space<vmem>>, vector<1x16xf32>,
        %get3A_235 = vector.shape_cast %get3A_234 : vector<1x16xf32> to vector<16xf32>
        %mul3A_236 = arith.constant 11.3137083 : f32
        %mul3A_237 = vector.broadcast %mul3A_236 : f32 to vector<16xf32>
        %mul3A_238 = arith.mulf %get3A_235, %mul3A_237 : vector<16xf32>
        %swap3A_239 = arith.index_cast %add3A_209 : i32 to index
        %swap3A_240 = arith.constant 32 : index
        %swap3A_241 = tpu.vector_load %arg7[%swap3A_239, %swap3A_240] {strides = array<i32>} : memref<128x128xf32, #tpu.memory_space<vmem>>, vector<1x16xf32>,
        %swap3A_242 = vector.shape_cast %swap3A_241 : vector<1x16xf32> to vector<16xf32>
        %swap3A_243 = vector.shape_cast %mul3A_238 : vector<16xf32> to vector<1x16xf32>
        tpu.vector_store %arg7[%swap3A_239, %swap3A_240], %swap3A_243 {strides = array<i32>} : memref<128x128xf32, #tpu.memory_space<vmem>>, vector<1x16xf32>,
        %get3A_244 = arith.index_cast %add3A_209 : i32 to index
        %get3A_245 = arith.constant 48 : index
        %get3A_246 = tpu.vector_load %arg7[%get3A_244, %get3A_245] {strides = array<i32>} : memref<128x128xf32, #tpu.memory_space<vmem>>, vector<1x16xf32>,
        %get3A_247 = vector.shape_cast %get3A_246 : vector<1x16xf32> to vector<16xf32>
        %mul3A_248 = arith.constant 11.3137083 : f32
        %mul3A_249 = vector.broadcast %mul3A_248 : f32 to vector<16xf32>
        %mul3A_250 = arith.mulf %get3A_247, %mul3A_249 : vector<16xf32>
        %swap3A_251 = arith.index_cast %add3A_209 : i32 to index
        %swap3A_252 = arith.constant 48 : index
        %swap3A_253 = tpu.vector_load %arg7[%swap3A_251, %swap3A_252] {strides = array<i32>} : memref<128x128xf32, #tpu.memory_space<vmem>>, vector<1x16xf32>,
        %swap3A_254 = vector.shape_cast %swap3A_253 : vector<1x16xf32> to vector<16xf32>
        %swap3A_255 = vector.shape_cast %mul3A_250 : vector<16xf32> to vector<1x16xf32>
        tpu.vector_store %arg7[%swap3A_251, %swap3A_252], %swap3A_255 {strides = array<i32>} : memref<128x128xf32, #tpu.memory_space<vmem>>, vector<1x16xf32>,
        %get3A_256 = arith.index_cast %add3A_209 : i32 to index
        %get3A_257 = arith.constant 64 : index
        %get3A_258 = tpu.vector_load %arg7[%get3A_256, %get3A_257] {strides = array<i32>} : memref<128x128xf32, #tpu.memory_space<vmem>>, vector<1x16xf32>,
        %get3A_259 = vector.shape_cast %get3A_258 : vector<1x16xf32> to vector<16xf32>
        %mul3A_260 = arith.constant 11.3137083 : f32
        %mul3A_261 = vector.broadcast %mul3A_260 : f32 to vector<16xf32>
        %mul3A_262 = arith.mulf %get3A_259, %mul3A_261 : vector<16xf32>
        %swap3A_263 = arith.index_cast %add3A_209 : i32 to index
        %swap3A_264 = arith.constant 64 : index
        %swap3A_265 = tpu.vector_load %arg7[%swap3A_263, %swap3A_264] {strides = array<i32>} : memref<128x128xf32, #tpu.memory_space<vmem>>, vector<1x16xf32>,
        %swap3A_266 = vector.shape_cast %swap3A_265 : vector<1x16xf32> to vector<16xf32>
        %swap3A_267 = vector.shape_cast %mul3A_262 : vector<16xf32> to vector<1x16xf32>
        tpu.vector_store %arg7[%swap3A_263, %swap3A_264], %swap3A_267 {strides = array<i32>} : memref<128x128xf32, #tpu.memory_space<vmem>>, vector<1x16xf32>,
        %get3A_268 = arith.index_cast %add3A_209 : i32 to index
        %get3A_269 = arith.constant 80 : index
        %get3A_270 = tpu.vector_load %arg7[%get3A_268, %get3A_269] {strides = array<i32>} : memref<128x128xf32, #tpu.memory_space<vmem>>, vector<1x16xf32>,
        %get3A_271 = vector.shape_cast %get3A_270 : vector<1x16xf32> to vector<16xf32>
        %mul3A_272 = arith.constant 11.3137083 : f32
        %mul3A_273 = vector.broadcast %mul3A_272 : f32 to vector<16xf32>
        %mul3A_274 = arith.mulf %get3A_271, %mul3A_273 : vector<16xf32>
        %swap3A_275 = arith.index_cast %add3A_209 : i32 to index
        %swap3A_276 = arith.constant 80 : index
        %swap3A_277 = tpu.vector_load %arg7[%swap3A_275, %swap3A_276] {strides = array<i32>} : memref<128x128xf32, #tpu.memory_space<vmem>>, vector<1x16xf32>,
        %swap3A_278 = vector.shape_cast %swap3A_277 : vector<1x16xf32> to vector<16xf32>
        %swap3A_279 = vector.shape_cast %mul3A_274 : vector<16xf32> to vector<1x16xf32>
        tpu.vector_store %arg7[%swap3A_275, %swap3A_276], %swap3A_279 {strides = array<i32>} : memref<128x128xf32, #tpu.memory_space<vmem>>, vector<1x16xf32>,
        %get3A_280 = arith.index_cast %add3A_209 : i32 to index
        %get3A_281 = arith.constant 96 : index
        %get3A_282 = tpu.vector_load %arg7[%get3A_280, %get3A_281] {strides = array<i32>} : memref<128x128xf32, #tpu.memory_space<vmem>>, vector<1x16xf32>,
        %get3A_283 = vector.shape_cast %get3A_282 : vector<1x16xf32> to vector<16xf32>
        %mul3A_284 = arith.constant 11.3137083 : f32
        %mul3A_285 = vector.broadcast %mul3A_284 : f32 to vector<16xf32>
        %mul3A_286 = arith.mulf %get3A_283, %mul3A_285 : vector<16xf32>
        %swap3A_287 = arith.index_cast %add3A_209 : i32 to index
        %swap3A_288 = arith.constant 96 : index
        %swap3A_289 = tpu.vector_load %arg7[%swap3A_287, %swap3A_288] {strides = array<i32>} : memref<128x128xf32, #tpu.memory_space<vmem>>, vector<1x16xf32>,
        %swap3A_290 = vector.shape_cast %swap3A_289 : vector<1x16xf32> to vector<16xf32>
        %swap3A_291 = vector.shape_cast %mul3A_286 : vector<16xf32> to vector<1x16xf32>
        tpu.vector_store %arg7[%swap3A_287, %swap3A_288], %swap3A_291 {strides = array<i32>} : memref<128x128xf32, #tpu.memory_space<vmem>>, vector<1x16xf32>,
        %get3A_292 = arith.index_cast %add3A_209 : i32 to index
        %get3A_293 = arith.constant 112 : index
        %get3A_294 = tpu.vector_load %arg7[%get3A_292, %get3A_293] {strides = array<i32>} : memref<128x128xf32, #tpu.memory_space<vmem>>, vector<1x16xf32>,
        %get3A_295 = vector.shape_cast %get3A_294 : vector<1x16xf32> to vector<16xf32>
        %mul3A_296 = arith.constant 11.3137083 : f32
        %mul3A_297 = vector.broadcast %mul3A_296 : f32 to vector<16xf32>
        %mul3A_298 = arith.mulf %get3A_295, %mul3A_297 : vector<16xf32>
        %swap3A_299 = arith.index_cast %add3A_209 : i32 to index
        %swap3A_300 = arith.constant 112 : index
        %swap3A_301 = tpu.vector_load %arg7[%swap3A_299, %swap3A_300] {strides = array<i32>} : memref<128x128xf32, #tpu.memory_space<vmem>>, vector<1x16xf32>,
        %swap3A_302 = vector.shape_cast %swap3A_301 : vector<1x16xf32> to vector<16xf32>
        %swap3A_303 = vector.shape_cast %mul3A_298 : vector<16xf32> to vector<1x16xf32>
        tpu.vector_store %arg7[%swap3A_299, %swap3A_300], %swap3A_303 {strides = array<i32>} : memref<128x128xf32, #tpu.memory_space<vmem>>, vector<1x16xf32>,
        %mul3A_304 = arith.constant 4 : i32
        %mul3A_305 = arith.muli %scan3A_205, %mul3A_304 : i32
        %add3A_306 = arith.constant 1 : i32
        %add3A_307 = arith.addi %mul3A_305, %add3A_306 : i32
        %get3A_308 = arith.index_cast %add3A_307 : i32 to index
        %get3A_309 = arith.constant 0 : index
        %get3A_310 = tpu.vector_load %arg7[%get3A_308, %get3A_309] {strides = array<i32>} : memref<128x128xf32, #tpu.memory_space<vmem>>, vector<1x16xf32>,
        %get3A_311 = vector.shape_cast %get3A_310 : vector<1x16xf32> to vector<16xf32>
        %mul3A_312 = arith.constant 11.3137083 : f32
        %mul3A_313 = vector.broadcast %mul3A_312 : f32 to vector<16xf32>
        %mul3A_314 = arith.mulf %get3A_311, %mul3A_313 : vector<16xf32>
        %swap3A_315 = arith.index_cast %add3A_307 : i32 to index
        %swap3A_316 = arith.constant 0 : index
        %swap3A_317 = tpu.vector_load %arg7[%swap3A_315, %swap3A_316] {strides = array<i32>} : memref<128x128xf32, #tpu.memory_space<vmem>>, vector<1x16xf32>,
        %swap3A_318 = vector.shape_cast %swap3A_317 : vector<1x16xf32> to vector<16xf32>
        %swap3A_319 = vector.shape_cast %mul3A_314 : vector<16xf32> to vector<1x16xf32>
        tpu.vector_store %arg7[%swap3A_315, %swap3A_316], %swap3A_319 {strides = array<i32>} : memref<128x128xf32, #tpu.memory_space<vmem>>, vector<1x16xf32>,
        %get3A_320 = arith.index_cast %add3A_307 : i32 to index
        %get3A_321 = arith.constant 16 : index
        %get3A_322 = tpu.vector_load %arg7[%get3A_320, %get3A_321] {strides = array<i32>} : memref<128x128xf32, #tpu.memory_space<vmem>>, vector<1x16xf32>,
        %get3A_323 = vector.shape_cast %get3A_322 : vector<1x16xf32> to vector<16xf32>
        %mul3A_324 = arith.constant 11.3137083 : f32
        %mul3A_325 = vector.broadcast %mul3A_324 : f32 to vector<16xf32>
        %mul3A_326 = arith.mulf %get3A_323, %mul3A_325 : vector<16xf32>
        %swap3A_327 = arith.index_cast %add3A_307 : i32 to index
        %swap3A_328 = arith.constant 16 : index
        %swap3A_329 = tpu.vector_load %arg7[%swap3A_327, %swap3A_328] {strides = array<i32>} : memref<128x128xf32, #tpu.memory_space<vmem>>, vector<1x16xf32>,
        %swap3A_330 = vector.shape_cast %swap3A_329 : vector<1x16xf32> to vector<16xf32>
        %swap3A_331 = vector.shape_cast %mul3A_326 : vector<16xf32> to vector<1x16xf32>
        tpu.vector_store %arg7[%swap3A_327, %swap3A_328], %swap3A_331 {strides = array<i32>} : memref<128x128xf32, #tpu.memory_space<vmem>>, vector<1x16xf32>,
        %get3A_332 = arith.index_cast %add3A_307 : i32 to index
        %get3A_333 = arith.constant 32 : index
        %get3A_334 = tpu.vector_load %arg7[%get3A_332, %get3A_333] {strides = array<i32>} : memref<128x128xf32, #tpu.memory_space<vmem>>, vector<1x16xf32>,
        %get3A_335 = vector.shape_cast %get3A_334 : vector<1x16xf32> to vector<16xf32>
        %mul3A_336 = arith.constant 11.3137083 : f32
        %mul3A_337 = vector.broadcast %mul3A_336 : f32 to vector<16xf32>
        %mul3A_338 = arith.mulf %get3A_335, %mul3A_337 : vector<16xf32>
        %swap3A_339 = arith.index_cast %add3A_307 : i32 to index
        %swap3A_340 = arith.constant 32 : index
        %swap3A_341 = tpu.vector_load %arg7[%swap3A_339, %swap3A_340] {strides = array<i32>} : memref<128x128xf32, #tpu.memory_space<vmem>>, vector<1x16xf32>,
        %swap3A_342 = vector.shape_cast %swap3A_341 : vector<1x16xf32> to vector<16xf32>
        %swap3A_343 = vector.shape_cast %mul3A_338 : vector<16xf32> to vector<1x16xf32>
        tpu.vector_store %arg7[%swap3A_339, %swap3A_340], %swap3A_343 {strides = array<i32>} : memref<128x128xf32, #tpu.memory_space<vmem>>, vector<1x16xf32>,
        %get3A_344 = arith.index_cast %add3A_307 : i32 to index
        %get3A_345 = arith.constant 48 : index
        %get3A_346 = tpu.vector_load %arg7[%get3A_344, %get3A_345] {strides = array<i32>} : memref<128x128xf32, #tpu.memory_space<vmem>>, vector<1x16xf32>,
        %get3A_347 = vector.shape_cast %get3A_346 : vector<1x16xf32> to vector<16xf32>
        %mul3A_348 = arith.constant 11.3137083 : f32
        %mul3A_349 = vector.broadcast %mul3A_348 : f32 to vector<16xf32>
        %mul3A_350 = arith.mulf %get3A_347, %mul3A_349 : vector<16xf32>
        %swap3A_351 = arith.index_cast %add3A_307 : i32 to index
        %swap3A_352 = arith.constant 48 : index
        %swap3A_353 = tpu.vector_load %arg7[%swap3A_351, %swap3A_352] {strides = array<i32>} : memref<128x128xf32, #tpu.memory_space<vmem>>, vector<1x16xf32>,
        %swap3A_354 = vector.shape_cast %swap3A_353 : vector<1x16xf32> to vector<16xf32>
        %swap3A_355 = vector.shape_cast %mul3A_350 : vector<16xf32> to vector<1x16xf32>
        tpu.vector_store %arg7[%swap3A_351, %swap3A_352], %swap3A_355 {strides = array<i32>} : memref<128x128xf32, #tpu.memory_space<vmem>>, vector<1x16xf32>,
        %get3A_356 = arith.index_cast %add3A_307 : i32 to index
        %get3A_357 = arith.constant 64 : index
        %get3A_358 = tpu.vector_load %arg7[%get3A_356, %get3A_357] {strides = array<i32>} : memref<128x128xf32, #tpu.memory_space<vmem>>, vector<1x16xf32>,
        %get3A_359 = vector.shape_cast %get3A_358 : vector<1x16xf32> to vector<16xf32>
        %mul3A_360 = arith.constant 11.3137083 : f32
        %mul3A_361 = vector.broadcast %mul3A_360 : f32 to vector<16xf32>
        %mul3A_362 = arith.mulf %get3A_359, %mul3A_361 : vector<16xf32>
        %swap3A_363 = arith.index_cast %add3A_307 : i32 to index
        %swap3A_364 = arith.constant 64 : index
        %swap3A_365 = tpu.vector_load %arg7[%swap3A_363, %swap3A_364] {strides = array<i32>} : memref<128x128xf32, #tpu.memory_space<vmem>>, vector<1x16xf32>,
        %swap3A_366 = vector.shape_cast %swap3A_365 : vector<1x16xf32> to vector<16xf32>
        %swap3A_367 = vector.shape_cast %mul3A_362 : vector<16xf32> to vector<1x16xf32>
        tpu.vector_store %arg7[%swap3A_363, %swap3A_364], %swap3A_367 {strides = array<i32>} : memref<128x128xf32, #tpu.memory_space<vmem>>, vector<1x16xf32>,
        %get3A_368 = arith.index_cast %add3A_307 : i32 to index
        %get3A_369 = arith.constant 80 : index
        %get3A_370 = tpu.vector_load %arg7[%get3A_368, %get3A_369] {strides = array<i32>} : memref<128x128xf32, #tpu.memory_space<vmem>>, vector<1x16xf32>,
        %get3A_371 = vector.shape_cast %get3A_370 : vector<1x16xf32> to vector<16xf32>
        %mul3A_372 = arith.constant 11.3137083 : f32
        %mul3A_373 = vector.broadcast %mul3A_372 : f32 to vector<16xf32>
        %mul3A_374 = arith.mulf %get3A_371, %mul3A_373 : vector<16xf32>
        %swap3A_375 = arith.index_cast %add3A_307 : i32 to index
        %swap3A_376 = arith.constant 80 : index
        %swap3A_377 = tpu.vector_load %arg7[%swap3A_375, %swap3A_376] {strides = array<i32>} : memref<128x128xf32, #tpu.memory_space<vmem>>, vector<1x16xf32>,
        %swap3A_378 = vector.shape_cast %swap3A_377 : vector<1x16xf32> to vector<16xf32>
        %swap3A_379 = vector.shape_cast %mul3A_374 : vector<16xf32> to vector<1x16xf32>
        tpu.vector_store %arg7[%swap3A_375, %swap3A_376], %swap3A_379 {strides = array<i32>} : memref<128x128xf32, #tpu.memory_space<vmem>>, vector<1x16xf32>,
        %get3A_380 = arith.index_cast %add3A_307 : i32 to index
        %get3A_381 = arith.constant 96 : index
        %get3A_382 = tpu.vector_load %arg7[%get3A_380, %get3A_381] {strides = array<i32>} : memref<128x128xf32, #tpu.memory_space<vmem>>, vector<1x16xf32>,
        %get3A_383 = vector.shape_cast %get3A_382 : vector<1x16xf32> to vector<16xf32>
        %mul3A_384 = arith.constant 11.3137083 : f32
        %mul3A_385 = vector.broadcast %mul3A_384 : f32 to vector<16xf32>
        %mul3A_386 = arith.mulf %get3A_383, %mul3A_385 : vector<16xf32>
        %swap3A_387 = arith.index_cast %add3A_307 : i32 to index
        %swap3A_388 = arith.constant 96 : index
        %swap3A_389 = tpu.vector_load %arg7[%swap3A_387, %swap3A_388] {strides = array<i32>} : memref<128x128xf32, #tpu.memory_space<vmem>>, vector<1x16xf32>,
        %swap3A_390 = vector.shape_cast %swap3A_389 : vector<1x16xf32> to vector<16xf32>
        %swap3A_391 = vector.shape_cast %mul3A_386 : vector<16xf32> to vector<1x16xf32>
        tpu.vector_store %arg7[%swap3A_387, %swap3A_388], %swap3A_391 {strides = array<i32>} : memref<128x128xf32, #tpu.memory_space<vmem>>, vector<1x16xf32>,
        %get3A_392 = arith.index_cast %add3A_307 : i32 to index
        %get3A_393 = arith.constant 112 : index
        %get3A_394 = tpu.vector_load %arg7[%get3A_392, %get3A_393] {strides = array<i32>} : memref<128x128xf32, #tpu.memory_space<vmem>>, vector<1x16xf32>,
        %get3A_395 = vector.shape_cast %get3A_394 : vector<1x16xf32> to vector<16xf32>
        %mul3A_396 = arith.constant 11.3137083 : f32
        %mul3A_397 = vector.broadcast %mul3A_396 : f32 to vector<16xf32>
        %mul3A_398 = arith.mulf %get3A_395, %mul3A_397 : vector<16xf32>
        %swap3A_399 = arith.index_cast %add3A_307 : i32 to index
        %swap3A_400 = arith.constant 112 : index
        %swap3A_401 = tpu.vector_load %arg7[%swap3A_399, %swap3A_400] {strides = array<i32>} : memref<128x128xf32, #tpu.memory_space<vmem>>, vector<1x16xf32>,
        %swap3A_402 = vector.shape_cast %swap3A_401 : vector<1x16xf32> to vector<16xf32>
        %swap3A_403 = vector.shape_cast %mul3A_398 : vector<16xf32> to vector<1x16xf32>
        tpu.vector_store %arg7[%swap3A_399, %swap3A_400], %swap3A_403 {strides = array<i32>} : memref<128x128xf32, #tpu.memory_space<vmem>>, vector<1x16xf32>,
        %mul3A_404 = arith.constant 4 : i32
        %mul3A_405 = arith.muli %scan3A_205, %mul3A_404 : i32
        %add3A_406 = arith.constant 2 : i32
        %add3A_407 = arith.addi %mul3A_405, %add3A_406 : i32
        %get3A_408 = arith.index_cast %add3A_407 : i32 to index
        %get3A_409 = arith.constant 0 : index
        %get3A_410 = tpu.vector_load %arg7[%get3A_408, %get3A_409] {strides = array<i32>} : memref<128x128xf32, #tpu.memory_space<vmem>>, vector<1x16xf32>,
        %get3A_411 = vector.shape_cast %get3A_410 : vector<1x16xf32> to vector<16xf32>
        %mul3A_412 = arith.constant 11.3137083 : f32
        %mul3A_413 = vector.broadcast %mul3A_412 : f32 to vector<16xf32>
        %mul3A_414 = arith.mulf %get3A_411, %mul3A_413 : vector<16xf32>
        %swap3A_415 = arith.index_cast %add3A_407 : i32 to index
        %swap3A_416 = arith.constant 0 : index
        %swap3A_417 = tpu.vector_load %arg7[%swap3A_415, %swap3A_416] {strides = array<i32>} : memref<128x128xf32, #tpu.memory_space<vmem>>, vector<1x16xf32>,
        %swap3A_418 = vector.shape_cast %swap3A_417 : vector<1x16xf32> to vector<16xf32>
        %swap3A_419 = vector.shape_cast %mul3A_414 : vector<16xf32> to vector<1x16xf32>
        tpu.vector_store %arg7[%swap3A_415, %swap3A_416], %swap3A_419 {strides = array<i32>} : memref<128x128xf32, #tpu.memory_space<vmem>>, vector<1x16xf32>,
        %get3A_420 = arith.index_cast %add3A_407 : i32 to index
        %get3A_421 = arith.constant 16 : index
        %get3A_422 = tpu.vector_load %arg7[%get3A_420, %get3A_421] {strides = array<i32>} : memref<128x128xf32, #tpu.memory_space<vmem>>, vector<1x16xf32>,
        %get3A_423 = vector.shape_cast %get3A_422 : vector<1x16xf32> to vector<16xf32>
        %mul3A_424 = arith.constant 11.3137083 : f32
        %mul3A_425 = vector.broadcast %mul3A_424 : f32 to vector<16xf32>
        %mul3A_426 = arith.mulf %get3A_423, %mul3A_425 : vector<16xf32>
        %swap3A_427 = arith.index_cast %add3A_407 : i32 to index
        %swap3A_428 = arith.constant 16 : index
        %swap3A_429 = tpu.vector_load %arg7[%swap3A_427, %swap3A_428] {strides = array<i32>} : memref<128x128xf32, #tpu.memory_space<vmem>>, vector<1x16xf32>,
        %swap3A_430 = vector.shape_cast %swap3A_429 : vector<1x16xf32> to vector<16xf32>
        %swap3A_431 = vector.shape_cast %mul3A_426 : vector<16xf32> to vector<1x16xf32>
        tpu.vector_store %arg7[%swap3A_427, %swap3A_428], %swap3A_431 {strides = array<i32>} : memref<128x128xf32, #tpu.memory_space<vmem>>, vector<1x16xf32>,
        %get3A_432 = arith.index_cast %add3A_407 : i32 to index
        %get3A_433 = arith.constant 32 : index
        %get3A_434 = tpu.vector_load %arg7[%get3A_432, %get3A_433] {strides = array<i32>} : memref<128x128xf32, #tpu.memory_space<vmem>>, vector<1x16xf32>,
        %get3A_435 = vector.shape_cast %get3A_434 : vector<1x16xf32> to vector<16xf32>
        %mul3A_436 = arith.constant 11.3137083 : f32
        %mul3A_437 = vector.broadcast %mul3A_436 : f32 to vector<16xf32>
        %mul3A_438 = arith.mulf %get3A_435, %mul3A_437 : vector<16xf32>
        %swap3A_439 = arith.index_cast %add3A_407 : i32 to index
        %swap3A_440 = arith.constant 32 : index
        %swap3A_441 = tpu.vector_load %arg7[%swap3A_439, %swap3A_440] {strides = array<i32>} : memref<128x128xf32, #tpu.memory_space<vmem>>, vector<1x16xf32>,
        %swap3A_442 = vector.shape_cast %swap3A_441 : vector<1x16xf32> to vector<16xf32>
        %swap3A_443 = vector.shape_cast %mul3A_438 : vector<16xf32> to vector<1x16xf32>
        tpu.vector_store %arg7[%swap3A_439, %swap3A_440], %swap3A_443 {strides = array<i32>} : memref<128x128xf32, #tpu.memory_space<vmem>>, vector<1x16xf32>,
        %get3A_444 = arith.index_cast %add3A_407 : i32 to index
        %get3A_445 = arith.constant 48 : index
        %get3A_446 = tpu.vector_load %arg7[%get3A_444, %get3A_445] {strides = array<i32>} : memref<128x128xf32, #tpu.memory_space<vmem>>, vector<1x16xf32>,
        %get3A_447 = vector.shape_cast %get3A_446 : vector<1x16xf32> to vector<16xf32>
        %mul3A_448 = arith.constant 11.3137083 : f32
        %mul3A_449 = vector.broadcast %mul3A_448 : f32 to vector<16xf32>
        %mul3A_450 = arith.mulf %get3A_447, %mul3A_449 : vector<16xf32>
        %swap3A_451 = arith.index_cast %add3A_407 : i32 to index
        %swap3A_452 = arith.constant 48 : index
        %swap3A_453 = tpu.vector_load %arg7[%swap3A_451, %swap3A_452] {strides = array<i32>} : memref<128x128xf32, #tpu.memory_space<vmem>>, vector<1x16xf32>,
        %swap3A_454 = vector.shape_cast %swap3A_453 : vector<1x16xf32> to vector<16xf32>
        %swap3A_455 = vector.shape_cast %mul3A_450 : vector<16xf32> to vector<1x16xf32>
        tpu.vector_store %arg7[%swap3A_451, %swap3A_452], %swap3A_455 {strides = array<i32>} : memref<128x128xf32, #tpu.memory_space<vmem>>, vector<1x16xf32>,
        %get3A_456 = arith.index_cast %add3A_407 : i32 to index
        %get3A_457 = arith.constant 64 : index
        %get3A_458 = tpu.vector_load %arg7[%get3A_456, %get3A_457] {strides = array<i32>} : memref<128x128xf32, #tpu.memory_space<vmem>>, vector<1x16xf32>,
        %get3A_459 = vector.shape_cast %get3A_458 : vector<1x16xf32> to vector<16xf32>
        %mul3A_460 = arith.constant 11.3137083 : f32
        %mul3A_461 = vector.broadcast %mul3A_460 : f32 to vector<16xf32>
        %mul3A_462 = arith.mulf %get3A_459, %mul3A_461 : vector<16xf32>
        %swap3A_463 = arith.index_cast %add3A_407 : i32 to index
        %swap3A_464 = arith.constant 64 : index
        %swap3A_465 = tpu.vector_load %arg7[%swap3A_463, %swap3A_464] {strides = array<i32>} : memref<128x128xf32, #tpu.memory_space<vmem>>, vector<1x16xf32>,
        %swap3A_466 = vector.shape_cast %swap3A_465 : vector<1x16xf32> to vector<16xf32>
        %swap3A_467 = vector.shape_cast %mul3A_462 : vector<16xf32> to vector<1x16xf32>
        tpu.vector_store %arg7[%swap3A_463, %swap3A_464], %swap3A_467 {strides = array<i32>} : memref<128x128xf32, #tpu.memory_space<vmem>>, vector<1x16xf32>,
        %get3A_468 = arith.index_cast %add3A_407 : i32 to index
        %get3A_469 = arith.constant 80 : index
        %get3A_470 = tpu.vector_load %arg7[%get3A_468, %get3A_469] {strides = array<i32>} : memref<128x128xf32, #tpu.memory_space<vmem>>, vector<1x16xf32>,
        %get3A_471 = vector.shape_cast %get3A_470 : vector<1x16xf32> to vector<16xf32>
        %mul3A_472 = arith.constant 11.3137083 : f32
        %mul3A_473 = vector.broadcast %mul3A_472 : f32 to vector<16xf32>
        %mul3A_474 = arith.mulf %get3A_471, %mul3A_473 : vector<16xf32>
        %swap3A_475 = arith.index_cast %add3A_407 : i32 to index
        %swap3A_476 = arith.constant 80 : index
        %swap3A_477 = tpu.vector_load %arg7[%swap3A_475, %swap3A_476] {strides = array<i32>} : memref<128x128xf32, #tpu.memory_space<vmem>>, vector<1x16xf32>,
        %swap3A_478 = vector.shape_cast %swap3A_477 : vector<1x16xf32> to vector<16xf32>
        %swap3A_479 = vector.shape_cast %mul3A_474 : vector<16xf32> to vector<1x16xf32>
        tpu.vector_store %arg7[%swap3A_475, %swap3A_476], %swap3A_479 {strides = array<i32>} : memref<128x128xf32, #tpu.memory_space<vmem>>, vector<1x16xf32>,
        %get3A_480 = arith.index_cast %add3A_407 : i32 to index
        %get3A_481 = arith.constant 96 : index
        %get3A_482 = tpu.vector_load %arg7[%get3A_480, %get3A_481] {strides = array<i32>} : memref<128x128xf32, #tpu.memory_space<vmem>>, vector<1x16xf32>,
        %get3A_483 = vector.shape_cast %get3A_482 : vector<1x16xf32> to vector<16xf32>
        %mul3A_484 = arith.constant 11.3137083 : f32
        %mul3A_485 = vector.broadcast %mul3A_484 : f32 to vector<16xf32>
        %mul3A_486 = arith.mulf %get3A_483, %mul3A_485 : vector<16xf32>
        %swap3A_487 = arith.index_cast %add3A_407 : i32 to index
        %swap3A_488 = arith.constant 96 : index
        %swap3A_489 = tpu.vector_load %arg7[%swap3A_487, %swap3A_488] {strides = array<i32>} : memref<128x128xf32, #tpu.memory_space<vmem>>, vector<1x16xf32>,
        %swap3A_490 = vector.shape_cast %swap3A_489 : vector<1x16xf32> to vector<16xf32>
        %swap3A_491 = vector.shape_cast %mul3A_486 : vector<16xf32> to vector<1x16xf32>
        tpu.vector_store %arg7[%swap3A_487, %swap3A_488], %swap3A_491 {strides = array<i32>} : memref<128x128xf32, #tpu.memory_space<vmem>>, vector<1x16xf32>,
        %get3A_492 = arith.index_cast %add3A_407 : i32 to index
        %get3A_493 = arith.constant 112 : index
        %get3A_494 = tpu.vector_load %arg7[%get3A_492, %get3A_493] {strides = array<i32>} : memref<128x128xf32, #tpu.memory_space<vmem>>, vector<1x16xf32>,
        %get3A_495 = vector.shape_cast %get3A_494 : vector<1x16xf32> to vector<16xf32>
        %mul3A_496 = arith.constant 11.3137083 : f32
        %mul3A_497 = vector.broadcast %mul3A_496 : f32 to vector<16xf32>
        %mul3A_498 = arith.mulf %get3A_495, %mul3A_497 : vector<16xf32>
        %swap3A_499 = arith.index_cast %add3A_407 : i32 to index
        %swap3A_500 = arith.constant 112 : index
        %swap3A_501 = tpu.vector_load %arg7[%swap3A_499, %swap3A_500] {strides = array<i32>} : memref<128x128xf32, #tpu.memory_space<vmem>>, vector<1x16xf32>,
        %swap3A_502 = vector.shape_cast %swap3A_501 : vector<1x16xf32> to vector<16xf32>
        %swap3A_503 = vector.shape_cast %mul3A_498 : vector<16xf32> to vector<1x16xf32>
        tpu.vector_store %arg7[%swap3A_499, %swap3A_500], %swap3A_503 {strides = array<i32>} : memref<128x128xf32, #tpu.memory_space<vmem>>, vector<1x16xf32>,
        %mul3A_504 = arith.constant 4 : i32
        %mul3A_505 = arith.muli %scan3A_205, %mul3A_504 : i32
        %add3A_506 = arith.constant 3 : i32
        %add3A_507 = arith.addi %mul3A_505, %add3A_506 : i32
        %get3A_508 = arith.index_cast %add3A_507 : i32 to index
        %get3A_509 = arith.constant 0 : index
        %get3A_510 = tpu.vector_load %arg7[%get3A_508, %get3A_509] {strides = array<i32>} : memref<128x128xf32, #tpu.memory_space<vmem>>, vector<1x16xf32>,
        %get3A_511 = vector.shape_cast %get3A_510 : vector<1x16xf32> to vector<16xf32>
        %mul3A_512 = arith.constant 11.3137083 : f32
        %mul3A_513 = vector.broadcast %mul3A_512 : f32 to vector<16xf32>
        %mul3A_514 = arith.mulf %get3A_511, %mul3A_513 : vector<16xf32>
        %swap3A_515 = arith.index_cast %add3A_507 : i32 to index
        %swap3A_516 = arith.constant 0 : index
        %swap3A_517 = tpu.vector_load %arg7[%swap3A_515, %swap3A_516] {strides = array<i32>} : memref<128x128xf32, #tpu.memory_space<vmem>>, vector<1x16xf32>,
        %swap3A_518 = vector.shape_cast %swap3A_517 : vector<1x16xf32> to vector<16xf32>
        %swap3A_519 = vector.shape_cast %mul3A_514 : vector<16xf32> to vector<1x16xf32>
        tpu.vector_store %arg7[%swap3A_515, %swap3A_516], %swap3A_519 {strides = array<i32>} : memref<128x128xf32, #tpu.memory_space<vmem>>, vector<1x16xf32>,
        %get3A_520 = arith.index_cast %add3A_507 : i32 to index
        %get3A_521 = arith.constant 16 : index
        %get3A_522 = tpu.vector_load %arg7[%get3A_520, %get3A_521] {strides = array<i32>} : memref<128x128xf32, #tpu.memory_space<vmem>>, vector<1x16xf32>,
        %get3A_523 = vector.shape_cast %get3A_522 : vector<1x16xf32> to vector<16xf32>
        %mul3A_524 = arith.constant 11.3137083 : f32
        %mul3A_525 = vector.broadcast %mul3A_524 : f32 to vector<16xf32>
        %mul3A_526 = arith.mulf %get3A_523, %mul3A_525 : vector<16xf32>
        %swap3A_527 = arith.index_cast %add3A_507 : i32 to index
        %swap3A_528 = arith.constant 16 : index
        %swap3A_529 = tpu.vector_load %arg7[%swap3A_527, %swap3A_528] {strides = array<i32>} : memref<128x128xf32, #tpu.memory_space<vmem>>, vector<1x16xf32>,
        %swap3A_530 = vector.shape_cast %swap3A_529 : vector<1x16xf32> to vector<16xf32>
        %swap3A_531 = vector.shape_cast %mul3A_526 : vector<16xf32> to vector<1x16xf32>
        tpu.vector_store %arg7[%swap3A_527, %swap3A_528], %swap3A_531 {strides = array<i32>} : memref<128x128xf32, #tpu.memory_space<vmem>>, vector<1x16xf32>,
        %get3A_532 = arith.index_cast %add3A_507 : i32 to index
        %get3A_533 = arith.constant 32 : index
        %get3A_534 = tpu.vector_load %arg7[%get3A_532, %get3A_533] {strides = array<i32>} : memref<128x128xf32, #tpu.memory_space<vmem>>, vector<1x16xf32>,
        %get3A_535 = vector.shape_cast %get3A_534 : vector<1x16xf32> to vector<16xf32>
        %mul3A_536 = arith.constant 11.3137083 : f32
        %mul3A_537 = vector.broadcast %mul3A_536 : f32 to vector<16xf32>
        %mul3A_538 = arith.mulf %get3A_535, %mul3A_537 : vector<16xf32>
        %swap3A_539 = arith.index_cast %add3A_507 : i32 to index
        %swap3A_540 = arith.constant 32 : index
        %swap3A_541 = tpu.vector_load %arg7[%swap3A_539, %swap3A_540] {strides = array<i32>} : memref<128x128xf32, #tpu.memory_space<vmem>>, vector<1x16xf32>,
        %swap3A_542 = vector.shape_cast %swap3A_541 : vector<1x16xf32> to vector<16xf32>
        %swap3A_543 = vector.shape_cast %mul3A_538 : vector<16xf32> to vector<1x16xf32>
        tpu.vector_store %arg7[%swap3A_539, %swap3A_540], %swap3A_543 {strides = array<i32>} : memref<128x128xf32, #tpu.memory_space<vmem>>, vector<1x16xf32>,
        %get3A_544 = arith.index_cast %add3A_507 : i32 to index
        %get3A_545 = arith.constant 48 : index
        %get3A_546 = tpu.vector_load %arg7[%get3A_544, %get3A_545] {strides = array<i32>} : memref<128x128xf32, #tpu.memory_space<vmem>>, vector<1x16xf32>,
        %get3A_547 = vector.shape_cast %get3A_546 : vector<1x16xf32> to vector<16xf32>
        %mul3A_548 = arith.constant 11.3137083 : f32
        %mul3A_549 = vector.broadcast %mul3A_548 : f32 to vector<16xf32>
        %mul3A_550 = arith.mulf %get3A_547, %mul3A_549 : vector<16xf32>
        %swap3A_551 = arith.index_cast %add3A_507 : i32 to index
        %swap3A_552 = arith.constant 48 : index
        %swap3A_553 = tpu.vector_load %arg7[%swap3A_551, %swap3A_552] {strides = array<i32>} : memref<128x128xf32, #tpu.memory_space<vmem>>, vector<1x16xf32>,
        %swap3A_554 = vector.shape_cast %swap3A_553 : vector<1x16xf32> to vector<16xf32>
        %swap3A_555 = vector.shape_cast %mul3A_550 : vector<16xf32> to vector<1x16xf32>
        tpu.vector_store %arg7[%swap3A_551, %swap3A_552], %swap3A_555 {strides = array<i32>} : memref<128x128xf32, #tpu.memory_space<vmem>>, vector<1x16xf32>,
        %get3A_556 = arith.index_cast %add3A_507 : i32 to index
        %get3A_557 = arith.constant 64 : index
        %get3A_558 = tpu.vector_load %arg7[%get3A_556, %get3A_557] {strides = array<i32>} : memref<128x128xf32, #tpu.memory_space<vmem>>, vector<1x16xf32>,
        %get3A_559 = vector.shape_cast %get3A_558 : vector<1x16xf32> to vector<16xf32>
        %mul3A_560 = arith.constant 11.3137083 : f32
        %mul3A_561 = vector.broadcast %mul3A_560 : f32 to vector<16xf32>
        %mul3A_562 = arith.mulf %get3A_559, %mul3A_561 : vector<16xf32>
        %swap3A_563 = arith.index_cast %add3A_507 : i32 to index
        %swap3A_564 = arith.constant 64 : index
        %swap3A_565 = tpu.vector_load %arg7[%swap3A_563, %swap3A_564] {strides = array<i32>} : memref<128x128xf32, #tpu.memory_space<vmem>>, vector<1x16xf32>,
        %swap3A_566 = vector.shape_cast %swap3A_565 : vector<1x16xf32> to vector<16xf32>
        %swap3A_567 = vector.shape_cast %mul3A_562 : vector<16xf32> to vector<1x16xf32>
        tpu.vector_store %arg7[%swap3A_563, %swap3A_564], %swap3A_567 {strides = array<i32>} : memref<128x128xf32, #tpu.memory_space<vmem>>, vector<1x16xf32>,
        %get3A_568 = arith.index_cast %add3A_507 : i32 to index
        %get3A_569 = arith.constant 80 : index
        %get3A_570 = tpu.vector_load %arg7[%get3A_568, %get3A_569] {strides = array<i32>} : memref<128x128xf32, #tpu.memory_space<vmem>>, vector<1x16xf32>,
        %get3A_571 = vector.shape_cast %get3A_570 : vector<1x16xf32> to vector<16xf32>
        %mul3A_572 = arith.constant 11.3137083 : f32
        %mul3A_573 = vector.broadcast %mul3A_572 : f32 to vector<16xf32>
        %mul3A_574 = arith.mulf %get3A_571, %mul3A_573 : vector<16xf32>
        %swap3A_575 = arith.index_cast %add3A_507 : i32 to index
        %swap3A_576 = arith.constant 80 : index
        %swap3A_577 = tpu.vector_load %arg7[%swap3A_575, %swap3A_576] {strides = array<i32>} : memref<128x128xf32, #tpu.memory_space<vmem>>, vector<1x16xf32>,
        %swap3A_578 = vector.shape_cast %swap3A_577 : vector<1x16xf32> to vector<16xf32>
        %swap3A_579 = vector.shape_cast %mul3A_574 : vector<16xf32> to vector<1x16xf32>
        tpu.vector_store %arg7[%swap3A_575, %swap3A_576], %swap3A_579 {strides = array<i32>} : memref<128x128xf32, #tpu.memory_space<vmem>>, vector<1x16xf32>,
        %get3A_580 = arith.index_cast %add3A_507 : i32 to index
        %get3A_581 = arith.constant 96 : index
        %get3A_582 = tpu.vector_load %arg7[%get3A_580, %get3A_581] {strides = array<i32>} : memref<128x128xf32, #tpu.memory_space<vmem>>, vector<1x16xf32>,
        %get3A_583 = vector.shape_cast %get3A_582 : vector<1x16xf32> to vector<16xf32>
        %mul3A_584 = arith.constant 11.3137083 : f32
        %mul3A_585 = vector.broadcast %mul3A_584 : f32 to vector<16xf32>
        %mul3A_586 = arith.mulf %get3A_583, %mul3A_585 : vector<16xf32>
        %swap3A_587 = arith.index_cast %add3A_507 : i32 to index
        %swap3A_588 = arith.constant 96 : index
        %swap3A_589 = tpu.vector_load %arg7[%swap3A_587, %swap3A_588] {strides = array<i32>} : memref<128x128xf32, #tpu.memory_space<vmem>>, vector<1x16xf32>,
        %swap3A_590 = vector.shape_cast %swap3A_589 : vector<1x16xf32> to vector<16xf32>
        %swap3A_591 = vector.shape_cast %mul3A_586 : vector<16xf32> to vector<1x16xf32>
        tpu.vector_store %arg7[%swap3A_587, %swap3A_588], %swap3A_591 {strides = array<i32>} : memref<128x128xf32, #tpu.memory_space<vmem>>, vector<1x16xf32>,
        %get3A_592 = arith.index_cast %add3A_507 : i32 to index
        %get3A_593 = arith.constant 112 : index
        %get3A_594 = tpu.vector_load %arg7[%get3A_592, %get3A_593] {strides = array<i32>} : memref<128x128xf32, #tpu.memory_space<vmem>>, vector<1x16xf32>,
        %get3A_595 = vector.shape_cast %get3A_594 : vector<1x16xf32> to vector<16xf32>
        %mul3A_596 = arith.constant 11.3137083 : f32
        %mul3A_597 = vector.broadcast %mul3A_596 : f32 to vector<16xf32>
        %mul3A_598 = arith.mulf %get3A_595, %mul3A_597 : vector<16xf32>
        %swap3A_599 = arith.index_cast %add3A_507 : i32 to index
        %swap3A_600 = arith.constant 112 : index
        %swap3A_601 = tpu.vector_load %arg7[%swap3A_599, %swap3A_600] {strides = array<i32>} : memref<128x128xf32, #tpu.memory_space<vmem>>, vector<1x16xf32>,
        %swap3A_602 = vector.shape_cast %swap3A_601 : vector<1x16xf32> to vector<16xf32>
        %swap3A_603 = vector.shape_cast %mul3A_598 : vector<16xf32> to vector<1x16xf32>
        tpu.vector_store %arg7[%swap3A_599, %swap3A_600], %swap3A_603 {strides = array<i32>} : memref<128x128xf32, #tpu.memory_space<vmem>>, vector<1x16xf32>,
      }
      %scan3A_107 = arith.constant 32 : i32
      %mul3A_108 = arith.constant 128 : i32
      %mul3A_109 = arith.muli %add3A_86, %mul3A_108 : i32
      %add3A_110 = arith.addi %mul3A_2, %mul3A_109 : i32
      %dma_start3A_111 = arith.constant 0 : i32
      %dma_start3A_112 = tpu.memref_slice %arg4[%add3A_110, %dma_start3A_111] : memref<204800x128xf32, #tpu.memory_space<hbm>> -> memref<128x128xf32, #tpu.memory_space<hbm>>
      %dma_start3A_113 = arith.constant 0 : i32
      %dma_start3A_114 = tpu.memref_slice %arg4[%add3A_110, %dma_start3A_113] : memref<204800x128xf32, #tpu.memory_space<hbm>> -> memref<128x128xf32, #tpu.memory_space<hbm>>
      tpu.enqueue_dma source(%arg7 : memref<128x128xf32, #tpu.memory_space<vmem>>) target(%dma_start3A_114 : memref<128x128xf32, #tpu.memory_space<hbm>>) target_semaphore(%arg17 : memref<!tpu.dma_semaphore, #tpu.memory_space<semaphore_mem>>)
      %add3A_115 = arith.constant 2 : i32
      %add3A_116 = arith.addi %mul3A_58, %add3A_115 : i32
      %add3A_117 = arith.constant 5 : i32
      %add3A_118 = arith.addi %add3A_116, %add3A_117 : i32
      %sub3A_119 = arith.constant 1 : i32
      %sub3A_120 = arith.subi %add3A_118, %sub3A_119 : i32
      %lt3A_121 = arith.constant 50 : i32
      %lt3A_122 = arith.cmpi slt, %sub3A_120, %lt3A_121 : i32
      %convert_element_type3A_123 = arith.extui %lt3A_122 : i1 to i32
      %cond3A_124 = arith.constant 0 : i32
      %cond3A_125 = arith.cmpi ne, %convert_element_type3A_123, %cond3A_124 : i32
      scf.if %cond3A_125 {
        %ge3A = arith.constant 1 : i32
        %ge3A_205 = arith.cmpi sge, %add3A_116, %ge3A : i32
        %convert_element_type3A_206 = arith.extui %ge3A_205 : i1 to i32
        %cond3A_207 = arith.constant 0 : i32
        %cond3A_208 = arith.cmpi ne, %convert_element_type3A_206, %cond3A_207 : i32
        scf.if %cond3A_208 {
          %dma_wait3A_219 = arith.constant 0 : i32
          %dma_wait3A_220 = arith.constant 0 : i32
          %dma_wait3A_221 = tpu.memref_slice %arg4[%dma_wait3A_219, %dma_wait3A_220] : memref<204800x128xf32, #tpu.memory_space<hbm>> -> memref<128x128xf32, #tpu.memory_space<hbm>>
          %dma_wait3A_222 = arith.constant 0 : i32
          %dma_wait3A_223 = arith.constant 0 : i32
          %dma_wait3A_224 = tpu.memref_slice %arg4[%dma_wait3A_222, %dma_wait3A_223] : memref<204800x128xf32, #tpu.memory_space<hbm>> -> memref<128x128xf32, #tpu.memory_space<hbm>>
          tpu.wait_dma2 semaphore(%arg17 : memref<!tpu.dma_semaphore, #tpu.memory_space<semaphore_mem>>) src(%arg7 : memref<128x128xf32, #tpu.memory_space<vmem>>) dst(%dma_wait3A_224 : memref<128x128xf32, #tpu.memory_space<hbm>>)
        } else {
        }
        %add3A_209 = arith.constant 5 : i32
        %add3A_210 = arith.addi %add3A_116, %add3A_209 : i32
        %sub3A_211 = arith.constant 1 : i32
        %sub3A_212 = arith.subi %add3A_210, %sub3A_211 : i32
        %mul3A_213 = arith.constant 128 : i32
        %mul3A_214 = arith.muli %sub3A_212, %mul3A_213 : i32
        %dma_start3A_215 = tpu.memref_slice %arg5[%mul3A_214] : memref<6400xi32, #tpu.memory_space<vmem>> -> memref<128xi32, #tpu.memory_space<vmem>>
        %dma_start3A_216 = arith.constant 0 : i32
        %dma_start3A_217 = arith.constant 0 : i32
        %dma_start3A_218 = tpu.memref_slice %arg2[%dma_start3A_216, %dma_start3A_217] : memref<100000x128xf32, #tpu.memory_space<hbm>> -> memref<100000x128xf32, #tpu.memory_space<hbm>>
        tpu.enqueue_indirect_dma source(%dma_start3A_218 : memref<100000x128xf32, #tpu.memory_space<hbm>>) target(%arg7 : memref<128x128xf32, #tpu.memory_space<vmem>>) offsets(%dma_start3A_215 : memref<128xi32, #tpu.memory_space<vmem>>) semaphore(%arg12 : memref<!tpu.dma_semaphore, #tpu.memory_space<semaphore_mem>>)
      } else {
      }
      %dma_wait3A_126 = arith.constant 0 : i32
      %dma_wait3A_127 = arith.constant 0 : i32
      %dma_wait3A_128 = tpu.memref_slice %arg2[%dma_wait3A_126, %dma_wait3A_127] : memref<100000x128xf32, #tpu.memory_space<hbm>> -> memref<128x128xf32, #tpu.memory_space<hbm>>
      %dma_wait3A_129 = arith.constant 0 : i32
      %dma_wait3A_130 = arith.constant 0 : i32
      %dma_wait3A_131 = tpu.memref_slice %arg2[%dma_wait3A_129, %dma_wait3A_130] : memref<100000x128xf32, #tpu.memory_space<hbm>> -> memref<128x128xf32, #tpu.memory_space<hbm>>
      tpu.wait_dma2 semaphore(%arg13 : memref<!tpu.dma_semaphore, #tpu.memory_space<semaphore_mem>>) src(%dma_wait3A_131 : memref<128x128xf32, #tpu.memory_space<hbm>>) dst(%arg8 : memref<128x128xf32, #tpu.memory_space<vmem>>)
      %scan3A_132 = arith.constant 0 : i32
      %scan3A_133 = arith.constant 0 : i32
      %scan3A_134 = arith.constant 32 : i32
      %scan3A_135 = arith.addi %scan3A_133, %scan3A_134 : i32
      %scan3A_136 = arith.constant 1 : i32
      scf.for %scan3A_205 = %scan3A_133 to %scan3A_135 step %scan3A_136  : i32 {
        %mul3A_206 = arith.constant 4 : i32
        %mul3A_207 = arith.muli %scan3A_205, %mul3A_206 : i32
        %add3A_208 = arith.constant 0 : i32
        %add3A_209 = arith.addi %mul3A_207, %add3A_208 : i32
        %get3A = arith.index_cast %add3A_209 : i32 to index
        %get3A_210 = arith.constant 0 : index
        %get3A_211 = tpu.vector_load %arg8[%get3A, %get3A_210] {strides = array<i32>} : memref<128x128xf32, #tpu.memory_space<vmem>>, vector<1x16xf32>,
        %get3A_212 = vector.shape_cast %get3A_211 : vector<1x16xf32> to vector<16xf32>
        %mul3A_213 = arith.constant 11.3137083 : f32
        %mul3A_214 = vector.broadcast %mul3A_213 : f32 to vector<16xf32>
        %mul3A_215 = arith.mulf %get3A_212, %mul3A_214 : vector<16xf32>
        %swap3A = arith.index_cast %add3A_209 : i32 to index
        %swap3A_216 = arith.constant 0 : index
        %swap3A_217 = tpu.vector_load %arg8[%swap3A, %swap3A_216] {strides = array<i32>} : memref<128x128xf32, #tpu.memory_space<vmem>>, vector<1x16xf32>,
        %swap3A_218 = vector.shape_cast %swap3A_217 : vector<1x16xf32> to vector<16xf32>
        %swap3A_219 = vector.shape_cast %mul3A_215 : vector<16xf32> to vector<1x16xf32>
        tpu.vector_store %arg8[%swap3A, %swap3A_216], %swap3A_219 {strides = array<i32>} : memref<128x128xf32, #tpu.memory_space<vmem>>, vector<1x16xf32>,
        %get3A_220 = arith.index_cast %add3A_209 : i32 to index
        %get3A_221 = arith.constant 16 : index
        %get3A_222 = tpu.vector_load %arg8[%get3A_220, %get3A_221] {strides = array<i32>} : memref<128x128xf32, #tpu.memory_space<vmem>>, vector<1x16xf32>,
        %get3A_223 = vector.shape_cast %get3A_222 : vector<1x16xf32> to vector<16xf32>
        %mul3A_224 = arith.constant 11.3137083 : f32
        %mul3A_225 = vector.broadcast %mul3A_224 : f32 to vector<16xf32>
        %mul3A_226 = arith.mulf %get3A_223, %mul3A_225 : vector<16xf32>
        %swap3A_227 = arith.index_cast %add3A_209 : i32 to index
        %swap3A_228 = arith.constant 16 : index
        %swap3A_229 = tpu.vector_load %arg8[%swap3A_227, %swap3A_228] {strides = array<i32>} : memref<128x128xf32, #tpu.memory_space<vmem>>, vector<1x16xf32>,
        %swap3A_230 = vector.shape_cast %swap3A_229 : vector<1x16xf32> to vector<16xf32>
        %swap3A_231 = vector.shape_cast %mul3A_226 : vector<16xf32> to vector<1x16xf32>
        tpu.vector_store %arg8[%swap3A_227, %swap3A_228], %swap3A_231 {strides = array<i32>} : memref<128x128xf32, #tpu.memory_space<vmem>>, vector<1x16xf32>,
        %get3A_232 = arith.index_cast %add3A_209 : i32 to index
        %get3A_233 = arith.constant 32 : index
        %get3A_234 = tpu.vector_load %arg8[%get3A_232, %get3A_233] {strides = array<i32>} : memref<128x128xf32, #tpu.memory_space<vmem>>, vector<1x16xf32>,
        %get3A_235 = vector.shape_cast %get3A_234 : vector<1x16xf32> to vector<16xf32>
        %mul3A_236 = arith.constant 11.3137083 : f32
        %mul3A_237 = vector.broadcast %mul3A_236 : f32 to vector<16xf32>
        %mul3A_238 = arith.mulf %get3A_235, %mul3A_237 : vector<16xf32>
        %swap3A_239 = arith.index_cast %add3A_209 : i32 to index
        %swap3A_240 = arith.constant 32 : index
        %swap3A_241 = tpu.vector_load %arg8[%swap3A_239, %swap3A_240] {strides = array<i32>} : memref<128x128xf32, #tpu.memory_space<vmem>>, vector<1x16xf32>,
        %swap3A_242 = vector.shape_cast %swap3A_241 : vector<1x16xf32> to vector<16xf32>
        %swap3A_243 = vector.shape_cast %mul3A_238 : vector<16xf32> to vector<1x16xf32>
        tpu.vector_store %arg8[%swap3A_239, %swap3A_240], %swap3A_243 {strides = array<i32>} : memref<128x128xf32, #tpu.memory_space<vmem>>, vector<1x16xf32>,
        %get3A_244 = arith.index_cast %add3A_209 : i32 to index
        %get3A_245 = arith.constant 48 : index
        %get3A_246 = tpu.vector_load %arg8[%get3A_244, %get3A_245] {strides = array<i32>} : memref<128x128xf32, #tpu.memory_space<vmem>>, vector<1x16xf32>,
        %get3A_247 = vector.shape_cast %get3A_246 : vector<1x16xf32> to vector<16xf32>
        %mul3A_248 = arith.constant 11.3137083 : f32
        %mul3A_249 = vector.broadcast %mul3A_248 : f32 to vector<16xf32>
        %mul3A_250 = arith.mulf %get3A_247, %mul3A_249 : vector<16xf32>
        %swap3A_251 = arith.index_cast %add3A_209 : i32 to index
        %swap3A_252 = arith.constant 48 : index
        %swap3A_253 = tpu.vector_load %arg8[%swap3A_251, %swap3A_252] {strides = array<i32>} : memref<128x128xf32, #tpu.memory_space<vmem>>, vector<1x16xf32>,
        %swap3A_254 = vector.shape_cast %swap3A_253 : vector<1x16xf32> to vector<16xf32>
        %swap3A_255 = vector.shape_cast %mul3A_250 : vector<16xf32> to vector<1x16xf32>
        tpu.vector_store %arg8[%swap3A_251, %swap3A_252], %swap3A_255 {strides = array<i32>} : memref<128x128xf32, #tpu.memory_space<vmem>>, vector<1x16xf32>,
        %get3A_256 = arith.index_cast %add3A_209 : i32 to index
        %get3A_257 = arith.constant 64 : index
        %get3A_258 = tpu.vector_load %arg8[%get3A_256, %get3A_257] {strides = array<i32>} : memref<128x128xf32, #tpu.memory_space<vmem>>, vector<1x16xf32>,
        %get3A_259 = vector.shape_cast %get3A_258 : vector<1x16xf32> to vector<16xf32>
        %mul3A_260 = arith.constant 11.3137083 : f32
        %mul3A_261 = vector.broadcast %mul3A_260 : f32 to vector<16xf32>
        %mul3A_262 = arith.mulf %get3A_259, %mul3A_261 : vector<16xf32>
        %swap3A_263 = arith.index_cast %add3A_209 : i32 to index
        %swap3A_264 = arith.constant 64 : index
        %swap3A_265 = tpu.vector_load %arg8[%swap3A_263, %swap3A_264] {strides = array<i32>} : memref<128x128xf32, #tpu.memory_space<vmem>>, vector<1x16xf32>,
        %swap3A_266 = vector.shape_cast %swap3A_265 : vector<1x16xf32> to vector<16xf32>
        %swap3A_267 = vector.shape_cast %mul3A_262 : vector<16xf32> to vector<1x16xf32>
        tpu.vector_store %arg8[%swap3A_263, %swap3A_264], %swap3A_267 {strides = array<i32>} : memref<128x128xf32, #tpu.memory_space<vmem>>, vector<1x16xf32>,
        %get3A_268 = arith.index_cast %add3A_209 : i32 to index
        %get3A_269 = arith.constant 80 : index
        %get3A_270 = tpu.vector_load %arg8[%get3A_268, %get3A_269] {strides = array<i32>} : memref<128x128xf32, #tpu.memory_space<vmem>>, vector<1x16xf32>,
        %get3A_271 = vector.shape_cast %get3A_270 : vector<1x16xf32> to vector<16xf32>
        %mul3A_272 = arith.constant 11.3137083 : f32
        %mul3A_273 = vector.broadcast %mul3A_272 : f32 to vector<16xf32>
        %mul3A_274 = arith.mulf %get3A_271, %mul3A_273 : vector<16xf32>
        %swap3A_275 = arith.index_cast %add3A_209 : i32 to index
        %swap3A_276 = arith.constant 80 : index
        %swap3A_277 = tpu.vector_load %arg8[%swap3A_275, %swap3A_276] {strides = array<i32>} : memref<128x128xf32, #tpu.memory_space<vmem>>, vector<1x16xf32>,
        %swap3A_278 = vector.shape_cast %swap3A_277 : vector<1x16xf32> to vector<16xf32>
        %swap3A_279 = vector.shape_cast %mul3A_274 : vector<16xf32> to vector<1x16xf32>
        tpu.vector_store %arg8[%swap3A_275, %swap3A_276], %swap3A_279 {strides = array<i32>} : memref<128x128xf32, #tpu.memory_space<vmem>>, vector<1x16xf32>,
        %get3A_280 = arith.index_cast %add3A_209 : i32 to index
        %get3A_281 = arith.constant 96 : index
        %get3A_282 = tpu.vector_load %arg8[%get3A_280, %get3A_281] {strides = array<i32>} : memref<128x128xf32, #tpu.memory_space<vmem>>, vector<1x16xf32>,
        %get3A_283 = vector.shape_cast %get3A_282 : vector<1x16xf32> to vector<16xf32>
        %mul3A_284 = arith.constant 11.3137083 : f32
        %mul3A_285 = vector.broadcast %mul3A_284 : f32 to vector<16xf32>
        %mul3A_286 = arith.mulf %get3A_283, %mul3A_285 : vector<16xf32>
        %swap3A_287 = arith.index_cast %add3A_209 : i32 to index
        %swap3A_288 = arith.constant 96 : index
        %swap3A_289 = tpu.vector_load %arg8[%swap3A_287, %swap3A_288] {strides = array<i32>} : memref<128x128xf32, #tpu.memory_space<vmem>>, vector<1x16xf32>,
        %swap3A_290 = vector.shape_cast %swap3A_289 : vector<1x16xf32> to vector<16xf32>
        %swap3A_291 = vector.shape_cast %mul3A_286 : vector<16xf32> to vector<1x16xf32>
        tpu.vector_store %arg8[%swap3A_287, %swap3A_288], %swap3A_291 {strides = array<i32>} : memref<128x128xf32, #tpu.memory_space<vmem>>, vector<1x16xf32>,
        %get3A_292 = arith.index_cast %add3A_209 : i32 to index
        %get3A_293 = arith.constant 112 : index
        %get3A_294 = tpu.vector_load %arg8[%get3A_292, %get3A_293] {strides = array<i32>} : memref<128x128xf32, #tpu.memory_space<vmem>>, vector<1x16xf32>,
        %get3A_295 = vector.shape_cast %get3A_294 : vector<1x16xf32> to vector<16xf32>
        %mul3A_296 = arith.constant 11.3137083 : f32
        %mul3A_297 = vector.broadcast %mul3A_296 : f32 to vector<16xf32>
        %mul3A_298 = arith.mulf %get3A_295, %mul3A_297 : vector<16xf32>
        %swap3A_299 = arith.index_cast %add3A_209 : i32 to index
        %swap3A_300 = arith.constant 112 : index
        %swap3A_301 = tpu.vector_load %arg8[%swap3A_299, %swap3A_300] {strides = array<i32>} : memref<128x128xf32, #tpu.memory_space<vmem>>, vector<1x16xf32>,
        %swap3A_302 = vector.shape_cast %swap3A_301 : vector<1x16xf32> to vector<16xf32>
        %swap3A_303 = vector.shape_cast %mul3A_298 : vector<16xf32> to vector<1x16xf32>
        tpu.vector_store %arg8[%swap3A_299, %swap3A_300], %swap3A_303 {strides = array<i32>} : memref<128x128xf32, #tpu.memory_space<vmem>>, vector<1x16xf32>,
        %mul3A_304 = arith.constant 4 : i32
        %mul3A_305 = arith.muli %scan3A_205, %mul3A_304 : i32
        %add3A_306 = arith.constant 1 : i32
        %add3A_307 = arith.addi %mul3A_305, %add3A_306 : i32
        %get3A_308 = arith.index_cast %add3A_307 : i32 to index
        %get3A_309 = arith.constant 0 : index
        %get3A_310 = tpu.vector_load %arg8[%get3A_308, %get3A_309] {strides = array<i32>} : memref<128x128xf32, #tpu.memory_space<vmem>>, vector<1x16xf32>,
        %get3A_311 = vector.shape_cast %get3A_310 : vector<1x16xf32> to vector<16xf32>
        %mul3A_312 = arith.constant 11.3137083 : f32
        %mul3A_313 = vector.broadcast %mul3A_312 : f32 to vector<16xf32>
        %mul3A_314 = arith.mulf %get3A_311, %mul3A_313 : vector<16xf32>
        %swap3A_315 = arith.index_cast %add3A_307 : i32 to index
        %swap3A_316 = arith.constant 0 : index
        %swap3A_317 = tpu.vector_load %arg8[%swap3A_315, %swap3A_316] {strides = array<i32>} : memref<128x128xf32, #tpu.memory_space<vmem>>, vector<1x16xf32>,
        %swap3A_318 = vector.shape_cast %swap3A_317 : vector<1x16xf32> to vector<16xf32>
        %swap3A_319 = vector.shape_cast %mul3A_314 : vector<16xf32> to vector<1x16xf32>
        tpu.vector_store %arg8[%swap3A_315, %swap3A_316], %swap3A_319 {strides = array<i32>} : memref<128x128xf32, #tpu.memory_space<vmem>>, vector<1x16xf32>,
        %get3A_320 = arith.index_cast %add3A_307 : i32 to index
        %get3A_321 = arith.constant 16 : index
        %get3A_322 = tpu.vector_load %arg8[%get3A_320, %get3A_321] {strides = array<i32>} : memref<128x128xf32, #tpu.memory_space<vmem>>, vector<1x16xf32>,
        %get3A_323 = vector.shape_cast %get3A_322 : vector<1x16xf32> to vector<16xf32>
        %mul3A_324 = arith.constant 11.3137083 : f32
        %mul3A_325 = vector.broadcast %mul3A_324 : f32 to vector<16xf32>
        %mul3A_326 = arith.mulf %get3A_323, %mul3A_325 : vector<16xf32>
        %swap3A_327 = arith.index_cast %add3A_307 : i32 to index
        %swap3A_328 = arith.constant 16 : index
        %swap3A_329 = tpu.vector_load %arg8[%swap3A_327, %swap3A_328] {strides = array<i32>} : memref<128x128xf32, #tpu.memory_space<vmem>>, vector<1x16xf32>,
        %swap3A_330 = vector.shape_cast %swap3A_329 : vector<1x16xf32> to vector<16xf32>
        %swap3A_331 = vector.shape_cast %mul3A_326 : vector<16xf32> to vector<1x16xf32>
        tpu.vector_store %arg8[%swap3A_327, %swap3A_328], %swap3A_331 {strides = array<i32>} : memref<128x128xf32, #tpu.memory_space<vmem>>, vector<1x16xf32>,
        %get3A_332 = arith.index_cast %add3A_307 : i32 to index
        %get3A_333 = arith.constant 32 : index
        %get3A_334 = tpu.vector_load %arg8[%get3A_332, %get3A_333] {strides = array<i32>} : memref<128x128xf32, #tpu.memory_space<vmem>>, vector<1x16xf32>,
        %get3A_335 = vector.shape_cast %get3A_334 : vector<1x16xf32> to vector<16xf32>
        %mul3A_336 = arith.constant 11.3137083 : f32
        %mul3A_337 = vector.broadcast %mul3A_336 : f32 to vector<16xf32>
        %mul3A_338 = arith.mulf %get3A_335, %mul3A_337 : vector<16xf32>
        %swap3A_339 = arith.index_cast %add3A_307 : i32 to index
        %swap3A_340 = arith.constant 32 : index
        %swap3A_341 = tpu.vector_load %arg8[%swap3A_339, %swap3A_340] {strides = array<i32>} : memref<128x128xf32, #tpu.memory_space<vmem>>, vector<1x16xf32>,
        %swap3A_342 = vector.shape_cast %swap3A_341 : vector<1x16xf32> to vector<16xf32>
        %swap3A_343 = vector.shape_cast %mul3A_338 : vector<16xf32> to vector<1x16xf32>
        tpu.vector_store %arg8[%swap3A_339, %swap3A_340], %swap3A_343 {strides = array<i32>} : memref<128x128xf32, #tpu.memory_space<vmem>>, vector<1x16xf32>,
        %get3A_344 = arith.index_cast %add3A_307 : i32 to index
        %get3A_345 = arith.constant 48 : index
        %get3A_346 = tpu.vector_load %arg8[%get3A_344, %get3A_345] {strides = array<i32>} : memref<128x128xf32, #tpu.memory_space<vmem>>, vector<1x16xf32>,
        %get3A_347 = vector.shape_cast %get3A_346 : vector<1x16xf32> to vector<16xf32>
        %mul3A_348 = arith.constant 11.3137083 : f32
        %mul3A_349 = vector.broadcast %mul3A_348 : f32 to vector<16xf32>
        %mul3A_350 = arith.mulf %get3A_347, %mul3A_349 : vector<16xf32>
        %swap3A_351 = arith.index_cast %add3A_307 : i32 to index
        %swap3A_352 = arith.constant 48 : index
        %swap3A_353 = tpu.vector_load %arg8[%swap3A_351, %swap3A_352] {strides = array<i32>} : memref<128x128xf32, #tpu.memory_space<vmem>>, vector<1x16xf32>,
        %swap3A_354 = vector.shape_cast %swap3A_353 : vector<1x16xf32> to vector<16xf32>
        %swap3A_355 = vector.shape_cast %mul3A_350 : vector<16xf32> to vector<1x16xf32>
        tpu.vector_store %arg8[%swap3A_351, %swap3A_352], %swap3A_355 {strides = array<i32>} : memref<128x128xf32, #tpu.memory_space<vmem>>, vector<1x16xf32>,
        %get3A_356 = arith.index_cast %add3A_307 : i32 to index
        %get3A_357 = arith.constant 64 : index
        %get3A_358 = tpu.vector_load %arg8[%get3A_356, %get3A_357] {strides = array<i32>} : memref<128x128xf32, #tpu.memory_space<vmem>>, vector<1x16xf32>,
        %get3A_359 = vector.shape_cast %get3A_358 : vector<1x16xf32> to vector<16xf32>
        %mul3A_360 = arith.constant 11.3137083 : f32
        %mul3A_361 = vector.broadcast %mul3A_360 : f32 to vector<16xf32>
        %mul3A_362 = arith.mulf %get3A_359, %mul3A_361 : vector<16xf32>
        %swap3A_363 = arith.index_cast %add3A_307 : i32 to index
        %swap3A_364 = arith.constant 64 : index
        %swap3A_365 = tpu.vector_load %arg8[%swap3A_363, %swap3A_364] {strides = array<i32>} : memref<128x128xf32, #tpu.memory_space<vmem>>, vector<1x16xf32>,
        %swap3A_366 = vector.shape_cast %swap3A_365 : vector<1x16xf32> to vector<16xf32>
        %swap3A_367 = vector.shape_cast %mul3A_362 : vector<16xf32> to vector<1x16xf32>
        tpu.vector_store %arg8[%swap3A_363, %swap3A_364], %swap3A_367 {strides = array<i32>} : memref<128x128xf32, #tpu.memory_space<vmem>>, vector<1x16xf32>,
        %get3A_368 = arith.index_cast %add3A_307 : i32 to index
        %get3A_369 = arith.constant 80 : index
        %get3A_370 = tpu.vector_load %arg8[%get3A_368, %get3A_369] {strides = array<i32>} : memref<128x128xf32, #tpu.memory_space<vmem>>, vector<1x16xf32>,
        %get3A_371 = vector.shape_cast %get3A_370 : vector<1x16xf32> to vector<16xf32>
        %mul3A_372 = arith.constant 11.3137083 : f32
        %mul3A_373 = vector.broadcast %mul3A_372 : f32 to vector<16xf32>
        %mul3A_374 = arith.mulf %get3A_371, %mul3A_373 : vector<16xf32>
        %swap3A_375 = arith.index_cast %add3A_307 : i32 to index
        %swap3A_376 = arith.constant 80 : index
        %swap3A_377 = tpu.vector_load %arg8[%swap3A_375, %swap3A_376] {strides = array<i32>} : memref<128x128xf32, #tpu.memory_space<vmem>>, vector<1x16xf32>,
        %swap3A_378 = vector.shape_cast %swap3A_377 : vector<1x16xf32> to vector<16xf32>
        %swap3A_379 = vector.shape_cast %mul3A_374 : vector<16xf32> to vector<1x16xf32>
        tpu.vector_store %arg8[%swap3A_375, %swap3A_376], %swap3A_379 {strides = array<i32>} : memref<128x128xf32, #tpu.memory_space<vmem>>, vector<1x16xf32>,
        %get3A_380 = arith.index_cast %add3A_307 : i32 to index
        %get3A_381 = arith.constant 96 : index
        %get3A_382 = tpu.vector_load %arg8[%get3A_380, %get3A_381] {strides = array<i32>} : memref<128x128xf32, #tpu.memory_space<vmem>>, vector<1x16xf32>,
        %get3A_383 = vector.shape_cast %get3A_382 : vector<1x16xf32> to vector<16xf32>
        %mul3A_384 = arith.constant 11.3137083 : f32
        %mul3A_385 = vector.broadcast %mul3A_384 : f32 to vector<16xf32>
        %mul3A_386 = arith.mulf %get3A_383, %mul3A_385 : vector<16xf32>
        %swap3A_387 = arith.index_cast %add3A_307 : i32 to index
        %swap3A_388 = arith.constant 96 : index
        %swap3A_389 = tpu.vector_load %arg8[%swap3A_387, %swap3A_388] {strides = array<i32>} : memref<128x128xf32, #tpu.memory_space<vmem>>, vector<1x16xf32>,
        %swap3A_390 = vector.shape_cast %swap3A_389 : vector<1x16xf32> to vector<16xf32>
        %swap3A_391 = vector.shape_cast %mul3A_386 : vector<16xf32> to vector<1x16xf32>
        tpu.vector_store %arg8[%swap3A_387, %swap3A_388], %swap3A_391 {strides = array<i32>} : memref<128x128xf32, #tpu.memory_space<vmem>>, vector<1x16xf32>,
        %get3A_392 = arith.index_cast %add3A_307 : i32 to index
        %get3A_393 = arith.constant 112 : index
        %get3A_394 = tpu.vector_load %arg8[%get3A_392, %get3A_393] {strides = array<i32>} : memref<128x128xf32, #tpu.memory_space<vmem>>, vector<1x16xf32>,
        %get3A_395 = vector.shape_cast %get3A_394 : vector<1x16xf32> to vector<16xf32>
        %mul3A_396 = arith.constant 11.3137083 : f32
        %mul3A_397 = vector.broadcast %mul3A_396 : f32 to vector<16xf32>
        %mul3A_398 = arith.mulf %get3A_395, %mul3A_397 : vector<16xf32>
        %swap3A_399 = arith.index_cast %add3A_307 : i32 to index
        %swap3A_400 = arith.constant 112 : index
        %swap3A_401 = tpu.vector_load %arg8[%swap3A_399, %swap3A_400] {strides = array<i32>} : memref<128x128xf32, #tpu.memory_space<vmem>>, vector<1x16xf32>,
        %swap3A_402 = vector.shape_cast %swap3A_401 : vector<1x16xf32> to vector<16xf32>
        %swap3A_403 = vector.shape_cast %mul3A_398 : vector<16xf32> to vector<1x16xf32>
        tpu.vector_store %arg8[%swap3A_399, %swap3A_400], %swap3A_403 {strides = array<i32>} : memref<128x128xf32, #tpu.memory_space<vmem>>, vector<1x16xf32>,
        %mul3A_404 = arith.constant 4 : i32
        %mul3A_405 = arith.muli %scan3A_205, %mul3A_404 : i32
        %add3A_406 = arith.constant 2 : i32
        %add3A_407 = arith.addi %mul3A_405, %add3A_406 : i32
        %get3A_408 = arith.index_cast %add3A_407 : i32 to index
        %get3A_409 = arith.constant 0 : index
        %get3A_410 = tpu.vector_load %arg8[%get3A_408, %get3A_409] {strides = array<i32>} : memref<128x128xf32, #tpu.memory_space<vmem>>, vector<1x16xf32>,
        %get3A_411 = vector.shape_cast %get3A_410 : vector<1x16xf32> to vector<16xf32>
        %mul3A_412 = arith.constant 11.3137083 : f32
        %mul3A_413 = vector.broadcast %mul3A_412 : f32 to vector<16xf32>
        %mul3A_414 = arith.mulf %get3A_411, %mul3A_413 : vector<16xf32>
        %swap3A_415 = arith.index_cast %add3A_407 : i32 to index
        %swap3A_416 = arith.constant 0 : index
        %swap3A_417 = tpu.vector_load %arg8[%swap3A_415, %swap3A_416] {strides = array<i32>} : memref<128x128xf32, #tpu.memory_space<vmem>>, vector<1x16xf32>,
        %swap3A_418 = vector.shape_cast %swap3A_417 : vector<1x16xf32> to vector<16xf32>
        %swap3A_419 = vector.shape_cast %mul3A_414 : vector<16xf32> to vector<1x16xf32>
        tpu.vector_store %arg8[%swap3A_415, %swap3A_416], %swap3A_419 {strides = array<i32>} : memref<128x128xf32, #tpu.memory_space<vmem>>, vector<1x16xf32>,
        %get3A_420 = arith.index_cast %add3A_407 : i32 to index
        %get3A_421 = arith.constant 16 : index
        %get3A_422 = tpu.vector_load %arg8[%get3A_420, %get3A_421] {strides = array<i32>} : memref<128x128xf32, #tpu.memory_space<vmem>>, vector<1x16xf32>,
        %get3A_423 = vector.shape_cast %get3A_422 : vector<1x16xf32> to vector<16xf32>
        %mul3A_424 = arith.constant 11.3137083 : f32
        %mul3A_425 = vector.broadcast %mul3A_424 : f32 to vector<16xf32>
        %mul3A_426 = arith.mulf %get3A_423, %mul3A_425 : vector<16xf32>
        %swap3A_427 = arith.index_cast %add3A_407 : i32 to index
        %swap3A_428 = arith.constant 16 : index
        %swap3A_429 = tpu.vector_load %arg8[%swap3A_427, %swap3A_428] {strides = array<i32>} : memref<128x128xf32, #tpu.memory_space<vmem>>, vector<1x16xf32>,
        %swap3A_430 = vector.shape_cast %swap3A_429 : vector<1x16xf32> to vector<16xf32>
        %swap3A_431 = vector.shape_cast %mul3A_426 : vector<16xf32> to vector<1x16xf32>
        tpu.vector_store %arg8[%swap3A_427, %swap3A_428], %swap3A_431 {strides = array<i32>} : memref<128x128xf32, #tpu.memory_space<vmem>>, vector<1x16xf32>,
        %get3A_432 = arith.index_cast %add3A_407 : i32 to index
        %get3A_433 = arith.constant 32 : index
        %get3A_434 = tpu.vector_load %arg8[%get3A_432, %get3A_433] {strides = array<i32>} : memref<128x128xf32, #tpu.memory_space<vmem>>, vector<1x16xf32>,
        %get3A_435 = vector.shape_cast %get3A_434 : vector<1x16xf32> to vector<16xf32>
        %mul3A_436 = arith.constant 11.3137083 : f32
        %mul3A_437 = vector.broadcast %mul3A_436 : f32 to vector<16xf32>
        %mul3A_438 = arith.mulf %get3A_435, %mul3A_437 : vector<16xf32>
        %swap3A_439 = arith.index_cast %add3A_407 : i32 to index
        %swap3A_440 = arith.constant 32 : index
        %swap3A_441 = tpu.vector_load %arg8[%swap3A_439, %swap3A_440] {strides = array<i32>} : memref<128x128xf32, #tpu.memory_space<vmem>>, vector<1x16xf32>,
        %swap3A_442 = vector.shape_cast %swap3A_441 : vector<1x16xf32> to vector<16xf32>
        %swap3A_443 = vector.shape_cast %mul3A_438 : vector<16xf32> to vector<1x16xf32>
        tpu.vector_store %arg8[%swap3A_439, %swap3A_440], %swap3A_443 {strides = array<i32>} : memref<128x128xf32, #tpu.memory_space<vmem>>, vector<1x16xf32>,
        %get3A_444 = arith.index_cast %add3A_407 : i32 to index
        %get3A_445 = arith.constant 48 : index
        %get3A_446 = tpu.vector_load %arg8[%get3A_444, %get3A_445] {strides = array<i32>} : memref<128x128xf32, #tpu.memory_space<vmem>>, vector<1x16xf32>,
        %get3A_447 = vector.shape_cast %get3A_446 : vector<1x16xf32> to vector<16xf32>
        %mul3A_448 = arith.constant 11.3137083 : f32
        %mul3A_449 = vector.broadcast %mul3A_448 : f32 to vector<16xf32>
        %mul3A_450 = arith.mulf %get3A_447, %mul3A_449 : vector<16xf32>
        %swap3A_451 = arith.index_cast %add3A_407 : i32 to index
        %swap3A_452 = arith.constant 48 : index
        %swap3A_453 = tpu.vector_load %arg8[%swap3A_451, %swap3A_452] {strides = array<i32>} : memref<128x128xf32, #tpu.memory_space<vmem>>, vector<1x16xf32>,
        %swap3A_454 = vector.shape_cast %swap3A_453 : vector<1x16xf32> to vector<16xf32>
        %swap3A_455 = vector.shape_cast %mul3A_450 : vector<16xf32> to vector<1x16xf32>
        tpu.vector_store %arg8[%swap3A_451, %swap3A_452], %swap3A_455 {strides = array<i32>} : memref<128x128xf32, #tpu.memory_space<vmem>>, vector<1x16xf32>,
        %get3A_456 = arith.index_cast %add3A_407 : i32 to index
        %get3A_457 = arith.constant 64 : index
        %get3A_458 = tpu.vector_load %arg8[%get3A_456, %get3A_457] {strides = array<i32>} : memref<128x128xf32, #tpu.memory_space<vmem>>, vector<1x16xf32>,
        %get3A_459 = vector.shape_cast %get3A_458 : vector<1x16xf32> to vector<16xf32>
        %mul3A_460 = arith.constant 11.3137083 : f32
        %mul3A_461 = vector.broadcast %mul3A_460 : f32 to vector<16xf32>
        %mul3A_462 = arith.mulf %get3A_459, %mul3A_461 : vector<16xf32>
        %swap3A_463 = arith.index_cast %add3A_407 : i32 to index
        %swap3A_464 = arith.constant 64 : index
        %swap3A_465 = tpu.vector_load %arg8[%swap3A_463, %swap3A_464] {strides = array<i32>} : memref<128x128xf32, #tpu.memory_space<vmem>>, vector<1x16xf32>,
        %swap3A_466 = vector.shape_cast %swap3A_465 : vector<1x16xf32> to vector<16xf32>
        %swap3A_467 = vector.shape_cast %mul3A_462 : vector<16xf32> to vector<1x16xf32>
        tpu.vector_store %arg8[%swap3A_463, %swap3A_464], %swap3A_467 {strides = array<i32>} : memref<128x128xf32, #tpu.memory_space<vmem>>, vector<1x16xf32>,
        %get3A_468 = arith.index_cast %add3A_407 : i32 to index
        %get3A_469 = arith.constant 80 : index
        %get3A_470 = tpu.vector_load %arg8[%get3A_468, %get3A_469] {strides = array<i32>} : memref<128x128xf32, #tpu.memory_space<vmem>>, vector<1x16xf32>,
        %get3A_471 = vector.shape_cast %get3A_470 : vector<1x16xf32> to vector<16xf32>
        %mul3A_472 = arith.constant 11.3137083 : f32
        %mul3A_473 = vector.broadcast %mul3A_472 : f32 to vector<16xf32>
        %mul3A_474 = arith.mulf %get3A_471, %mul3A_473 : vector<16xf32>
        %swap3A_475 = arith.index_cast %add3A_407 : i32 to index
        %swap3A_476 = arith.constant 80 : index
        %swap3A_477 = tpu.vector_load %arg8[%swap3A_475, %swap3A_476] {strides = array<i32>} : memref<128x128xf32, #tpu.memory_space<vmem>>, vector<1x16xf32>,
        %swap3A_478 = vector.shape_cast %swap3A_477 : vector<1x16xf32> to vector<16xf32>
        %swap3A_479 = vector.shape_cast %mul3A_474 : vector<16xf32> to vector<1x16xf32>
        tpu.vector_store %arg8[%swap3A_475, %swap3A_476], %swap3A_479 {strides = array<i32>} : memref<128x128xf32, #tpu.memory_space<vmem>>, vector<1x16xf32>,
        %get3A_480 = arith.index_cast %add3A_407 : i32 to index
        %get3A_481 = arith.constant 96 : index
        %get3A_482 = tpu.vector_load %arg8[%get3A_480, %get3A_481] {strides = array<i32>} : memref<128x128xf32, #tpu.memory_space<vmem>>, vector<1x16xf32>,
        %get3A_483 = vector.shape_cast %get3A_482 : vector<1x16xf32> to vector<16xf32>
        %mul3A_484 = arith.constant 11.3137083 : f32
        %mul3A_485 = vector.broadcast %mul3A_484 : f32 to vector<16xf32>
        %mul3A_486 = arith.mulf %get3A_483, %mul3A_485 : vector<16xf32>
        %swap3A_487 = arith.index_cast %add3A_407 : i32 to index
        %swap3A_488 = arith.constant 96 : index
        %swap3A_489 = tpu.vector_load %arg8[%swap3A_487, %swap3A_488] {strides = array<i32>} : memref<128x128xf32, #tpu.memory_space<vmem>>, vector<1x16xf32>,
        %swap3A_490 = vector.shape_cast %swap3A_489 : vector<1x16xf32> to vector<16xf32>
        %swap3A_491 = vector.shape_cast %mul3A_486 : vector<16xf32> to vector<1x16xf32>
        tpu.vector_store %arg8[%swap3A_487, %swap3A_488], %swap3A_491 {strides = array<i32>} : memref<128x128xf32, #tpu.memory_space<vmem>>, vector<1x16xf32>,
        %get3A_492 = arith.index_cast %add3A_407 : i32 to index
        %get3A_493 = arith.constant 112 : index
        %get3A_494 = tpu.vector_load %arg8[%get3A_492, %get3A_493] {strides = array<i32>} : memref<128x128xf32, #tpu.memory_space<vmem>>, vector<1x16xf32>,
        %get3A_495 = vector.shape_cast %get3A_494 : vector<1x16xf32> to vector<16xf32>
        %mul3A_496 = arith.constant 11.3137083 : f32
        %mul3A_497 = vector.broadcast %mul3A_496 : f32 to vector<16xf32>
        %mul3A_498 = arith.mulf %get3A_495, %mul3A_497 : vector<16xf32>
        %swap3A_499 = arith.index_cast %add3A_407 : i32 to index
        %swap3A_500 = arith.constant 112 : index
        %swap3A_501 = tpu.vector_load %arg8[%swap3A_499, %swap3A_500] {strides = array<i32>} : memref<128x128xf32, #tpu.memory_space<vmem>>, vector<1x16xf32>,
        %swap3A_502 = vector.shape_cast %swap3A_501 : vector<1x16xf32> to vector<16xf32>
        %swap3A_503 = vector.shape_cast %mul3A_498 : vector<16xf32> to vector<1x16xf32>
        tpu.vector_store %arg8[%swap3A_499, %swap3A_500], %swap3A_503 {strides = array<i32>} : memref<128x128xf32, #tpu.memory_space<vmem>>, vector<1x16xf32>,
        %mul3A_504 = arith.constant 4 : i32
        %mul3A_505 = arith.muli %scan3A_205, %mul3A_504 : i32
        %add3A_506 = arith.constant 3 : i32
        %add3A_507 = arith.addi %mul3A_505, %add3A_506 : i32
        %get3A_508 = arith.index_cast %add3A_507 : i32 to index
        %get3A_509 = arith.constant 0 : index
        %get3A_510 = tpu.vector_load %arg8[%get3A_508, %get3A_509] {strides = array<i32>} : memref<128x128xf32, #tpu.memory_space<vmem>>, vector<1x16xf32>,
        %get3A_511 = vector.shape_cast %get3A_510 : vector<1x16xf32> to vector<16xf32>
        %mul3A_512 = arith.constant 11.3137083 : f32
        %mul3A_513 = vector.broadcast %mul3A_512 : f32 to vector<16xf32>
        %mul3A_514 = arith.mulf %get3A_511, %mul3A_513 : vector<16xf32>
        %swap3A_515 = arith.index_cast %add3A_507 : i32 to index
        %swap3A_516 = arith.constant 0 : index
        %swap3A_517 = tpu.vector_load %arg8[%swap3A_515, %swap3A_516] {strides = array<i32>} : memref<128x128xf32, #tpu.memory_space<vmem>>, vector<1x16xf32>,
        %swap3A_518 = vector.shape_cast %swap3A_517 : vector<1x16xf32> to vector<16xf32>
        %swap3A_519 = vector.shape_cast %mul3A_514 : vector<16xf32> to vector<1x16xf32>
        tpu.vector_store %arg8[%swap3A_515, %swap3A_516], %swap3A_519 {strides = array<i32>} : memref<128x128xf32, #tpu.memory_space<vmem>>, vector<1x16xf32>,
        %get3A_520 = arith.index_cast %add3A_507 : i32 to index
        %get3A_521 = arith.constant 16 : index
        %get3A_522 = tpu.vector_load %arg8[%get3A_520, %get3A_521] {strides = array<i32>} : memref<128x128xf32, #tpu.memory_space<vmem>>, vector<1x16xf32>,
        %get3A_523 = vector.shape_cast %get3A_522 : vector<1x16xf32> to vector<16xf32>
        %mul3A_524 = arith.constant 11.3137083 : f32
        %mul3A_525 = vector.broadcast %mul3A_524 : f32 to vector<16xf32>
        %mul3A_526 = arith.mulf %get3A_523, %mul3A_525 : vector<16xf32>
        %swap3A_527 = arith.index_cast %add3A_507 : i32 to index
        %swap3A_528 = arith.constant 16 : index
        %swap3A_529 = tpu.vector_load %arg8[%swap3A_527, %swap3A_528] {strides = array<i32>} : memref<128x128xf32, #tpu.memory_space<vmem>>, vector<1x16xf32>,
        %swap3A_530 = vector.shape_cast %swap3A_529 : vector<1x16xf32> to vector<16xf32>
        %swap3A_531 = vector.shape_cast %mul3A_526 : vector<16xf32> to vector<1x16xf32>
        tpu.vector_store %arg8[%swap3A_527, %swap3A_528], %swap3A_531 {strides = array<i32>} : memref<128x128xf32, #tpu.memory_space<vmem>>, vector<1x16xf32>,
        %get3A_532 = arith.index_cast %add3A_507 : i32 to index
        %get3A_533 = arith.constant 32 : index
        %get3A_534 = tpu.vector_load %arg8[%get3A_532, %get3A_533] {strides = array<i32>} : memref<128x128xf32, #tpu.memory_space<vmem>>, vector<1x16xf32>,
        %get3A_535 = vector.shape_cast %get3A_534 : vector<1x16xf32> to vector<16xf32>
        %mul3A_536 = arith.constant 11.3137083 : f32
        %mul3A_537 = vector.broadcast %mul3A_536 : f32 to vector<16xf32>
        %mul3A_538 = arith.mulf %get3A_535, %mul3A_537 : vector<16xf32>
        %swap3A_539 = arith.index_cast %add3A_507 : i32 to index
        %swap3A_540 = arith.constant 32 : index
        %swap3A_541 = tpu.vector_load %arg8[%swap3A_539, %swap3A_540] {strides = array<i32>} : memref<128x128xf32, #tpu.memory_space<vmem>>, vector<1x16xf32>,
        %swap3A_542 = vector.shape_cast %swap3A_541 : vector<1x16xf32> to vector<16xf32>
        %swap3A_543 = vector.shape_cast %mul3A_538 : vector<16xf32> to vector<1x16xf32>
        tpu.vector_store %arg8[%swap3A_539, %swap3A_540], %swap3A_543 {strides = array<i32>} : memref<128x128xf32, #tpu.memory_space<vmem>>, vector<1x16xf32>,
        %get3A_544 = arith.index_cast %add3A_507 : i32 to index
        %get3A_545 = arith.constant 48 : index
        %get3A_546 = tpu.vector_load %arg8[%get3A_544, %get3A_545] {strides = array<i32>} : memref<128x128xf32, #tpu.memory_space<vmem>>, vector<1x16xf32>,
        %get3A_547 = vector.shape_cast %get3A_546 : vector<1x16xf32> to vector<16xf32>
        %mul3A_548 = arith.constant 11.3137083 : f32
        %mul3A_549 = vector.broadcast %mul3A_548 : f32 to vector<16xf32>
        %mul3A_550 = arith.mulf %get3A_547, %mul3A_549 : vector<16xf32>
        %swap3A_551 = arith.index_cast %add3A_507 : i32 to index
        %swap3A_552 = arith.constant 48 : index
        %swap3A_553 = tpu.vector_load %arg8[%swap3A_551, %swap3A_552] {strides = array<i32>} : memref<128x128xf32, #tpu.memory_space<vmem>>, vector<1x16xf32>,
        %swap3A_554 = vector.shape_cast %swap3A_553 : vector<1x16xf32> to vector<16xf32>
        %swap3A_555 = vector.shape_cast %mul3A_550 : vector<16xf32> to vector<1x16xf32>
        tpu.vector_store %arg8[%swap3A_551, %swap3A_552], %swap3A_555 {strides = array<i32>} : memref<128x128xf32, #tpu.memory_space<vmem>>, vector<1x16xf32>,
        %get3A_556 = arith.index_cast %add3A_507 : i32 to index
        %get3A_557 = arith.constant 64 : index
        %get3A_558 = tpu.vector_load %arg8[%get3A_556, %get3A_557] {strides = array<i32>} : memref<128x128xf32, #tpu.memory_space<vmem>>, vector<1x16xf32>,
        %get3A_559 = vector.shape_cast %get3A_558 : vector<1x16xf32> to vector<16xf32>
        %mul3A_560 = arith.constant 11.3137083 : f32
        %mul3A_561 = vector.broadcast %mul3A_560 : f32 to vector<16xf32>
        %mul3A_562 = arith.mulf %get3A_559, %mul3A_561 : vector<16xf32>
        %swap3A_563 = arith.index_cast %add3A_507 : i32 to index
        %swap3A_564 = arith.constant 64 : index
        %swap3A_565 = tpu.vector_load %arg8[%swap3A_563, %swap3A_564] {strides = array<i32>} : memref<128x128xf32, #tpu.memory_space<vmem>>, vector<1x16xf32>,
        %swap3A_566 = vector.shape_cast %swap3A_565 : vector<1x16xf32> to vector<16xf32>
        %swap3A_567 = vector.shape_cast %mul3A_562 : vector<16xf32> to vector<1x16xf32>
        tpu.vector_store %arg8[%swap3A_563, %swap3A_564], %swap3A_567 {strides = array<i32>} : memref<128x128xf32, #tpu.memory_space<vmem>>, vector<1x16xf32>,
        %get3A_568 = arith.index_cast %add3A_507 : i32 to index
        %get3A_569 = arith.constant 80 : index
        %get3A_570 = tpu.vector_load %arg8[%get3A_568, %get3A_569] {strides = array<i32>} : memref<128x128xf32, #tpu.memory_space<vmem>>, vector<1x16xf32>,
        %get3A_571 = vector.shape_cast %get3A_570 : vector<1x16xf32> to vector<16xf32>
        %mul3A_572 = arith.constant 11.3137083 : f32
        %mul3A_573 = vector.broadcast %mul3A_572 : f32 to vector<16xf32>
        %mul3A_574 = arith.mulf %get3A_571, %mul3A_573 : vector<16xf32>
        %swap3A_575 = arith.index_cast %add3A_507 : i32 to index
        %swap3A_576 = arith.constant 80 : index
        %swap3A_577 = tpu.vector_load %arg8[%swap3A_575, %swap3A_576] {strides = array<i32>} : memref<128x128xf32, #tpu.memory_space<vmem>>, vector<1x16xf32>,
        %swap3A_578 = vector.shape_cast %swap3A_577 : vector<1x16xf32> to vector<16xf32>
        %swap3A_579 = vector.shape_cast %mul3A_574 : vector<16xf32> to vector<1x16xf32>
        tpu.vector_store %arg8[%swap3A_575, %swap3A_576], %swap3A_579 {strides = array<i32>} : memref<128x128xf32, #tpu.memory_space<vmem>>, vector<1x16xf32>,
        %get3A_580 = arith.index_cast %add3A_507 : i32 to index
        %get3A_581 = arith.constant 96 : index
        %get3A_582 = tpu.vector_load %arg8[%get3A_580, %get3A_581] {strides = array<i32>} : memref<128x128xf32, #tpu.memory_space<vmem>>, vector<1x16xf32>,
        %get3A_583 = vector.shape_cast %get3A_582 : vector<1x16xf32> to vector<16xf32>
        %mul3A_584 = arith.constant 11.3137083 : f32
        %mul3A_585 = vector.broadcast %mul3A_584 : f32 to vector<16xf32>
        %mul3A_586 = arith.mulf %get3A_583, %mul3A_585 : vector<16xf32>
        %swap3A_587 = arith.index_cast %add3A_507 : i32 to index
        %swap3A_588 = arith.constant 96 : index
        %swap3A_589 = tpu.vector_load %arg8[%swap3A_587, %swap3A_588] {strides = array<i32>} : memref<128x128xf32, #tpu.memory_space<vmem>>, vector<1x16xf32>,
        %swap3A_590 = vector.shape_cast %swap3A_589 : vector<1x16xf32> to vector<16xf32>
        %swap3A_591 = vector.shape_cast %mul3A_586 : vector<16xf32> to vector<1x16xf32>
        tpu.vector_store %arg8[%swap3A_587, %swap3A_588], %swap3A_591 {strides = array<i32>} : memref<128x128xf32, #tpu.memory_space<vmem>>, vector<1x16xf32>,
        %get3A_592 = arith.index_cast %add3A_507 : i32 to index
        %get3A_593 = arith.constant 112 : index
        %get3A_594 = tpu.vector_load %arg8[%get3A_592, %get3A_593] {strides = array<i32>} : memref<128x128xf32, #tpu.memory_space<vmem>>, vector<1x16xf32>,
        %get3A_595 = vector.shape_cast %get3A_594 : vector<1x16xf32> to vector<16xf32>
        %mul3A_596 = arith.constant 11.3137083 : f32
        %mul3A_597 = vector.broadcast %mul3A_596 : f32 to vector<16xf32>
        %mul3A_598 = arith.mulf %get3A_595, %mul3A_597 : vector<16xf32>
        %swap3A_599 = arith.index_cast %add3A_507 : i32 to index
        %swap3A_600 = arith.constant 112 : index
        %swap3A_601 = tpu.vector_load %arg8[%swap3A_599, %swap3A_600] {strides = array<i32>} : memref<128x128xf32, #tpu.memory_space<vmem>>, vector<1x16xf32>,
        %swap3A_602 = vector.shape_cast %swap3A_601 : vector<1x16xf32> to vector<16xf32>
        %swap3A_603 = vector.shape_cast %mul3A_598 : vector<16xf32> to vector<1x16xf32>
        tpu.vector_store %arg8[%swap3A_599, %swap3A_600], %swap3A_603 {strides = array<i32>} : memref<128x128xf32, #tpu.memory_space<vmem>>, vector<1x16xf32>,
      }
      %scan3A_137 = arith.constant 32 : i32
      %mul3A_138 = arith.constant 128 : i32
      %mul3A_139 = arith.muli %add3A_116, %mul3A_138 : i32
      %add3A_140 = arith.addi %mul3A_2, %mul3A_139 : i32
      %dma_start3A_141 = arith.constant 0 : i32
      %dma_start3A_142 = tpu.memref_slice %arg4[%add3A_140, %dma_start3A_141] : memref<204800x128xf32, #tpu.memory_space<hbm>> -> memref<128x128xf32, #tpu.memory_space<hbm>>
      %dma_start3A_143 = arith.constant 0 : i32
      %dma_start3A_144 = tpu.memref_slice %arg4[%add3A_140, %dma_start3A_143] : memref<204800x128xf32, #tpu.memory_space<hbm>> -> memref<128x128xf32, #tpu.memory_space<hbm>>
      tpu.enqueue_dma source(%arg8 : memref<128x128xf32, #tpu.memory_space<vmem>>) target(%dma_start3A_144 : memref<128x128xf32, #tpu.memory_space<hbm>>) target_semaphore(%arg18 : memref<!tpu.dma_semaphore, #tpu.memory_space<semaphore_mem>>)
      %add3A_145 = arith.constant 3 : i32
      %add3A_146 = arith.addi %mul3A_58, %add3A_145 : i32
      %add3A_147 = arith.constant 5 : i32
      %add3A_148 = arith.addi %add3A_146, %add3A_147 : i32
      %sub3A_149 = arith.constant 1 : i32
      %sub3A_150 = arith.subi %add3A_148, %sub3A_149 : i32
      %lt3A_151 = arith.constant 50 : i32
      %lt3A_152 = arith.cmpi slt, %sub3A_150, %lt3A_151 : i32
      %convert_element_type3A_153 = arith.extui %lt3A_152 : i1 to i32
      %cond3A_154 = arith.constant 0 : i32
      %cond3A_155 = arith.cmpi ne, %convert_element_type3A_153, %cond3A_154 : i32
      scf.if %cond3A_155 {
        %ge3A = arith.constant 1 : i32
        %ge3A_205 = arith.cmpi sge, %add3A_146, %ge3A : i32
        %convert_element_type3A_206 = arith.extui %ge3A_205 : i1 to i32
        %cond3A_207 = arith.constant 0 : i32
        %cond3A_208 = arith.cmpi ne, %convert_element_type3A_206, %cond3A_207 : i32
        scf.if %cond3A_208 {
          %dma_wait3A_219 = arith.constant 0 : i32
          %dma_wait3A_220 = arith.constant 0 : i32
          %dma_wait3A_221 = tpu.memref_slice %arg4[%dma_wait3A_219, %dma_wait3A_220] : memref<204800x128xf32, #tpu.memory_space<hbm>> -> memref<128x128xf32, #tpu.memory_space<hbm>>
          %dma_wait3A_222 = arith.constant 0 : i32
          %dma_wait3A_223 = arith.constant 0 : i32
          %dma_wait3A_224 = tpu.memref_slice %arg4[%dma_wait3A_222, %dma_wait3A_223] : memref<204800x128xf32, #tpu.memory_space<hbm>> -> memref<128x128xf32, #tpu.memory_space<hbm>>
          tpu.wait_dma2 semaphore(%arg18 : memref<!tpu.dma_semaphore, #tpu.memory_space<semaphore_mem>>) src(%arg8 : memref<128x128xf32, #tpu.memory_space<vmem>>) dst(%dma_wait3A_224 : memref<128x128xf32, #tpu.memory_space<hbm>>)
        } else {
        }
        %add3A_209 = arith.constant 5 : i32
        %add3A_210 = arith.addi %add3A_146, %add3A_209 : i32
        %sub3A_211 = arith.constant 1 : i32
        %sub3A_212 = arith.subi %add3A_210, %sub3A_211 : i32
        %mul3A_213 = arith.constant 128 : i32
        %mul3A_214 = arith.muli %sub3A_212, %mul3A_213 : i32
        %dma_start3A_215 = tpu.memref_slice %arg5[%mul3A_214] : memref<6400xi32, #tpu.memory_space<vmem>> -> memref<128xi32, #tpu.memory_space<vmem>>
        %dma_start3A_216 = arith.constant 0 : i32
        %dma_start3A_217 = arith.constant 0 : i32
        %dma_start3A_218 = tpu.memref_slice %arg2[%dma_start3A_216, %dma_start3A_217] : memref<100000x128xf32, #tpu.memory_space<hbm>> -> memref<100000x128xf32, #tpu.memory_space<hbm>>
        tpu.enqueue_indirect_dma source(%dma_start3A_218 : memref<100000x128xf32, #tpu.memory_space<hbm>>) target(%arg8 : memref<128x128xf32, #tpu.memory_space<vmem>>) offsets(%dma_start3A_215 : memref<128xi32, #tpu.memory_space<vmem>>) semaphore(%arg13 : memref<!tpu.dma_semaphore, #tpu.memory_space<semaphore_mem>>)
      } else {
      }
      %dma_wait3A_156 = arith.constant 0 : i32
      %dma_wait3A_157 = arith.constant 0 : i32
      %dma_wait3A_158 = tpu.memref_slice %arg2[%dma_wait3A_156, %dma_wait3A_157] : memref<100000x128xf32, #tpu.memory_space<hbm>> -> memref<128x128xf32, #tpu.memory_space<hbm>>
      %dma_wait3A_159 = arith.constant 0 : i32
      %dma_wait3A_160 = arith.constant 0 : i32
      %dma_wait3A_161 = tpu.memref_slice %arg2[%dma_wait3A_159, %dma_wait3A_160] : memref<100000x128xf32, #tpu.memory_space<hbm>> -> memref<128x128xf32, #tpu.memory_space<hbm>>
      tpu.wait_dma2 semaphore(%arg14 : memref<!tpu.dma_semaphore, #tpu.memory_space<semaphore_mem>>) src(%dma_wait3A_161 : memref<128x128xf32, #tpu.memory_space<hbm>>) dst(%arg9 : memref<128x128xf32, #tpu.memory_space<vmem>>)
      %scan3A_162 = arith.constant 0 : i32
      %scan3A_163 = arith.constant 0 : i32
      %scan3A_164 = arith.constant 32 : i32
      %scan3A_165 = arith.addi %scan3A_163, %scan3A_164 : i32
      %scan3A_166 = arith.constant 1 : i32
      scf.for %scan3A_205 = %scan3A_163 to %scan3A_165 step %scan3A_166  : i32 {
        %mul3A_206 = arith.constant 4 : i32
        %mul3A_207 = arith.muli %scan3A_205, %mul3A_206 : i32
        %add3A_208 = arith.constant 0 : i32
        %add3A_209 = arith.addi %mul3A_207, %add3A_208 : i32
        %get3A = arith.index_cast %add3A_209 : i32 to index
        %get3A_210 = arith.constant 0 : index
        %get3A_211 = tpu.vector_load %arg9[%get3A, %get3A_210] {strides = array<i32>} : memref<128x128xf32, #tpu.memory_space<vmem>>, vector<1x16xf32>,
        %get3A_212 = vector.shape_cast %get3A_211 : vector<1x16xf32> to vector<16xf32>
        %mul3A_213 = arith.constant 11.3137083 : f32
        %mul3A_214 = vector.broadcast %mul3A_213 : f32 to vector<16xf32>
        %mul3A_215 = arith.mulf %get3A_212, %mul3A_214 : vector<16xf32>
        %swap3A = arith.index_cast %add3A_209 : i32 to index
        %swap3A_216 = arith.constant 0 : index
        %swap3A_217 = tpu.vector_load %arg9[%swap3A, %swap3A_216] {strides = array<i32>} : memref<128x128xf32, #tpu.memory_space<vmem>>, vector<1x16xf32>,
        %swap3A_218 = vector.shape_cast %swap3A_217 : vector<1x16xf32> to vector<16xf32>
        %swap3A_219 = vector.shape_cast %mul3A_215 : vector<16xf32> to vector<1x16xf32>
        tpu.vector_store %arg9[%swap3A, %swap3A_216], %swap3A_219 {strides = array<i32>} : memref<128x128xf32, #tpu.memory_space<vmem>>, vector<1x16xf32>,
        %get3A_220 = arith.index_cast %add3A_209 : i32 to index
        %get3A_221 = arith.constant 16 : index
        %get3A_222 = tpu.vector_load %arg9[%get3A_220, %get3A_221] {strides = array<i32>} : memref<128x128xf32, #tpu.memory_space<vmem>>, vector<1x16xf32>,
        %get3A_223 = vector.shape_cast %get3A_222 : vector<1x16xf32> to vector<16xf32>
        %mul3A_224 = arith.constant 11.3137083 : f32
        %mul3A_225 = vector.broadcast %mul3A_224 : f32 to vector<16xf32>
        %mul3A_226 = arith.mulf %get3A_223, %mul3A_225 : vector<16xf32>
        %swap3A_227 = arith.index_cast %add3A_209 : i32 to index
        %swap3A_228 = arith.constant 16 : index
        %swap3A_229 = tpu.vector_load %arg9[%swap3A_227, %swap3A_228] {strides = array<i32>} : memref<128x128xf32, #tpu.memory_space<vmem>>, vector<1x16xf32>,
        %swap3A_230 = vector.shape_cast %swap3A_229 : vector<1x16xf32> to vector<16xf32>
        %swap3A_231 = vector.shape_cast %mul3A_226 : vector<16xf32> to vector<1x16xf32>
        tpu.vector_store %arg9[%swap3A_227, %swap3A_228], %swap3A_231 {strides = array<i32>} : memref<128x128xf32, #tpu.memory_space<vmem>>, vector<1x16xf32>,
        %get3A_232 = arith.index_cast %add3A_209 : i32 to index
        %get3A_233 = arith.constant 32 : index
        %get3A_234 = tpu.vector_load %arg9[%get3A_232, %get3A_233] {strides = array<i32>} : memref<128x128xf32, #tpu.memory_space<vmem>>, vector<1x16xf32>,
        %get3A_235 = vector.shape_cast %get3A_234 : vector<1x16xf32> to vector<16xf32>
        %mul3A_236 = arith.constant 11.3137083 : f32
        %mul3A_237 = vector.broadcast %mul3A_236 : f32 to vector<16xf32>
        %mul3A_238 = arith.mulf %get3A_235, %mul3A_237 : vector<16xf32>
        %swap3A_239 = arith.index_cast %add3A_209 : i32 to index
        %swap3A_240 = arith.constant 32 : index
        %swap3A_241 = tpu.vector_load %arg9[%swap3A_239, %swap3A_240] {strides = array<i32>} : memref<128x128xf32, #tpu.memory_space<vmem>>, vector<1x16xf32>,
        %swap3A_242 = vector.shape_cast %swap3A_241 : vector<1x16xf32> to vector<16xf32>
        %swap3A_243 = vector.shape_cast %mul3A_238 : vector<16xf32> to vector<1x16xf32>
        tpu.vector_store %arg9[%swap3A_239, %swap3A_240], %swap3A_243 {strides = array<i32>} : memref<128x128xf32, #tpu.memory_space<vmem>>, vector<1x16xf32>,
        %get3A_244 = arith.index_cast %add3A_209 : i32 to index
        %get3A_245 = arith.constant 48 : index
        %get3A_246 = tpu.vector_load %arg9[%get3A_244, %get3A_245] {strides = array<i32>} : memref<128x128xf32, #tpu.memory_space<vmem>>, vector<1x16xf32>,
        %get3A_247 = vector.shape_cast %get3A_246 : vector<1x16xf32> to vector<16xf32>
        %mul3A_248 = arith.constant 11.3137083 : f32
        %mul3A_249 = vector.broadcast %mul3A_248 : f32 to vector<16xf32>
        %mul3A_250 = arith.mulf %get3A_247, %mul3A_249 : vector<16xf32>
        %swap3A_251 = arith.index_cast %add3A_209 : i32 to index
        %swap3A_252 = arith.constant 48 : index
        %swap3A_253 = tpu.vector_load %arg9[%swap3A_251, %swap3A_252] {strides = array<i32>} : memref<128x128xf32, #tpu.memory_space<vmem>>, vector<1x16xf32>,
        %swap3A_254 = vector.shape_cast %swap3A_253 : vector<1x16xf32> to vector<16xf32>
        %swap3A_255 = vector.shape_cast %mul3A_250 : vector<16xf32> to vector<1x16xf32>
        tpu.vector_store %arg9[%swap3A_251, %swap3A_252], %swap3A_255 {strides = array<i32>} : memref<128x128xf32, #tpu.memory_space<vmem>>, vector<1x16xf32>,
        %get3A_256 = arith.index_cast %add3A_209 : i32 to index
        %get3A_257 = arith.constant 64 : index
        %get3A_258 = tpu.vector_load %arg9[%get3A_256, %get3A_257] {strides = array<i32>} : memref<128x128xf32, #tpu.memory_space<vmem>>, vector<1x16xf32>,
        %get3A_259 = vector.shape_cast %get3A_258 : vector<1x16xf32> to vector<16xf32>
        %mul3A_260 = arith.constant 11.3137083 : f32
        %mul3A_261 = vector.broadcast %mul3A_260 : f32 to vector<16xf32>
        %mul3A_262 = arith.mulf %get3A_259, %mul3A_261 : vector<16xf32>
        %swap3A_263 = arith.index_cast %add3A_209 : i32 to index
        %swap3A_264 = arith.constant 64 : index
        %swap3A_265 = tpu.vector_load %arg9[%swap3A_263, %swap3A_264] {strides = array<i32>} : memref<128x128xf32, #tpu.memory_space<vmem>>, vector<1x16xf32>,
        %swap3A_266 = vector.shape_cast %swap3A_265 : vector<1x16xf32> to vector<16xf32>
        %swap3A_267 = vector.shape_cast %mul3A_262 : vector<16xf32> to vector<1x16xf32>
        tpu.vector_store %arg9[%swap3A_263, %swap3A_264], %swap3A_267 {strides = array<i32>} : memref<128x128xf32, #tpu.memory_space<vmem>>, vector<1x16xf32>,
        %get3A_268 = arith.index_cast %add3A_209 : i32 to index
        %get3A_269 = arith.constant 80 : index
        %get3A_270 = tpu.vector_load %arg9[%get3A_268, %get3A_269] {strides = array<i32>} : memref<128x128xf32, #tpu.memory_space<vmem>>, vector<1x16xf32>,
        %get3A_271 = vector.shape_cast %get3A_270 : vector<1x16xf32> to vector<16xf32>
        %mul3A_272 = arith.constant 11.3137083 : f32
        %mul3A_273 = vector.broadcast %mul3A_272 : f32 to vector<16xf32>
        %mul3A_274 = arith.mulf %get3A_271, %mul3A_273 : vector<16xf32>
        %swap3A_275 = arith.index_cast %add3A_209 : i32 to index
        %swap3A_276 = arith.constant 80 : index
        %swap3A_277 = tpu.vector_load %arg9[%swap3A_275, %swap3A_276] {strides = array<i32>} : memref<128x128xf32, #tpu.memory_space<vmem>>, vector<1x16xf32>,
        %swap3A_278 = vector.shape_cast %swap3A_277 : vector<1x16xf32> to vector<16xf32>
        %swap3A_279 = vector.shape_cast %mul3A_274 : vector<16xf32> to vector<1x16xf32>
        tpu.vector_store %arg9[%swap3A_275, %swap3A_276], %swap3A_279 {strides = array<i32>} : memref<128x128xf32, #tpu.memory_space<vmem>>, vector<1x16xf32>,
        %get3A_280 = arith.index_cast %add3A_209 : i32 to index
        %get3A_281 = arith.constant 96 : index
        %get3A_282 = tpu.vector_load %arg9[%get3A_280, %get3A_281] {strides = array<i32>} : memref<128x128xf32, #tpu.memory_space<vmem>>, vector<1x16xf32>,
        %get3A_283 = vector.shape_cast %get3A_282 : vector<1x16xf32> to vector<16xf32>
        %mul3A_284 = arith.constant 11.3137083 : f32
        %mul3A_285 = vector.broadcast %mul3A_284 : f32 to vector<16xf32>
        %mul3A_286 = arith.mulf %get3A_283, %mul3A_285 : vector<16xf32>
        %swap3A_287 = arith.index_cast %add3A_209 : i32 to index
        %swap3A_288 = arith.constant 96 : index
        %swap3A_289 = tpu.vector_load %arg9[%swap3A_287, %swap3A_288] {strides = array<i32>} : memref<128x128xf32, #tpu.memory_space<vmem>>, vector<1x16xf32>,
        %swap3A_290 = vector.shape_cast %swap3A_289 : vector<1x16xf32> to vector<16xf32>
        %swap3A_291 = vector.shape_cast %mul3A_286 : vector<16xf32> to vector<1x16xf32>
        tpu.vector_store %arg9[%swap3A_287, %swap3A_288], %swap3A_291 {strides = array<i32>} : memref<128x128xf32, #tpu.memory_space<vmem>>, vector<1x16xf32>,
        %get3A_292 = arith.index_cast %add3A_209 : i32 to index
        %get3A_293 = arith.constant 112 : index
        %get3A_294 = tpu.vector_load %arg9[%get3A_292, %get3A_293] {strides = array<i32>} : memref<128x128xf32, #tpu.memory_space<vmem>>, vector<1x16xf32>,
        %get3A_295 = vector.shape_cast %get3A_294 : vector<1x16xf32> to vector<16xf32>
        %mul3A_296 = arith.constant 11.3137083 : f32
        %mul3A_297 = vector.broadcast %mul3A_296 : f32 to vector<16xf32>
        %mul3A_298 = arith.mulf %get3A_295, %mul3A_297 : vector<16xf32>
        %swap3A_299 = arith.index_cast %add3A_209 : i32 to index
        %swap3A_300 = arith.constant 112 : index
        %swap3A_301 = tpu.vector_load %arg9[%swap3A_299, %swap3A_300] {strides = array<i32>} : memref<128x128xf32, #tpu.memory_space<vmem>>, vector<1x16xf32>,
        %swap3A_302 = vector.shape_cast %swap3A_301 : vector<1x16xf32> to vector<16xf32>
        %swap3A_303 = vector.shape_cast %mul3A_298 : vector<16xf32> to vector<1x16xf32>
        tpu.vector_store %arg9[%swap3A_299, %swap3A_300], %swap3A_303 {strides = array<i32>} : memref<128x128xf32, #tpu.memory_space<vmem>>, vector<1x16xf32>,
        %mul3A_304 = arith.constant 4 : i32
        %mul3A_305 = arith.muli %scan3A_205, %mul3A_304 : i32
        %add3A_306 = arith.constant 1 : i32
        %add3A_307 = arith.addi %mul3A_305, %add3A_306 : i32
        %get3A_308 = arith.index_cast %add3A_307 : i32 to index
        %get3A_309 = arith.constant 0 : index
        %get3A_310 = tpu.vector_load %arg9[%get3A_308, %get3A_309] {strides = array<i32>} : memref<128x128xf32, #tpu.memory_space<vmem>>, vector<1x16xf32>,
        %get3A_311 = vector.shape_cast %get3A_310 : vector<1x16xf32> to vector<16xf32>
        %mul3A_312 = arith.constant 11.3137083 : f32
        %mul3A_313 = vector.broadcast %mul3A_312 : f32 to vector<16xf32>
        %mul3A_314 = arith.mulf %get3A_311, %mul3A_313 : vector<16xf32>
        %swap3A_315 = arith.index_cast %add3A_307 : i32 to index
        %swap3A_316 = arith.constant 0 : index
        %swap3A_317 = tpu.vector_load %arg9[%swap3A_315, %swap3A_316] {strides = array<i32>} : memref<128x128xf32, #tpu.memory_space<vmem>>, vector<1x16xf32>,
        %swap3A_318 = vector.shape_cast %swap3A_317 : vector<1x16xf32> to vector<16xf32>
        %swap3A_319 = vector.shape_cast %mul3A_314 : vector<16xf32> to vector<1x16xf32>
        tpu.vector_store %arg9[%swap3A_315, %swap3A_316], %swap3A_319 {strides = array<i32>} : memref<128x128xf32, #tpu.memory_space<vmem>>, vector<1x16xf32>,
        %get3A_320 = arith.index_cast %add3A_307 : i32 to index
        %get3A_321 = arith.constant 16 : index
        %get3A_322 = tpu.vector_load %arg9[%get3A_320, %get3A_321] {strides = array<i32>} : memref<128x128xf32, #tpu.memory_space<vmem>>, vector<1x16xf32>,
        %get3A_323 = vector.shape_cast %get3A_322 : vector<1x16xf32> to vector<16xf32>
        %mul3A_324 = arith.constant 11.3137083 : f32
        %mul3A_325 = vector.broadcast %mul3A_324 : f32 to vector<16xf32>
        %mul3A_326 = arith.mulf %get3A_323, %mul3A_325 : vector<16xf32>
        %swap3A_327 = arith.index_cast %add3A_307 : i32 to index
        %swap3A_328 = arith.constant 16 : index
        %swap3A_329 = tpu.vector_load %arg9[%swap3A_327, %swap3A_328] {strides = array<i32>} : memref<128x128xf32, #tpu.memory_space<vmem>>, vector<1x16xf32>,
        %swap3A_330 = vector.shape_cast %swap3A_329 : vector<1x16xf32> to vector<16xf32>
        %swap3A_331 = vector.shape_cast %mul3A_326 : vector<16xf32> to vector<1x16xf32>
        tpu.vector_store %arg9[%swap3A_327, %swap3A_328], %swap3A_331 {strides = array<i32>} : memref<128x128xf32, #tpu.memory_space<vmem>>, vector<1x16xf32>,
        %get3A_332 = arith.index_cast %add3A_307 : i32 to index
        %get3A_333 = arith.constant 32 : index
        %get3A_334 = tpu.vector_load %arg9[%get3A_332, %get3A_333] {strides = array<i32>} : memref<128x128xf32, #tpu.memory_space<vmem>>, vector<1x16xf32>,
        %get3A_335 = vector.shape_cast %get3A_334 : vector<1x16xf32> to vector<16xf32>
        %mul3A_336 = arith.constant 11.3137083 : f32
        %mul3A_337 = vector.broadcast %mul3A_336 : f32 to vector<16xf32>
        %mul3A_338 = arith.mulf %get3A_335, %mul3A_337 : vector<16xf32>
        %swap3A_339 = arith.index_cast %add3A_307 : i32 to index
        %swap3A_340 = arith.constant 32 : index
        %swap3A_341 = tpu.vector_load %arg9[%swap3A_339, %swap3A_340] {strides = array<i32>} : memref<128x128xf32, #tpu.memory_space<vmem>>, vector<1x16xf32>,
        %swap3A_342 = vector.shape_cast %swap3A_341 : vector<1x16xf32> to vector<16xf32>
        %swap3A_343 = vector.shape_cast %mul3A_338 : vector<16xf32> to vector<1x16xf32>
        tpu.vector_store %arg9[%swap3A_339, %swap3A_340], %swap3A_343 {strides = array<i32>} : memref<128x128xf32, #tpu.memory_space<vmem>>, vector<1x16xf32>,
        %get3A_344 = arith.index_cast %add3A_307 : i32 to index
        %get3A_345 = arith.constant 48 : index
        %get3A_346 = tpu.vector_load %arg9[%get3A_344, %get3A_345] {strides = array<i32>} : memref<128x128xf32, #tpu.memory_space<vmem>>, vector<1x16xf32>,
        %get3A_347 = vector.shape_cast %get3A_346 : vector<1x16xf32> to vector<16xf32>
        %mul3A_348 = arith.constant 11.3137083 : f32
        %mul3A_349 = vector.broadcast %mul3A_348 : f32 to vector<16xf32>
        %mul3A_350 = arith.mulf %get3A_347, %mul3A_349 : vector<16xf32>
        %swap3A_351 = arith.index_cast %add3A_307 : i32 to index
        %swap3A_352 = arith.constant 48 : index
        %swap3A_353 = tpu.vector_load %arg9[%swap3A_351, %swap3A_352] {strides = array<i32>} : memref<128x128xf32, #tpu.memory_space<vmem>>, vector<1x16xf32>,
        %swap3A_354 = vector.shape_cast %swap3A_353 : vector<1x16xf32> to vector<16xf32>
        %swap3A_355 = vector.shape_cast %mul3A_350 : vector<16xf32> to vector<1x16xf32>
        tpu.vector_store %arg9[%swap3A_351, %swap3A_352], %swap3A_355 {strides = array<i32>} : memref<128x128xf32, #tpu.memory_space<vmem>>, vector<1x16xf32>,
        %get3A_356 = arith.index_cast %add3A_307 : i32 to index
        %get3A_357 = arith.constant 64 : index
        %get3A_358 = tpu.vector_load %arg9[%get3A_356, %get3A_357] {strides = array<i32>} : memref<128x128xf32, #tpu.memory_space<vmem>>, vector<1x16xf32>,
        %get3A_359 = vector.shape_cast %get3A_358 : vector<1x16xf32> to vector<16xf32>
        %mul3A_360 = arith.constant 11.3137083 : f32
        %mul3A_361 = vector.broadcast %mul3A_360 : f32 to vector<16xf32>
        %mul3A_362 = arith.mulf %get3A_359, %mul3A_361 : vector<16xf32>
        %swap3A_363 = arith.index_cast %add3A_307 : i32 to index
        %swap3A_364 = arith.constant 64 : index
        %swap3A_365 = tpu.vector_load %arg9[%swap3A_363, %swap3A_364] {strides = array<i32>} : memref<128x128xf32, #tpu.memory_space<vmem>>, vector<1x16xf32>,
        %swap3A_366 = vector.shape_cast %swap3A_365 : vector<1x16xf32> to vector<16xf32>
        %swap3A_367 = vector.shape_cast %mul3A_362 : vector<16xf32> to vector<1x16xf32>
        tpu.vector_store %arg9[%swap3A_363, %swap3A_364], %swap3A_367 {strides = array<i32>} : memref<128x128xf32, #tpu.memory_space<vmem>>, vector<1x16xf32>,
        %get3A_368 = arith.index_cast %add3A_307 : i32 to index
        %get3A_369 = arith.constant 80 : index
        %get3A_370 = tpu.vector_load %arg9[%get3A_368, %get3A_369] {strides = array<i32>} : memref<128x128xf32, #tpu.memory_space<vmem>>, vector<1x16xf32>,
        %get3A_371 = vector.shape_cast %get3A_370 : vector<1x16xf32> to vector<16xf32>
        %mul3A_372 = arith.constant 11.3137083 : f32
        %mul3A_373 = vector.broadcast %mul3A_372 : f32 to vector<16xf32>
        %mul3A_374 = arith.mulf %get3A_371, %mul3A_373 : vector<16xf32>
        %swap3A_375 = arith.index_cast %add3A_307 : i32 to index
        %swap3A_376 = arith.constant 80 : index
        %swap3A_377 = tpu.vector_load %arg9[%swap3A_375, %swap3A_376] {strides = array<i32>} : memref<128x128xf32, #tpu.memory_space<vmem>>, vector<1x16xf32>,
        %swap3A_378 = vector.shape_cast %swap3A_377 : vector<1x16xf32> to vector<16xf32>
        %swap3A_379 = vector.shape_cast %mul3A_374 : vector<16xf32> to vector<1x16xf32>
        tpu.vector_store %arg9[%swap3A_375, %swap3A_376], %swap3A_379 {strides = array<i32>} : memref<128x128xf32, #tpu.memory_space<vmem>>, vector<1x16xf32>,
        %get3A_380 = arith.index_cast %add3A_307 : i32 to index
        %get3A_381 = arith.constant 96 : index
        %get3A_382 = tpu.vector_load %arg9[%get3A_380, %get3A_381] {strides = array<i32>} : memref<128x128xf32, #tpu.memory_space<vmem>>, vector<1x16xf32>,
        %get3A_383 = vector.shape_cast %get3A_382 : vector<1x16xf32> to vector<16xf32>
        %mul3A_384 = arith.constant 11.3137083 : f32
        %mul3A_385 = vector.broadcast %mul3A_384 : f32 to vector<16xf32>
        %mul3A_386 = arith.mulf %get3A_383, %mul3A_385 : vector<16xf32>
        %swap3A_387 = arith.index_cast %add3A_307 : i32 to index
        %swap3A_388 = arith.constant 96 : index
        %swap3A_389 = tpu.vector_load %arg9[%swap3A_387, %swap3A_388] {strides = array<i32>} : memref<128x128xf32, #tpu.memory_space<vmem>>, vector<1x16xf32>,
        %swap3A_390 = vector.shape_cast %swap3A_389 : vector<1x16xf32> to vector<16xf32>
        %swap3A_391 = vector.shape_cast %mul3A_386 : vector<16xf32> to vector<1x16xf32>
        tpu.vector_store %arg9[%swap3A_387, %swap3A_388], %swap3A_391 {strides = array<i32>} : memref<128x128xf32, #tpu.memory_space<vmem>>, vector<1x16xf32>,
        %get3A_392 = arith.index_cast %add3A_307 : i32 to index
        %get3A_393 = arith.constant 112 : index
        %get3A_394 = tpu.vector_load %arg9[%get3A_392, %get3A_393] {strides = array<i32>} : memref<128x128xf32, #tpu.memory_space<vmem>>, vector<1x16xf32>,
        %get3A_395 = vector.shape_cast %get3A_394 : vector<1x16xf32> to vector<16xf32>
        %mul3A_396 = arith.constant 11.3137083 : f32
        %mul3A_397 = vector.broadcast %mul3A_396 : f32 to vector<16xf32>
        %mul3A_398 = arith.mulf %get3A_395, %mul3A_397 : vector<16xf32>
        %swap3A_399 = arith.index_cast %add3A_307 : i32 to index
        %swap3A_400 = arith.constant 112 : index
        %swap3A_401 = tpu.vector_load %arg9[%swap3A_399, %swap3A_400] {strides = array<i32>} : memref<128x128xf32, #tpu.memory_space<vmem>>, vector<1x16xf32>,
        %swap3A_402 = vector.shape_cast %swap3A_401 : vector<1x16xf32> to vector<16xf32>
        %swap3A_403 = vector.shape_cast %mul3A_398 : vector<16xf32> to vector<1x16xf32>
        tpu.vector_store %arg9[%swap3A_399, %swap3A_400], %swap3A_403 {strides = array<i32>} : memref<128x128xf32, #tpu.memory_space<vmem>>, vector<1x16xf32>,
        %mul3A_404 = arith.constant 4 : i32
        %mul3A_405 = arith.muli %scan3A_205, %mul3A_404 : i32
        %add3A_406 = arith.constant 2 : i32
        %add3A_407 = arith.addi %mul3A_405, %add3A_406 : i32
        %get3A_408 = arith.index_cast %add3A_407 : i32 to index
        %get3A_409 = arith.constant 0 : index
        %get3A_410 = tpu.vector_load %arg9[%get3A_408, %get3A_409] {strides = array<i32>} : memref<128x128xf32, #tpu.memory_space<vmem>>, vector<1x16xf32>,
        %get3A_411 = vector.shape_cast %get3A_410 : vector<1x16xf32> to vector<16xf32>
        %mul3A_412 = arith.constant 11.3137083 : f32
        %mul3A_413 = vector.broadcast %mul3A_412 : f32 to vector<16xf32>
        %mul3A_414 = arith.mulf %get3A_411, %mul3A_413 : vector<16xf32>
        %swap3A_415 = arith.index_cast %add3A_407 : i32 to index
        %swap3A_416 = arith.constant 0 : index
        %swap3A_417 = tpu.vector_load %arg9[%swap3A_415, %swap3A_416] {strides = array<i32>} : memref<128x128xf32, #tpu.memory_space<vmem>>, vector<1x16xf32>,
        %swap3A_418 = vector.shape_cast %swap3A_417 : vector<1x16xf32> to vector<16xf32>
        %swap3A_419 = vector.shape_cast %mul3A_414 : vector<16xf32> to vector<1x16xf32>
        tpu.vector_store %arg9[%swap3A_415, %swap3A_416], %swap3A_419 {strides = array<i32>} : memref<128x128xf32, #tpu.memory_space<vmem>>, vector<1x16xf32>,
        %get3A_420 = arith.index_cast %add3A_407 : i32 to index
        %get3A_421 = arith.constant 16 : index
        %get3A_422 = tpu.vector_load %arg9[%get3A_420, %get3A_421] {strides = array<i32>} : memref<128x128xf32, #tpu.memory_space<vmem>>, vector<1x16xf32>,
        %get3A_423 = vector.shape_cast %get3A_422 : vector<1x16xf32> to vector<16xf32>
        %mul3A_424 = arith.constant 11.3137083 : f32
        %mul3A_425 = vector.broadcast %mul3A_424 : f32 to vector<16xf32>
        %mul3A_426 = arith.mulf %get3A_423, %mul3A_425 : vector<16xf32>
        %swap3A_427 = arith.index_cast %add3A_407 : i32 to index
        %swap3A_428 = arith.constant 16 : index
        %swap3A_429 = tpu.vector_load %arg9[%swap3A_427, %swap3A_428] {strides = array<i32>} : memref<128x128xf32, #tpu.memory_space<vmem>>, vector<1x16xf32>,
        %swap3A_430 = vector.shape_cast %swap3A_429 : vector<1x16xf32> to vector<16xf32>
        %swap3A_431 = vector.shape_cast %mul3A_426 : vector<16xf32> to vector<1x16xf32>
        tpu.vector_store %arg9[%swap3A_427, %swap3A_428], %swap3A_431 {strides = array<i32>} : memref<128x128xf32, #tpu.memory_space<vmem>>, vector<1x16xf32>,
        %get3A_432 = arith.index_cast %add3A_407 : i32 to index
        %get3A_433 = arith.constant 32 : index
        %get3A_434 = tpu.vector_load %arg9[%get3A_432, %get3A_433] {strides = array<i32>} : memref<128x128xf32, #tpu.memory_space<vmem>>, vector<1x16xf32>,
        %get3A_435 = vector.shape_cast %get3A_434 : vector<1x16xf32> to vector<16xf32>
        %mul3A_436 = arith.constant 11.3137083 : f32
        %mul3A_437 = vector.broadcast %mul3A_436 : f32 to vector<16xf32>
        %mul3A_438 = arith.mulf %get3A_435, %mul3A_437 : vector<16xf32>
        %swap3A_439 = arith.index_cast %add3A_407 : i32 to index
        %swap3A_440 = arith.constant 32 : index
        %swap3A_441 = tpu.vector_load %arg9[%swap3A_439, %swap3A_440] {strides = array<i32>} : memref<128x128xf32, #tpu.memory_space<vmem>>, vector<1x16xf32>,
        %swap3A_442 = vector.shape_cast %swap3A_441 : vector<1x16xf32> to vector<16xf32>
        %swap3A_443 = vector.shape_cast %mul3A_438 : vector<16xf32> to vector<1x16xf32>
        tpu.vector_store %arg9[%swap3A_439, %swap3A_440], %swap3A_443 {strides = array<i32>} : memref<128x128xf32, #tpu.memory_space<vmem>>, vector<1x16xf32>,
        %get3A_444 = arith.index_cast %add3A_407 : i32 to index
        %get3A_445 = arith.constant 48 : index
        %get3A_446 = tpu.vector_load %arg9[%get3A_444, %get3A_445] {strides = array<i32>} : memref<128x128xf32, #tpu.memory_space<vmem>>, vector<1x16xf32>,
        %get3A_447 = vector.shape_cast %get3A_446 : vector<1x16xf32> to vector<16xf32>
        %mul3A_448 = arith.constant 11.3137083 : f32
        %mul3A_449 = vector.broadcast %mul3A_448 : f32 to vector<16xf32>
        %mul3A_450 = arith.mulf %get3A_447, %mul3A_449 : vector<16xf32>
        %swap3A_451 = arith.index_cast %add3A_407 : i32 to index
        %swap3A_452 = arith.constant 48 : index
        %swap3A_453 = tpu.vector_load %arg9[%swap3A_451, %swap3A_452] {strides = array<i32>} : memref<128x128xf32, #tpu.memory_space<vmem>>, vector<1x16xf32>,
        %swap3A_454 = vector.shape_cast %swap3A_453 : vector<1x16xf32> to vector<16xf32>
        %swap3A_455 = vector.shape_cast %mul3A_450 : vector<16xf32> to vector<1x16xf32>
        tpu.vector_store %arg9[%swap3A_451, %swap3A_452], %swap3A_455 {strides = array<i32>} : memref<128x128xf32, #tpu.memory_space<vmem>>, vector<1x16xf32>,
        %get3A_456 = arith.index_cast %add3A_407 : i32 to index
        %get3A_457 = arith.constant 64 : index
        %get3A_458 = tpu.vector_load %arg9[%get3A_456, %get3A_457] {strides = array<i32>} : memref<128x128xf32, #tpu.memory_space<vmem>>, vector<1x16xf32>,
        %get3A_459 = vector.shape_cast %get3A_458 : vector<1x16xf32> to vector<16xf32>
        %mul3A_460 = arith.constant 11.3137083 : f32
        %mul3A_461 = vector.broadcast %mul3A_460 : f32 to vector<16xf32>
        %mul3A_462 = arith.mulf %get3A_459, %mul3A_461 : vector<16xf32>
        %swap3A_463 = arith.index_cast %add3A_407 : i32 to index
        %swap3A_464 = arith.constant 64 : index
        %swap3A_465 = tpu.vector_load %arg9[%swap3A_463, %swap3A_464] {strides = array<i32>} : memref<128x128xf32, #tpu.memory_space<vmem>>, vector<1x16xf32>,
        %swap3A_466 = vector.shape_cast %swap3A_465 : vector<1x16xf32> to vector<16xf32>
        %swap3A_467 = vector.shape_cast %mul3A_462 : vector<16xf32> to vector<1x16xf32>
        tpu.vector_store %arg9[%swap3A_463, %swap3A_464], %swap3A_467 {strides = array<i32>} : memref<128x128xf32, #tpu.memory_space<vmem>>, vector<1x16xf32>,
        %get3A_468 = arith.index_cast %add3A_407 : i32 to index
        %get3A_469 = arith.constant 80 : index
        %get3A_470 = tpu.vector_load %arg9[%get3A_468, %get3A_469] {strides = array<i32>} : memref<128x128xf32, #tpu.memory_space<vmem>>, vector<1x16xf32>,
        %get3A_471 = vector.shape_cast %get3A_470 : vector<1x16xf32> to vector<16xf32>
        %mul3A_472 = arith.constant 11.3137083 : f32
        %mul3A_473 = vector.broadcast %mul3A_472 : f32 to vector<16xf32>
        %mul3A_474 = arith.mulf %get3A_471, %mul3A_473 : vector<16xf32>
        %swap3A_475 = arith.index_cast %add3A_407 : i32 to index
        %swap3A_476 = arith.constant 80 : index
        %swap3A_477 = tpu.vector_load %arg9[%swap3A_475, %swap3A_476] {strides = array<i32>} : memref<128x128xf32, #tpu.memory_space<vmem>>, vector<1x16xf32>,
        %swap3A_478 = vector.shape_cast %swap3A_477 : vector<1x16xf32> to vector<16xf32>
        %swap3A_479 = vector.shape_cast %mul3A_474 : vector<16xf32> to vector<1x16xf32>
        tpu.vector_store %arg9[%swap3A_475, %swap3A_476], %swap3A_479 {strides = array<i32>} : memref<128x128xf32, #tpu.memory_space<vmem>>, vector<1x16xf32>,
        %get3A_480 = arith.index_cast %add3A_407 : i32 to index
        %get3A_481 = arith.constant 96 : index
        %get3A_482 = tpu.vector_load %arg9[%get3A_480, %get3A_481] {strides = array<i32>} : memref<128x128xf32, #tpu.memory_space<vmem>>, vector<1x16xf32>,
        %get3A_483 = vector.shape_cast %get3A_482 : vector<1x16xf32> to vector<16xf32>
        %mul3A_484 = arith.constant 11.3137083 : f32
        %mul3A_485 = vector.broadcast %mul3A_484 : f32 to vector<16xf32>
        %mul3A_486 = arith.mulf %get3A_483, %mul3A_485 : vector<16xf32>
        %swap3A_487 = arith.index_cast %add3A_407 : i32 to index
        %swap3A_488 = arith.constant 96 : index
        %swap3A_489 = tpu.vector_load %arg9[%swap3A_487, %swap3A_488] {strides = array<i32>} : memref<128x128xf32, #tpu.memory_space<vmem>>, vector<1x16xf32>,
        %swap3A_490 = vector.shape_cast %swap3A_489 : vector<1x16xf32> to vector<16xf32>
        %swap3A_491 = vector.shape_cast %mul3A_486 : vector<16xf32> to vector<1x16xf32>
        tpu.vector_store %arg9[%swap3A_487, %swap3A_488], %swap3A_491 {strides = array<i32>} : memref<128x128xf32, #tpu.memory_space<vmem>>, vector<1x16xf32>,
        %get3A_492 = arith.index_cast %add3A_407 : i32 to index
        %get3A_493 = arith.constant 112 : index
        %get3A_494 = tpu.vector_load %arg9[%get3A_492, %get3A_493] {strides = array<i32>} : memref<128x128xf32, #tpu.memory_space<vmem>>, vector<1x16xf32>,
        %get3A_495 = vector.shape_cast %get3A_494 : vector<1x16xf32> to vector<16xf32>
        %mul3A_496 = arith.constant 11.3137083 : f32
        %mul3A_497 = vector.broadcast %mul3A_496 : f32 to vector<16xf32>
        %mul3A_498 = arith.mulf %get3A_495, %mul3A_497 : vector<16xf32>
        %swap3A_499 = arith.index_cast %add3A_407 : i32 to index
        %swap3A_500 = arith.constant 112 : index
        %swap3A_501 = tpu.vector_load %arg9[%swap3A_499, %swap3A_500] {strides = array<i32>} : memref<128x128xf32, #tpu.memory_space<vmem>>, vector<1x16xf32>,
        %swap3A_502 = vector.shape_cast %swap3A_501 : vector<1x16xf32> to vector<16xf32>
        %swap3A_503 = vector.shape_cast %mul3A_498 : vector<16xf32> to vector<1x16xf32>
        tpu.vector_store %arg9[%swap3A_499, %swap3A_500], %swap3A_503 {strides = array<i32>} : memref<128x128xf32, #tpu.memory_space<vmem>>, vector<1x16xf32>,
        %mul3A_504 = arith.constant 4 : i32
        %mul3A_505 = arith.muli %scan3A_205, %mul3A_504 : i32
        %add3A_506 = arith.constant 3 : i32
        %add3A_507 = arith.addi %mul3A_505, %add3A_506 : i32
        %get3A_508 = arith.index_cast %add3A_507 : i32 to index
        %get3A_509 = arith.constant 0 : index
        %get3A_510 = tpu.vector_load %arg9[%get3A_508, %get3A_509] {strides = array<i32>} : memref<128x128xf32, #tpu.memory_space<vmem>>, vector<1x16xf32>,
        %get3A_511 = vector.shape_cast %get3A_510 : vector<1x16xf32> to vector<16xf32>
        %mul3A_512 = arith.constant 11.3137083 : f32
        %mul3A_513 = vector.broadcast %mul3A_512 : f32 to vector<16xf32>
        %mul3A_514 = arith.mulf %get3A_511, %mul3A_513 : vector<16xf32>
        %swap3A_515 = arith.index_cast %add3A_507 : i32 to index
        %swap3A_516 = arith.constant 0 : index
        %swap3A_517 = tpu.vector_load %arg9[%swap3A_515, %swap3A_516] {strides = array<i32>} : memref<128x128xf32, #tpu.memory_space<vmem>>, vector<1x16xf32>,
        %swap3A_518 = vector.shape_cast %swap3A_517 : vector<1x16xf32> to vector<16xf32>
        %swap3A_519 = vector.shape_cast %mul3A_514 : vector<16xf32> to vector<1x16xf32>
        tpu.vector_store %arg9[%swap3A_515, %swap3A_516], %swap3A_519 {strides = array<i32>} : memref<128x128xf32, #tpu.memory_space<vmem>>, vector<1x16xf32>,
        %get3A_520 = arith.index_cast %add3A_507 : i32 to index
        %get3A_521 = arith.constant 16 : index
        %get3A_522 = tpu.vector_load %arg9[%get3A_520, %get3A_521] {strides = array<i32>} : memref<128x128xf32, #tpu.memory_space<vmem>>, vector<1x16xf32>,
        %get3A_523 = vector.shape_cast %get3A_522 : vector<1x16xf32> to vector<16xf32>
        %mul3A_524 = arith.constant 11.3137083 : f32
        %mul3A_525 = vector.broadcast %mul3A_524 : f32 to vector<16xf32>
        %mul3A_526 = arith.mulf %get3A_523, %mul3A_525 : vector<16xf32>
        %swap3A_527 = arith.index_cast %add3A_507 : i32 to index
        %swap3A_528 = arith.constant 16 : index
        %swap3A_529 = tpu.vector_load %arg9[%swap3A_527, %swap3A_528] {strides = array<i32>} : memref<128x128xf32, #tpu.memory_space<vmem>>, vector<1x16xf32>,
        %swap3A_530 = vector.shape_cast %swap3A_529 : vector<1x16xf32> to vector<16xf32>
        %swap3A_531 = vector.shape_cast %mul3A_526 : vector<16xf32> to vector<1x16xf32>
        tpu.vector_store %arg9[%swap3A_527, %swap3A_528], %swap3A_531 {strides = array<i32>} : memref<128x128xf32, #tpu.memory_space<vmem>>, vector<1x16xf32>,
        %get3A_532 = arith.index_cast %add3A_507 : i32 to index
        %get3A_533 = arith.constant 32 : index
        %get3A_534 = tpu.vector_load %arg9[%get3A_532, %get3A_533] {strides = array<i32>} : memref<128x128xf32, #tpu.memory_space<vmem>>, vector<1x16xf32>,
        %get3A_535 = vector.shape_cast %get3A_534 : vector<1x16xf32> to vector<16xf32>
        %mul3A_536 = arith.constant 11.3137083 : f32
        %mul3A_537 = vector.broadcast %mul3A_536 : f32 to vector<16xf32>
        %mul3A_538 = arith.mulf %get3A_535, %mul3A_537 : vector<16xf32>
        %swap3A_539 = arith.index_cast %add3A_507 : i32 to index
        %swap3A_540 = arith.constant 32 : index
        %swap3A_541 = tpu.vector_load %arg9[%swap3A_539, %swap3A_540] {strides = array<i32>} : memref<128x128xf32, #tpu.memory_space<vmem>>, vector<1x16xf32>,
        %swap3A_542 = vector.shape_cast %swap3A_541 : vector<1x16xf32> to vector<16xf32>
        %swap3A_543 = vector.shape_cast %mul3A_538 : vector<16xf32> to vector<1x16xf32>
        tpu.vector_store %arg9[%swap3A_539, %swap3A_540], %swap3A_543 {strides = array<i32>} : memref<128x128xf32, #tpu.memory_space<vmem>>, vector<1x16xf32>,
        %get3A_544 = arith.index_cast %add3A_507 : i32 to index
        %get3A_545 = arith.constant 48 : index
        %get3A_546 = tpu.vector_load %arg9[%get3A_544, %get3A_545] {strides = array<i32>} : memref<128x128xf32, #tpu.memory_space<vmem>>, vector<1x16xf32>,
        %get3A_547 = vector.shape_cast %get3A_546 : vector<1x16xf32> to vector<16xf32>
        %mul3A_548 = arith.constant 11.3137083 : f32
        %mul3A_549 = vector.broadcast %mul3A_548 : f32 to vector<16xf32>
        %mul3A_550 = arith.mulf %get3A_547, %mul3A_549 : vector<16xf32>
        %swap3A_551 = arith.index_cast %add3A_507 : i32 to index
        %swap3A_552 = arith.constant 48 : index
        %swap3A_553 = tpu.vector_load %arg9[%swap3A_551, %swap3A_552] {strides = array<i32>} : memref<128x128xf32, #tpu.memory_space<vmem>>, vector<1x16xf32>,
        %swap3A_554 = vector.shape_cast %swap3A_553 : vector<1x16xf32> to vector<16xf32>
        %swap3A_555 = vector.shape_cast %mul3A_550 : vector<16xf32> to vector<1x16xf32>
        tpu.vector_store %arg9[%swap3A_551, %swap3A_552], %swap3A_555 {strides = array<i32>} : memref<128x128xf32, #tpu.memory_space<vmem>>, vector<1x16xf32>,
        %get3A_556 = arith.index_cast %add3A_507 : i32 to index
        %get3A_557 = arith.constant 64 : index
        %get3A_558 = tpu.vector_load %arg9[%get3A_556, %get3A_557] {strides = array<i32>} : memref<128x128xf32, #tpu.memory_space<vmem>>, vector<1x16xf32>,
        %get3A_559 = vector.shape_cast %get3A_558 : vector<1x16xf32> to vector<16xf32>
        %mul3A_560 = arith.constant 11.3137083 : f32
        %mul3A_561 = vector.broadcast %mul3A_560 : f32 to vector<16xf32>
        %mul3A_562 = arith.mulf %get3A_559, %mul3A_561 : vector<16xf32>
        %swap3A_563 = arith.index_cast %add3A_507 : i32 to index
        %swap3A_564 = arith.constant 64 : index
        %swap3A_565 = tpu.vector_load %arg9[%swap3A_563, %swap3A_564] {strides = array<i32>} : memref<128x128xf32, #tpu.memory_space<vmem>>, vector<1x16xf32>,
        %swap3A_566 = vector.shape_cast %swap3A_565 : vector<1x16xf32> to vector<16xf32>
        %swap3A_567 = vector.shape_cast %mul3A_562 : vector<16xf32> to vector<1x16xf32>
        tpu.vector_store %arg9[%swap3A_563, %swap3A_564], %swap3A_567 {strides = array<i32>} : memref<128x128xf32, #tpu.memory_space<vmem>>, vector<1x16xf32>,
        %get3A_568 = arith.index_cast %add3A_507 : i32 to index
        %get3A_569 = arith.constant 80 : index
        %get3A_570 = tpu.vector_load %arg9[%get3A_568, %get3A_569] {strides = array<i32>} : memref<128x128xf32, #tpu.memory_space<vmem>>, vector<1x16xf32>,
        %get3A_571 = vector.shape_cast %get3A_570 : vector<1x16xf32> to vector<16xf32>
        %mul3A_572 = arith.constant 11.3137083 : f32
        %mul3A_573 = vector.broadcast %mul3A_572 : f32 to vector<16xf32>
        %mul3A_574 = arith.mulf %get3A_571, %mul3A_573 : vector<16xf32>
        %swap3A_575 = arith.index_cast %add3A_507 : i32 to index
        %swap3A_576 = arith.constant 80 : index
        %swap3A_577 = tpu.vector_load %arg9[%swap3A_575, %swap3A_576] {strides = array<i32>} : memref<128x128xf32, #tpu.memory_space<vmem>>, vector<1x16xf32>,
        %swap3A_578 = vector.shape_cast %swap3A_577 : vector<1x16xf32> to vector<16xf32>
        %swap3A_579 = vector.shape_cast %mul3A_574 : vector<16xf32> to vector<1x16xf32>
        tpu.vector_store %arg9[%swap3A_575, %swap3A_576], %swap3A_579 {strides = array<i32>} : memref<128x128xf32, #tpu.memory_space<vmem>>, vector<1x16xf32>,
        %get3A_580 = arith.index_cast %add3A_507 : i32 to index
        %get3A_581 = arith.constant 96 : index
        %get3A_582 = tpu.vector_load %arg9[%get3A_580, %get3A_581] {strides = array<i32>} : memref<128x128xf32, #tpu.memory_space<vmem>>, vector<1x16xf32>,
        %get3A_583 = vector.shape_cast %get3A_582 : vector<1x16xf32> to vector<16xf32>
        %mul3A_584 = arith.constant 11.3137083 : f32
        %mul3A_585 = vector.broadcast %mul3A_584 : f32 to vector<16xf32>
        %mul3A_586 = arith.mulf %get3A_583, %mul3A_585 : vector<16xf32>
        %swap3A_587 = arith.index_cast %add3A_507 : i32 to index
        %swap3A_588 = arith.constant 96 : index
        %swap3A_589 = tpu.vector_load %arg9[%swap3A_587, %swap3A_588] {strides = array<i32>} : memref<128x128xf32, #tpu.memory_space<vmem>>, vector<1x16xf32>,
        %swap3A_590 = vector.shape_cast %swap3A_589 : vector<1x16xf32> to vector<16xf32>
        %swap3A_591 = vector.shape_cast %mul3A_586 : vector<16xf32> to vector<1x16xf32>
        tpu.vector_store %arg9[%swap3A_587, %swap3A_588], %swap3A_591 {strides = array<i32>} : memref<128x128xf32, #tpu.memory_space<vmem>>, vector<1x16xf32>,
        %get3A_592 = arith.index_cast %add3A_507 : i32 to index
        %get3A_593 = arith.constant 112 : index
        %get3A_594 = tpu.vector_load %arg9[%get3A_592, %get3A_593] {strides = array<i32>} : memref<128x128xf32, #tpu.memory_space<vmem>>, vector<1x16xf32>,
        %get3A_595 = vector.shape_cast %get3A_594 : vector<1x16xf32> to vector<16xf32>
        %mul3A_596 = arith.constant 11.3137083 : f32
        %mul3A_597 = vector.broadcast %mul3A_596 : f32 to vector<16xf32>
        %mul3A_598 = arith.mulf %get3A_595, %mul3A_597 : vector<16xf32>
        %swap3A_599 = arith.index_cast %add3A_507 : i32 to index
        %swap3A_600 = arith.constant 112 : index
        %swap3A_601 = tpu.vector_load %arg9[%swap3A_599, %swap3A_600] {strides = array<i32>} : memref<128x128xf32, #tpu.memory_space<vmem>>, vector<1x16xf32>,
        %swap3A_602 = vector.shape_cast %swap3A_601 : vector<1x16xf32> to vector<16xf32>
        %swap3A_603 = vector.shape_cast %mul3A_598 : vector<16xf32> to vector<1x16xf32>
        tpu.vector_store %arg9[%swap3A_599, %swap3A_600], %swap3A_603 {strides = array<i32>} : memref<128x128xf32, #tpu.memory_space<vmem>>, vector<1x16xf32>,
      }
      %scan3A_167 = arith.constant 32 : i32
      %mul3A_168 = arith.constant 128 : i32
      %mul3A_169 = arith.muli %add3A_146, %mul3A_168 : i32
      %add3A_170 = arith.addi %mul3A_2, %mul3A_169 : i32
      %dma_start3A_171 = arith.constant 0 : i32
      %dma_start3A_172 = tpu.memref_slice %arg4[%add3A_170, %dma_start3A_171] : memref<204800x128xf32, #tpu.memory_space<hbm>> -> memref<128x128xf32, #tpu.memory_space<hbm>>
      %dma_start3A_173 = arith.constant 0 : i32
      %dma_start3A_174 = tpu.memref_slice %arg4[%add3A_170, %dma_start3A_173] : memref<204800x128xf32, #tpu.memory_space<hbm>> -> memref<128x128xf32, #tpu.memory_space<hbm>>
      tpu.enqueue_dma source(%arg9 : memref<128x128xf32, #tpu.memory_space<vmem>>) target(%dma_start3A_174 : memref<128x128xf32, #tpu.memory_space<hbm>>) target_semaphore(%arg19 : memref<!tpu.dma_semaphore, #tpu.memory_space<semaphore_mem>>)
      %add3A_175 = arith.constant 4 : i32
      %add3A_176 = arith.addi %mul3A_58, %add3A_175 : i32
      %add3A_177 = arith.constant 5 : i32
      %add3A_178 = arith.addi %add3A_176, %add3A_177 : i32
      %sub3A_179 = arith.constant 1 : i32
      %sub3A_180 = arith.subi %add3A_178, %sub3A_179 : i32
      %lt3A_181 = arith.constant 50 : i32
      %lt3A_182 = arith.cmpi slt, %sub3A_180, %lt3A_181 : i32
      %convert_element_type3A_183 = arith.extui %lt3A_182 : i1 to i32
      %cond3A_184 = arith.constant 0 : i32
      %cond3A_185 = arith.cmpi ne, %convert_element_type3A_183, %cond3A_184 : i32
      scf.if %cond3A_185 {
        %ge3A = arith.constant 1 : i32
        %ge3A_205 = arith.cmpi sge, %add3A_176, %ge3A : i32
        %convert_element_type3A_206 = arith.extui %ge3A_205 : i1 to i32
        %cond3A_207 = arith.constant 0 : i32
        %cond3A_208 = arith.cmpi ne, %convert_element_type3A_206, %cond3A_207 : i32
        scf.if %cond3A_208 {
          %dma_wait3A_219 = arith.constant 0 : i32
          %dma_wait3A_220 = arith.constant 0 : i32
          %dma_wait3A_221 = tpu.memref_slice %arg4[%dma_wait3A_219, %dma_wait3A_220] : memref<204800x128xf32, #tpu.memory_space<hbm>> -> memref<128x128xf32, #tpu.memory_space<hbm>>
          %dma_wait3A_222 = arith.constant 0 : i32
          %dma_wait3A_223 = arith.constant 0 : i32
          %dma_wait3A_224 = tpu.memref_slice %arg4[%dma_wait3A_222, %dma_wait3A_223] : memref<204800x128xf32, #tpu.memory_space<hbm>> -> memref<128x128xf32, #tpu.memory_space<hbm>>
          tpu.wait_dma2 semaphore(%arg19 : memref<!tpu.dma_semaphore, #tpu.memory_space<semaphore_mem>>) src(%arg9 : memref<128x128xf32, #tpu.memory_space<vmem>>) dst(%dma_wait3A_224 : memref<128x128xf32, #tpu.memory_space<hbm>>)
        } else {
        }
        %add3A_209 = arith.constant 5 : i32
        %add3A_210 = arith.addi %add3A_176, %add3A_209 : i32
        %sub3A_211 = arith.constant 1 : i32
        %sub3A_212 = arith.subi %add3A_210, %sub3A_211 : i32
        %mul3A_213 = arith.constant 128 : i32
        %mul3A_214 = arith.muli %sub3A_212, %mul3A_213 : i32
        %dma_start3A_215 = tpu.memref_slice %arg5[%mul3A_214] : memref<6400xi32, #tpu.memory_space<vmem>> -> memref<128xi32, #tpu.memory_space<vmem>>
        %dma_start3A_216 = arith.constant 0 : i32
        %dma_start3A_217 = arith.constant 0 : i32
        %dma_start3A_218 = tpu.memref_slice %arg2[%dma_start3A_216, %dma_start3A_217] : memref<100000x128xf32, #tpu.memory_space<hbm>> -> memref<100000x128xf32, #tpu.memory_space<hbm>>
        tpu.enqueue_indirect_dma source(%dma_start3A_218 : memref<100000x128xf32, #tpu.memory_space<hbm>>) target(%arg9 : memref<128x128xf32, #tpu.memory_space<vmem>>) offsets(%dma_start3A_215 : memref<128xi32, #tpu.memory_space<vmem>>) semaphore(%arg14 : memref<!tpu.dma_semaphore, #tpu.memory_space<semaphore_mem>>)
      } else {
      }
      %dma_wait3A_186 = arith.constant 0 : i32
      %dma_wait3A_187 = arith.constant 0 : i32
      %dma_wait3A_188 = tpu.memref_slice %arg2[%dma_wait3A_186, %dma_wait3A_187] : memref<100000x128xf32, #tpu.memory_space<hbm>> -> memref<128x128xf32, #tpu.memory_space<hbm>>
      %dma_wait3A_189 = arith.constant 0 : i32
      %dma_wait3A_190 = arith.constant 0 : i32
      %dma_wait3A_191 = tpu.memref_slice %arg2[%dma_wait3A_189, %dma_wait3A_190] : memref<100000x128xf32, #tpu.memory_space<hbm>> -> memref<128x128xf32, #tpu.memory_space<hbm>>
      tpu.wait_dma2 semaphore(%arg15 : memref<!tpu.dma_semaphore, #tpu.memory_space<semaphore_mem>>) src(%dma_wait3A_191 : memref<128x128xf32, #tpu.memory_space<hbm>>) dst(%arg10 : memref<128x128xf32, #tpu.memory_space<vmem>>)
      %scan3A_192 = arith.constant 0 : i32
      %scan3A_193 = arith.constant 0 : i32
      %scan3A_194 = arith.constant 32 : i32
      %scan3A_195 = arith.addi %scan3A_193, %scan3A_194 : i32
      %scan3A_196 = arith.constant 1 : i32
      scf.for %scan3A_205 = %scan3A_193 to %scan3A_195 step %scan3A_196  : i32 {
        %mul3A_206 = arith.constant 4 : i32
        %mul3A_207 = arith.muli %scan3A_205, %mul3A_206 : i32
        %add3A_208 = arith.constant 0 : i32
        %add3A_209 = arith.addi %mul3A_207, %add3A_208 : i32
        %get3A = arith.index_cast %add3A_209 : i32 to index
        %get3A_210 = arith.constant 0 : index
        %get3A_211 = tpu.vector_load %arg10[%get3A, %get3A_210] {strides = array<i32>} : memref<128x128xf32, #tpu.memory_space<vmem>>, vector<1x16xf32>,
        %get3A_212 = vector.shape_cast %get3A_211 : vector<1x16xf32> to vector<16xf32>
        %mul3A_213 = arith.constant 11.3137083 : f32
        %mul3A_214 = vector.broadcast %mul3A_213 : f32 to vector<16xf32>
        %mul3A_215 = arith.mulf %get3A_212, %mul3A_214 : vector<16xf32>
        %swap3A = arith.index_cast %add3A_209 : i32 to index
        %swap3A_216 = arith.constant 0 : index
        %swap3A_217 = tpu.vector_load %arg10[%swap3A, %swap3A_216] {strides = array<i32>} : memref<128x128xf32, #tpu.memory_space<vmem>>, vector<1x16xf32>,
        %swap3A_218 = vector.shape_cast %swap3A_217 : vector<1x16xf32> to vector<16xf32>
        %swap3A_219 = vector.shape_cast %mul3A_215 : vector<16xf32> to vector<1x16xf32>
        tpu.vector_store %arg10[%swap3A, %swap3A_216], %swap3A_219 {strides = array<i32>} : memref<128x128xf32, #tpu.memory_space<vmem>>, vector<1x16xf32>,
        %get3A_220 = arith.index_cast %add3A_209 : i32 to index
        %get3A_221 = arith.constant 16 : index
        %get3A_222 = tpu.vector_load %arg10[%get3A_220, %get3A_221] {strides = array<i32>} : memref<128x128xf32, #tpu.memory_space<vmem>>, vector<1x16xf32>,
        %get3A_223 = vector.shape_cast %get3A_222 : vector<1x16xf32> to vector<16xf32>
        %mul3A_224 = arith.constant 11.3137083 : f32
        %mul3A_225 = vector.broadcast %mul3A_224 : f32 to vector<16xf32>
        %mul3A_226 = arith.mulf %get3A_223, %mul3A_225 : vector<16xf32>
        %swap3A_227 = arith.index_cast %add3A_209 : i32 to index
        %swap3A_228 = arith.constant 16 : index
        %swap3A_229 = tpu.vector_load %arg10[%swap3A_227, %swap3A_228] {strides = array<i32>} : memref<128x128xf32, #tpu.memory_space<vmem>>, vector<1x16xf32>,
        %swap3A_230 = vector.shape_cast %swap3A_229 : vector<1x16xf32> to vector<16xf32>
        %swap3A_231 = vector.shape_cast %mul3A_226 : vector<16xf32> to vector<1x16xf32>
        tpu.vector_store %arg10[%swap3A_227, %swap3A_228], %swap3A_231 {strides = array<i32>} : memref<128x128xf32, #tpu.memory_space<vmem>>, vector<1x16xf32>,
        %get3A_232 = arith.index_cast %add3A_209 : i32 to index
        %get3A_233 = arith.constant 32 : index
        %get3A_234 = tpu.vector_load %arg10[%get3A_232, %get3A_233] {strides = array<i32>} : memref<128x128xf32, #tpu.memory_space<vmem>>, vector<1x16xf32>,
        %get3A_235 = vector.shape_cast %get3A_234 : vector<1x16xf32> to vector<16xf32>
        %mul3A_236 = arith.constant 11.3137083 : f32
        %mul3A_237 = vector.broadcast %mul3A_236 : f32 to vector<16xf32>
        %mul3A_238 = arith.mulf %get3A_235, %mul3A_237 : vector<16xf32>
        %swap3A_239 = arith.index_cast %add3A_209 : i32 to index
        %swap3A_240 = arith.constant 32 : index
        %swap3A_241 = tpu.vector_load %arg10[%swap3A_239, %swap3A_240] {strides = array<i32>} : memref<128x128xf32, #tpu.memory_space<vmem>>, vector<1x16xf32>,
        %swap3A_242 = vector.shape_cast %swap3A_241 : vector<1x16xf32> to vector<16xf32>
        %swap3A_243 = vector.shape_cast %mul3A_238 : vector<16xf32> to vector<1x16xf32>
        tpu.vector_store %arg10[%swap3A_239, %swap3A_240], %swap3A_243 {strides = array<i32>} : memref<128x128xf32, #tpu.memory_space<vmem>>, vector<1x16xf32>,
        %get3A_244 = arith.index_cast %add3A_209 : i32 to index
        %get3A_245 = arith.constant 48 : index
        %get3A_246 = tpu.vector_load %arg10[%get3A_244, %get3A_245] {strides = array<i32>} : memref<128x128xf32, #tpu.memory_space<vmem>>, vector<1x16xf32>,
        %get3A_247 = vector.shape_cast %get3A_246 : vector<1x16xf32> to vector<16xf32>
        %mul3A_248 = arith.constant 11.3137083 : f32
        %mul3A_249 = vector.broadcast %mul3A_248 : f32 to vector<16xf32>
        %mul3A_250 = arith.mulf %get3A_247, %mul3A_249 : vector<16xf32>
        %swap3A_251 = arith.index_cast %add3A_209 : i32 to index
        %swap3A_252 = arith.constant 48 : index
        %swap3A_253 = tpu.vector_load %arg10[%swap3A_251, %swap3A_252] {strides = array<i32>} : memref<128x128xf32, #tpu.memory_space<vmem>>, vector<1x16xf32>,
        %swap3A_254 = vector.shape_cast %swap3A_253 : vector<1x16xf32> to vector<16xf32>
        %swap3A_255 = vector.shape_cast %mul3A_250 : vector<16xf32> to vector<1x16xf32>
        tpu.vector_store %arg10[%swap3A_251, %swap3A_252], %swap3A_255 {strides = array<i32>} : memref<128x128xf32, #tpu.memory_space<vmem>>, vector<1x16xf32>,
        %get3A_256 = arith.index_cast %add3A_209 : i32 to index
        %get3A_257 = arith.constant 64 : index
        %get3A_258 = tpu.vector_load %arg10[%get3A_256, %get3A_257] {strides = array<i32>} : memref<128x128xf32, #tpu.memory_space<vmem>>, vector<1x16xf32>,
        %get3A_259 = vector.shape_cast %get3A_258 : vector<1x16xf32> to vector<16xf32>
        %mul3A_260 = arith.constant 11.3137083 : f32
        %mul3A_261 = vector.broadcast %mul3A_260 : f32 to vector<16xf32>
        %mul3A_262 = arith.mulf %get3A_259, %mul3A_261 : vector<16xf32>
        %swap3A_263 = arith.index_cast %add3A_209 : i32 to index
        %swap3A_264 = arith.constant 64 : index
        %swap3A_265 = tpu.vector_load %arg10[%swap3A_263, %swap3A_264] {strides = array<i32>} : memref<128x128xf32, #tpu.memory_space<vmem>>, vector<1x16xf32>,
        %swap3A_266 = vector.shape_cast %swap3A_265 : vector<1x16xf32> to vector<16xf32>
        %swap3A_267 = vector.shape_cast %mul3A_262 : vector<16xf32> to vector<1x16xf32>
        tpu.vector_store %arg10[%swap3A_263, %swap3A_264], %swap3A_267 {strides = array<i32>} : memref<128x128xf32, #tpu.memory_space<vmem>>, vector<1x16xf32>,
        %get3A_268 = arith.index_cast %add3A_209 : i32 to index
        %get3A_269 = arith.constant 80 : index
        %get3A_270 = tpu.vector_load %arg10[%get3A_268, %get3A_269] {strides = array<i32>} : memref<128x128xf32, #tpu.memory_space<vmem>>, vector<1x16xf32>,
        %get3A_271 = vector.shape_cast %get3A_270 : vector<1x16xf32> to vector<16xf32>
        %mul3A_272 = arith.constant 11.3137083 : f32
        %mul3A_273 = vector.broadcast %mul3A_272 : f32 to vector<16xf32>
        %mul3A_274 = arith.mulf %get3A_271, %mul3A_273 : vector<16xf32>
        %swap3A_275 = arith.index_cast %add3A_209 : i32 to index
        %swap3A_276 = arith.constant 80 : index
        %swap3A_277 = tpu.vector_load %arg10[%swap3A_275, %swap3A_276] {strides = array<i32>} : memref<128x128xf32, #tpu.memory_space<vmem>>, vector<1x16xf32>,
        %swap3A_278 = vector.shape_cast %swap3A_277 : vector<1x16xf32> to vector<16xf32>
        %swap3A_279 = vector.shape_cast %mul3A_274 : vector<16xf32> to vector<1x16xf32>
        tpu.vector_store %arg10[%swap3A_275, %swap3A_276], %swap3A_279 {strides = array<i32>} : memref<128x128xf32, #tpu.memory_space<vmem>>, vector<1x16xf32>,
        %get3A_280 = arith.index_cast %add3A_209 : i32 to index
        %get3A_281 = arith.constant 96 : index
        %get3A_282 = tpu.vector_load %arg10[%get3A_280, %get3A_281] {strides = array<i32>} : memref<128x128xf32, #tpu.memory_space<vmem>>, vector<1x16xf32>,
        %get3A_283 = vector.shape_cast %get3A_282 : vector<1x16xf32> to vector<16xf32>
        %mul3A_284 = arith.constant 11.3137083 : f32
        %mul3A_285 = vector.broadcast %mul3A_284 : f32 to vector<16xf32>
        %mul3A_286 = arith.mulf %get3A_283, %mul3A_285 : vector<16xf32>
        %swap3A_287 = arith.index_cast %add3A_209 : i32 to index
        %swap3A_288 = arith.constant 96 : index
        %swap3A_289 = tpu.vector_load %arg10[%swap3A_287, %swap3A_288] {strides = array<i32>} : memref<128x128xf32, #tpu.memory_space<vmem>>, vector<1x16xf32>,
        %swap3A_290 = vector.shape_cast %swap3A_289 : vector<1x16xf32> to vector<16xf32>
        %swap3A_291 = vector.shape_cast %mul3A_286 : vector<16xf32> to vector<1x16xf32>
        tpu.vector_store %arg10[%swap3A_287, %swap3A_288], %swap3A_291 {strides = array<i32>} : memref<128x128xf32, #tpu.memory_space<vmem>>, vector<1x16xf32>,
        %get3A_292 = arith.index_cast %add3A_209 : i32 to index
        %get3A_293 = arith.constant 112 : index
        %get3A_294 = tpu.vector_load %arg10[%get3A_292, %get3A_293] {strides = array<i32>} : memref<128x128xf32, #tpu.memory_space<vmem>>, vector<1x16xf32>,
        %get3A_295 = vector.shape_cast %get3A_294 : vector<1x16xf32> to vector<16xf32>
        %mul3A_296 = arith.constant 11.3137083 : f32
        %mul3A_297 = vector.broadcast %mul3A_296 : f32 to vector<16xf32>
        %mul3A_298 = arith.mulf %get3A_295, %mul3A_297 : vector<16xf32>
        %swap3A_299 = arith.index_cast %add3A_209 : i32 to index
        %swap3A_300 = arith.constant 112 : index
        %swap3A_301 = tpu.vector_load %arg10[%swap3A_299, %swap3A_300] {strides = array<i32>} : memref<128x128xf32, #tpu.memory_space<vmem>>, vector<1x16xf32>,
        %swap3A_302 = vector.shape_cast %swap3A_301 : vector<1x16xf32> to vector<16xf32>
        %swap3A_303 = vector.shape_cast %mul3A_298 : vector<16xf32> to vector<1x16xf32>
        tpu.vector_store %arg10[%swap3A_299, %swap3A_300], %swap3A_303 {strides = array<i32>} : memref<128x128xf32, #tpu.memory_space<vmem>>, vector<1x16xf32>,
        %mul3A_304 = arith.constant 4 : i32
        %mul3A_305 = arith.muli %scan3A_205, %mul3A_304 : i32
        %add3A_306 = arith.constant 1 : i32
        %add3A_307 = arith.addi %mul3A_305, %add3A_306 : i32
        %get3A_308 = arith.index_cast %add3A_307 : i32 to index
        %get3A_309 = arith.constant 0 : index
        %get3A_310 = tpu.vector_load %arg10[%get3A_308, %get3A_309] {strides = array<i32>} : memref<128x128xf32, #tpu.memory_space<vmem>>, vector<1x16xf32>,
        %get3A_311 = vector.shape_cast %get3A_310 : vector<1x16xf32> to vector<16xf32>
        %mul3A_312 = arith.constant 11.3137083 : f32
        %mul3A_313 = vector.broadcast %mul3A_312 : f32 to vector<16xf32>
        %mul3A_314 = arith.mulf %get3A_311, %mul3A_313 : vector<16xf32>
        %swap3A_315 = arith.index_cast %add3A_307 : i32 to index
        %swap3A_316 = arith.constant 0 : index
        %swap3A_317 = tpu.vector_load %arg10[%swap3A_315, %swap3A_316] {strides = array<i32>} : memref<128x128xf32, #tpu.memory_space<vmem>>, vector<1x16xf32>,
        %swap3A_318 = vector.shape_cast %swap3A_317 : vector<1x16xf32> to vector<16xf32>
        %swap3A_319 = vector.shape_cast %mul3A_314 : vector<16xf32> to vector<1x16xf32>
        tpu.vector_store %arg10[%swap3A_315, %swap3A_316], %swap3A_319 {strides = array<i32>} : memref<128x128xf32, #tpu.memory_space<vmem>>, vector<1x16xf32>,
        %get3A_320 = arith.index_cast %add3A_307 : i32 to index
        %get3A_321 = arith.constant 16 : index
        %get3A_322 = tpu.vector_load %arg10[%get3A_320, %get3A_321] {strides = array<i32>} : memref<128x128xf32, #tpu.memory_space<vmem>>, vector<1x16xf32>,
        %get3A_323 = vector.shape_cast %get3A_322 : vector<1x16xf32> to vector<16xf32>
        %mul3A_324 = arith.constant 11.3137083 : f32
        %mul3A_325 = vector.broadcast %mul3A_324 : f32 to vector<16xf32>
        %mul3A_326 = arith.mulf %get3A_323, %mul3A_325 : vector<16xf32>
        %swap3A_327 = arith.index_cast %add3A_307 : i32 to index
        %swap3A_328 = arith.constant 16 : index
        %swap3A_329 = tpu.vector_load %arg10[%swap3A_327, %swap3A_328] {strides = array<i32>} : memref<128x128xf32, #tpu.memory_space<vmem>>, vector<1x16xf32>,
        %swap3A_330 = vector.shape_cast %swap3A_329 : vector<1x16xf32> to vector<16xf32>
        %swap3A_331 = vector.shape_cast %mul3A_326 : vector<16xf32> to vector<1x16xf32>
        tpu.vector_store %arg10[%swap3A_327, %swap3A_328], %swap3A_331 {strides = array<i32>} : memref<128x128xf32, #tpu.memory_space<vmem>>, vector<1x16xf32>,
        %get3A_332 = arith.index_cast %add3A_307 : i32 to index
        %get3A_333 = arith.constant 32 : index
        %get3A_334 = tpu.vector_load %arg10[%get3A_332, %get3A_333] {strides = array<i32>} : memref<128x128xf32, #tpu.memory_space<vmem>>, vector<1x16xf32>,
        %get3A_335 = vector.shape_cast %get3A_334 : vector<1x16xf32> to vector<16xf32>
        %mul3A_336 = arith.constant 11.3137083 : f32
        %mul3A_337 = vector.broadcast %mul3A_336 : f32 to vector<16xf32>
        %mul3A_338 = arith.mulf %get3A_335, %mul3A_337 : vector<16xf32>
        %swap3A_339 = arith.index_cast %add3A_307 : i32 to index
        %swap3A_340 = arith.constant 32 : index
        %swap3A_341 = tpu.vector_load %arg10[%swap3A_339, %swap3A_340] {strides = array<i32>} : memref<128x128xf32, #tpu.memory_space<vmem>>, vector<1x16xf32>,
        %swap3A_342 = vector.shape_cast %swap3A_341 : vector<1x16xf32> to vector<16xf32>
        %swap3A_343 = vector.shape_cast %mul3A_338 : vector<16xf32> to vector<1x16xf32>
        tpu.vector_store %arg10[%swap3A_339, %swap3A_340], %swap3A_343 {strides = array<i32>} : memref<128x128xf32, #tpu.memory_space<vmem>>, vector<1x16xf32>,
        %get3A_344 = arith.index_cast %add3A_307 : i32 to index
        %get3A_345 = arith.constant 48 : index
        %get3A_346 = tpu.vector_load %arg10[%get3A_344, %get3A_345] {strides = array<i32>} : memref<128x128xf32, #tpu.memory_space<vmem>>, vector<1x16xf32>,
        %get3A_347 = vector.shape_cast %get3A_346 : vector<1x16xf32> to vector<16xf32>
        %mul3A_348 = arith.constant 11.3137083 : f32
        %mul3A_349 = vector.broadcast %mul3A_348 : f32 to vector<16xf32>
        %mul3A_350 = arith.mulf %get3A_347, %mul3A_349 : vector<16xf32>
        %swap3A_351 = arith.index_cast %add3A_307 : i32 to index
        %swap3A_352 = arith.constant 48 : index
        %swap3A_353 = tpu.vector_load %arg10[%swap3A_351, %swap3A_352] {strides = array<i32>} : memref<128x128xf32, #tpu.memory_space<vmem>>, vector<1x16xf32>,
        %swap3A_354 = vector.shape_cast %swap3A_353 : vector<1x16xf32> to vector<16xf32>
        %swap3A_355 = vector.shape_cast %mul3A_350 : vector<16xf32> to vector<1x16xf32>
        tpu.vector_store %arg10[%swap3A_351, %swap3A_352], %swap3A_355 {strides = array<i32>} : memref<128x128xf32, #tpu.memory_space<vmem>>, vector<1x16xf32>,
        %get3A_356 = arith.index_cast %add3A_307 : i32 to index
        %get3A_357 = arith.constant 64 : index
        %get3A_358 = tpu.vector_load %arg10[%get3A_356, %get3A_357] {strides = array<i32>} : memref<128x128xf32, #tpu.memory_space<vmem>>, vector<1x16xf32>,
        %get3A_359 = vector.shape_cast %get3A_358 : vector<1x16xf32> to vector<16xf32>
        %mul3A_360 = arith.constant 11.3137083 : f32
        %mul3A_361 = vector.broadcast %mul3A_360 : f32 to vector<16xf32>
        %mul3A_362 = arith.mulf %get3A_359, %mul3A_361 : vector<16xf32>
        %swap3A_363 = arith.index_cast %add3A_307 : i32 to index
        %swap3A_364 = arith.constant 64 : index
        %swap3A_365 = tpu.vector_load %arg10[%swap3A_363, %swap3A_364] {strides = array<i32>} : memref<128x128xf32, #tpu.memory_space<vmem>>, vector<1x16xf32>,
        %swap3A_366 = vector.shape_cast %swap3A_365 : vector<1x16xf32> to vector<16xf32>
        %swap3A_367 = vector.shape_cast %mul3A_362 : vector<16xf32> to vector<1x16xf32>
        tpu.vector_store %arg10[%swap3A_363, %swap3A_364], %swap3A_367 {strides = array<i32>} : memref<128x128xf32, #tpu.memory_space<vmem>>, vector<1x16xf32>,
        %get3A_368 = arith.index_cast %add3A_307 : i32 to index
        %get3A_369 = arith.constant 80 : index
        %get3A_370 = tpu.vector_load %arg10[%get3A_368, %get3A_369] {strides = array<i32>} : memref<128x128xf32, #tpu.memory_space<vmem>>, vector<1x16xf32>,
        %get3A_371 = vector.shape_cast %get3A_370 : vector<1x16xf32> to vector<16xf32>
        %mul3A_372 = arith.constant 11.3137083 : f32
        %mul3A_373 = vector.broadcast %mul3A_372 : f32 to vector<16xf32>
        %mul3A_374 = arith.mulf %get3A_371, %mul3A_373 : vector<16xf32>
        %swap3A_375 = arith.index_cast %add3A_307 : i32 to index
        %swap3A_376 = arith.constant 80 : index
        %swap3A_377 = tpu.vector_load %arg10[%swap3A_375, %swap3A_376] {strides = array<i32>} : memref<128x128xf32, #tpu.memory_space<vmem>>, vector<1x16xf32>,
        %swap3A_378 = vector.shape_cast %swap3A_377 : vector<1x16xf32> to vector<16xf32>
        %swap3A_379 = vector.shape_cast %mul3A_374 : vector<16xf32> to vector<1x16xf32>
        tpu.vector_store %arg10[%swap3A_375, %swap3A_376], %swap3A_379 {strides = array<i32>} : memref<128x128xf32, #tpu.memory_space<vmem>>, vector<1x16xf32>,
        %get3A_380 = arith.index_cast %add3A_307 : i32 to index
        %get3A_381 = arith.constant 96 : index
        %get3A_382 = tpu.vector_load %arg10[%get3A_380, %get3A_381] {strides = array<i32>} : memref<128x128xf32, #tpu.memory_space<vmem>>, vector<1x16xf32>,
        %get3A_383 = vector.shape_cast %get3A_382 : vector<1x16xf32> to vector<16xf32>
        %mul3A_384 = arith.constant 11.3137083 : f32
        %mul3A_385 = vector.broadcast %mul3A_384 : f32 to vector<16xf32>
        %mul3A_386 = arith.mulf %get3A_383, %mul3A_385 : vector<16xf32>
        %swap3A_387 = arith.index_cast %add3A_307 : i32 to index
        %swap3A_388 = arith.constant 96 : index
        %swap3A_389 = tpu.vector_load %arg10[%swap3A_387, %swap3A_388] {strides = array<i32>} : memref<128x128xf32, #tpu.memory_space<vmem>>, vector<1x16xf32>,
        %swap3A_390 = vector.shape_cast %swap3A_389 : vector<1x16xf32> to vector<16xf32>
        %swap3A_391 = vector.shape_cast %mul3A_386 : vector<16xf32> to vector<1x16xf32>
        tpu.vector_store %arg10[%swap3A_387, %swap3A_388], %swap3A_391 {strides = array<i32>} : memref<128x128xf32, #tpu.memory_space<vmem>>, vector<1x16xf32>,
        %get3A_392 = arith.index_cast %add3A_307 : i32 to index
        %get3A_393 = arith.constant 112 : index
        %get3A_394 = tpu.vector_load %arg10[%get3A_392, %get3A_393] {strides = array<i32>} : memref<128x128xf32, #tpu.memory_space<vmem>>, vector<1x16xf32>,
        %get3A_395 = vector.shape_cast %get3A_394 : vector<1x16xf32> to vector<16xf32>
        %mul3A_396 = arith.constant 11.3137083 : f32
        %mul3A_397 = vector.broadcast %mul3A_396 : f32 to vector<16xf32>
        %mul3A_398 = arith.mulf %get3A_395, %mul3A_397 : vector<16xf32>
        %swap3A_399 = arith.index_cast %add3A_307 : i32 to index
        %swap3A_400 = arith.constant 112 : index
        %swap3A_401 = tpu.vector_load %arg10[%swap3A_399, %swap3A_400] {strides = array<i32>} : memref<128x128xf32, #tpu.memory_space<vmem>>, vector<1x16xf32>,
        %swap3A_402 = vector.shape_cast %swap3A_401 : vector<1x16xf32> to vector<16xf32>
        %swap3A_403 = vector.shape_cast %mul3A_398 : vector<16xf32> to vector<1x16xf32>
        tpu.vector_store %arg10[%swap3A_399, %swap3A_400], %swap3A_403 {strides = array<i32>} : memref<128x128xf32, #tpu.memory_space<vmem>>, vector<1x16xf32>,
        %mul3A_404 = arith.constant 4 : i32
        %mul3A_405 = arith.muli %scan3A_205, %mul3A_404 : i32
        %add3A_406 = arith.constant 2 : i32
        %add3A_407 = arith.addi %mul3A_405, %add3A_406 : i32
        %get3A_408 = arith.index_cast %add3A_407 : i32 to index
        %get3A_409 = arith.constant 0 : index
        %get3A_410 = tpu.vector_load %arg10[%get3A_408, %get3A_409] {strides = array<i32>} : memref<128x128xf32, #tpu.memory_space<vmem>>, vector<1x16xf32>,
        %get3A_411 = vector.shape_cast %get3A_410 : vector<1x16xf32> to vector<16xf32>
        %mul3A_412 = arith.constant 11.3137083 : f32
        %mul3A_413 = vector.broadcast %mul3A_412 : f32 to vector<16xf32>
        %mul3A_414 = arith.mulf %get3A_411, %mul3A_413 : vector<16xf32>
        %swap3A_415 = arith.index_cast %add3A_407 : i32 to index
        %swap3A_416 = arith.constant 0 : index
        %swap3A_417 = tpu.vector_load %arg10[%swap3A_415, %swap3A_416] {strides = array<i32>} : memref<128x128xf32, #tpu.memory_space<vmem>>, vector<1x16xf32>,
        %swap3A_418 = vector.shape_cast %swap3A_417 : vector<1x16xf32> to vector<16xf32>
        %swap3A_419 = vector.shape_cast %mul3A_414 : vector<16xf32> to vector<1x16xf32>
        tpu.vector_store %arg10[%swap3A_415, %swap3A_416], %swap3A_419 {strides = array<i32>} : memref<128x128xf32, #tpu.memory_space<vmem>>, vector<1x16xf32>,
        %get3A_420 = arith.index_cast %add3A_407 : i32 to index
        %get3A_421 = arith.constant 16 : index
        %get3A_422 = tpu.vector_load %arg10[%get3A_420, %get3A_421] {strides = array<i32>} : memref<128x128xf32, #tpu.memory_space<vmem>>, vector<1x16xf32>,
        %get3A_423 = vector.shape_cast %get3A_422 : vector<1x16xf32> to vector<16xf32>
        %mul3A_424 = arith.constant 11.3137083 : f32
        %mul3A_425 = vector.broadcast %mul3A_424 : f32 to vector<16xf32>
        %mul3A_426 = arith.mulf %get3A_423, %mul3A_425 : vector<16xf32>
        %swap3A_427 = arith.index_cast %add3A_407 : i32 to index
        %swap3A_428 = arith.constant 16 : index
        %swap3A_429 = tpu.vector_load %arg10[%swap3A_427, %swap3A_428] {strides = array<i32>} : memref<128x128xf32, #tpu.memory_space<vmem>>, vector<1x16xf32>,
        %swap3A_430 = vector.shape_cast %swap3A_429 : vector<1x16xf32> to vector<16xf32>
        %swap3A_431 = vector.shape_cast %mul3A_426 : vector<16xf32> to vector<1x16xf32>
        tpu.vector_store %arg10[%swap3A_427, %swap3A_428], %swap3A_431 {strides = array<i32>} : memref<128x128xf32, #tpu.memory_space<vmem>>, vector<1x16xf32>,
        %get3A_432 = arith.index_cast %add3A_407 : i32 to index
        %get3A_433 = arith.constant 32 : index
        %get3A_434 = tpu.vector_load %arg10[%get3A_432, %get3A_433] {strides = array<i32>} : memref<128x128xf32, #tpu.memory_space<vmem>>, vector<1x16xf32>,
        %get3A_435 = vector.shape_cast %get3A_434 : vector<1x16xf32> to vector<16xf32>
        %mul3A_436 = arith.constant 11.3137083 : f32
        %mul3A_437 = vector.broadcast %mul3A_436 : f32 to vector<16xf32>
        %mul3A_438 = arith.mulf %get3A_435, %mul3A_437 : vector<16xf32>
        %swap3A_439 = arith.index_cast %add3A_407 : i32 to index
        %swap3A_440 = arith.constant 32 : index
        %swap3A_441 = tpu.vector_load %arg10[%swap3A_439, %swap3A_440] {strides = array<i32>} : memref<128x128xf32, #tpu.memory_space<vmem>>, vector<1x16xf32>,
        %swap3A_442 = vector.shape_cast %swap3A_441 : vector<1x16xf32> to vector<16xf32>
        %swap3A_443 = vector.shape_cast %mul3A_438 : vector<16xf32> to vector<1x16xf32>
        tpu.vector_store %arg10[%swap3A_439, %swap3A_440], %swap3A_443 {strides = array<i32>} : memref<128x128xf32, #tpu.memory_space<vmem>>, vector<1x16xf32>,
        %get3A_444 = arith.index_cast %add3A_407 : i32 to index
        %get3A_445 = arith.constant 48 : index
        %get3A_446 = tpu.vector_load %arg10[%get3A_444, %get3A_445] {strides = array<i32>} : memref<128x128xf32, #tpu.memory_space<vmem>>, vector<1x16xf32>,
        %get3A_447 = vector.shape_cast %get3A_446 : vector<1x16xf32> to vector<16xf32>
        %mul3A_448 = arith.constant 11.3137083 : f32
        %mul3A_449 = vector.broadcast %mul3A_448 : f32 to vector<16xf32>
        %mul3A_450 = arith.mulf %get3A_447, %mul3A_449 : vector<16xf32>
        %swap3A_451 = arith.index_cast %add3A_407 : i32 to index
        %swap3A_452 = arith.constant 48 : index
        %swap3A_453 = tpu.vector_load %arg10[%swap3A_451, %swap3A_452] {strides = array<i32>} : memref<128x128xf32, #tpu.memory_space<vmem>>, vector<1x16xf32>,
        %swap3A_454 = vector.shape_cast %swap3A_453 : vector<1x16xf32> to vector<16xf32>
        %swap3A_455 = vector.shape_cast %mul3A_450 : vector<16xf32> to vector<1x16xf32>
        tpu.vector_store %arg10[%swap3A_451, %swap3A_452], %swap3A_455 {strides = array<i32>} : memref<128x128xf32, #tpu.memory_space<vmem>>, vector<1x16xf32>,
        %get3A_456 = arith.index_cast %add3A_407 : i32 to index
        %get3A_457 = arith.constant 64 : index
        %get3A_458 = tpu.vector_load %arg10[%get3A_456, %get3A_457] {strides = array<i32>} : memref<128x128xf32, #tpu.memory_space<vmem>>, vector<1x16xf32>,
        %get3A_459 = vector.shape_cast %get3A_458 : vector<1x16xf32> to vector<16xf32>
        %mul3A_460 = arith.constant 11.3137083 : f32
        %mul3A_461 = vector.broadcast %mul3A_460 : f32 to vector<16xf32>
        %mul3A_462 = arith.mulf %get3A_459, %mul3A_461 : vector<16xf32>
        %swap3A_463 = arith.index_cast %add3A_407 : i32 to index
        %swap3A_464 = arith.constant 64 : index
        %swap3A_465 = tpu.vector_load %arg10[%swap3A_463, %swap3A_464] {strides = array<i32>} : memref<128x128xf32, #tpu.memory_space<vmem>>, vector<1x16xf32>,
        %swap3A_466 = vector.shape_cast %swap3A_465 : vector<1x16xf32> to vector<16xf32>
        %swap3A_467 = vector.shape_cast %mul3A_462 : vector<16xf32> to vector<1x16xf32>
        tpu.vector_store %arg10[%swap3A_463, %swap3A_464], %swap3A_467 {strides = array<i32>} : memref<128x128xf32, #tpu.memory_space<vmem>>, vector<1x16xf32>,
        %get3A_468 = arith.index_cast %add3A_407 : i32 to index
        %get3A_469 = arith.constant 80 : index
        %get3A_470 = tpu.vector_load %arg10[%get3A_468, %get3A_469] {strides = array<i32>} : memref<128x128xf32, #tpu.memory_space<vmem>>, vector<1x16xf32>,
        %get3A_471 = vector.shape_cast %get3A_470 : vector<1x16xf32> to vector<16xf32>
        %mul3A_472 = arith.constant 11.3137083 : f32
        %mul3A_473 = vector.broadcast %mul3A_472 : f32 to vector<16xf32>
        %mul3A_474 = arith.mulf %get3A_471, %mul3A_473 : vector<16xf32>
        %swap3A_475 = arith.index_cast %add3A_407 : i32 to index
        %swap3A_476 = arith.constant 80 : index
        %swap3A_477 = tpu.vector_load %arg10[%swap3A_475, %swap3A_476] {strides = array<i32>} : memref<128x128xf32, #tpu.memory_space<vmem>>, vector<1x16xf32>,
        %swap3A_478 = vector.shape_cast %swap3A_477 : vector<1x16xf32> to vector<16xf32>
        %swap3A_479 = vector.shape_cast %mul3A_474 : vector<16xf32> to vector<1x16xf32>
        tpu.vector_store %arg10[%swap3A_475, %swap3A_476], %swap3A_479 {strides = array<i32>} : memref<128x128xf32, #tpu.memory_space<vmem>>, vector<1x16xf32>,
        %get3A_480 = arith.index_cast %add3A_407 : i32 to index
        %get3A_481 = arith.constant 96 : index
        %get3A_482 = tpu.vector_load %arg10[%get3A_480, %get3A_481] {strides = array<i32>} : memref<128x128xf32, #tpu.memory_space<vmem>>, vector<1x16xf32>,
        %get3A_483 = vector.shape_cast %get3A_482 : vector<1x16xf32> to vector<16xf32>
        %mul3A_484 = arith.constant 11.3137083 : f32
        %mul3A_485 = vector.broadcast %mul3A_484 : f32 to vector<16xf32>
        %mul3A_486 = arith.mulf %get3A_483, %mul3A_485 : vector<16xf32>
        %swap3A_487 = arith.index_cast %add3A_407 : i32 to index
        %swap3A_488 = arith.constant 96 : index
        %swap3A_489 = tpu.vector_load %arg10[%swap3A_487, %swap3A_488] {strides = array<i32>} : memref<128x128xf32, #tpu.memory_space<vmem>>, vector<1x16xf32>,
        %swap3A_490 = vector.shape_cast %swap3A_489 : vector<1x16xf32> to vector<16xf32>
        %swap3A_491 = vector.shape_cast %mul3A_486 : vector<16xf32> to vector<1x16xf32>
        tpu.vector_store %arg10[%swap3A_487, %swap3A_488], %swap3A_491 {strides = array<i32>} : memref<128x128xf32, #tpu.memory_space<vmem>>, vector<1x16xf32>,
        %get3A_492 = arith.index_cast %add3A_407 : i32 to index
        %get3A_493 = arith.constant 112 : index
        %get3A_494 = tpu.vector_load %arg10[%get3A_492, %get3A_493] {strides = array<i32>} : memref<128x128xf32, #tpu.memory_space<vmem>>, vector<1x16xf32>,
        %get3A_495 = vector.shape_cast %get3A_494 : vector<1x16xf32> to vector<16xf32>
        %mul3A_496 = arith.constant 11.3137083 : f32
        %mul3A_497 = vector.broadcast %mul3A_496 : f32 to vector<16xf32>
        %mul3A_498 = arith.mulf %get3A_495, %mul3A_497 : vector<16xf32>
        %swap3A_499 = arith.index_cast %add3A_407 : i32 to index
        %swap3A_500 = arith.constant 112 : index
        %swap3A_501 = tpu.vector_load %arg10[%swap3A_499, %swap3A_500] {strides = array<i32>} : memref<128x128xf32, #tpu.memory_space<vmem>>, vector<1x16xf32>,
        %swap3A_502 = vector.shape_cast %swap3A_501 : vector<1x16xf32> to vector<16xf32>
        %swap3A_503 = vector.shape_cast %mul3A_498 : vector<16xf32> to vector<1x16xf32>
        tpu.vector_store %arg10[%swap3A_499, %swap3A_500], %swap3A_503 {strides = array<i32>} : memref<128x128xf32, #tpu.memory_space<vmem>>, vector<1x16xf32>,
        %mul3A_504 = arith.constant 4 : i32
        %mul3A_505 = arith.muli %scan3A_205, %mul3A_504 : i32
        %add3A_506 = arith.constant 3 : i32
        %add3A_507 = arith.addi %mul3A_505, %add3A_506 : i32
        %get3A_508 = arith.index_cast %add3A_507 : i32 to index
        %get3A_509 = arith.constant 0 : index
        %get3A_510 = tpu.vector_load %arg10[%get3A_508, %get3A_509] {strides = array<i32>} : memref<128x128xf32, #tpu.memory_space<vmem>>, vector<1x16xf32>,
        %get3A_511 = vector.shape_cast %get3A_510 : vector<1x16xf32> to vector<16xf32>
        %mul3A_512 = arith.constant 11.3137083 : f32
        %mul3A_513 = vector.broadcast %mul3A_512 : f32 to vector<16xf32>
        %mul3A_514 = arith.mulf %get3A_511, %mul3A_513 : vector<16xf32>
        %swap3A_515 = arith.index_cast %add3A_507 : i32 to index
        %swap3A_516 = arith.constant 0 : index
        %swap3A_517 = tpu.vector_load %arg10[%swap3A_515, %swap3A_516] {strides = array<i32>} : memref<128x128xf32, #tpu.memory_space<vmem>>, vector<1x16xf32>,
        %swap3A_518 = vector.shape_cast %swap3A_517 : vector<1x16xf32> to vector<16xf32>
        %swap3A_519 = vector.shape_cast %mul3A_514 : vector<16xf32> to vector<1x16xf32>
        tpu.vector_store %arg10[%swap3A_515, %swap3A_516], %swap3A_519 {strides = array<i32>} : memref<128x128xf32, #tpu.memory_space<vmem>>, vector<1x16xf32>,
        %get3A_520 = arith.index_cast %add3A_507 : i32 to index
        %get3A_521 = arith.constant 16 : index
        %get3A_522 = tpu.vector_load %arg10[%get3A_520, %get3A_521] {strides = array<i32>} : memref<128x128xf32, #tpu.memory_space<vmem>>, vector<1x16xf32>,
        %get3A_523 = vector.shape_cast %get3A_522 : vector<1x16xf32> to vector<16xf32>
        %mul3A_524 = arith.constant 11.3137083 : f32
        %mul3A_525 = vector.broadcast %mul3A_524 : f32 to vector<16xf32>
        %mul3A_526 = arith.mulf %get3A_523, %mul3A_525 : vector<16xf32>
        %swap3A_527 = arith.index_cast %add3A_507 : i32 to index
        %swap3A_528 = arith.constant 16 : index
        %swap3A_529 = tpu.vector_load %arg10[%swap3A_527, %swap3A_528] {strides = array<i32>} : memref<128x128xf32, #tpu.memory_space<vmem>>, vector<1x16xf32>,
        %swap3A_530 = vector.shape_cast %swap3A_529 : vector<1x16xf32> to vector<16xf32>
        %swap3A_531 = vector.shape_cast %mul3A_526 : vector<16xf32> to vector<1x16xf32>
        tpu.vector_store %arg10[%swap3A_527, %swap3A_528], %swap3A_531 {strides = array<i32>} : memref<128x128xf32, #tpu.memory_space<vmem>>, vector<1x16xf32>,
        %get3A_532 = arith.index_cast %add3A_507 : i32 to index
        %get3A_533 = arith.constant 32 : index
        %get3A_534 = tpu.vector_load %arg10[%get3A_532, %get3A_533] {strides = array<i32>} : memref<128x128xf32, #tpu.memory_space<vmem>>, vector<1x16xf32>,
        %get3A_535 = vector.shape_cast %get3A_534 : vector<1x16xf32> to vector<16xf32>
        %mul3A_536 = arith.constant 11.3137083 : f32
        %mul3A_537 = vector.broadcast %mul3A_536 : f32 to vector<16xf32>
        %mul3A_538 = arith.mulf %get3A_535, %mul3A_537 : vector<16xf32>
        %swap3A_539 = arith.index_cast %add3A_507 : i32 to index
        %swap3A_540 = arith.constant 32 : index
        %swap3A_541 = tpu.vector_load %arg10[%swap3A_539, %swap3A_540] {strides = array<i32>} : memref<128x128xf32, #tpu.memory_space<vmem>>, vector<1x16xf32>,
        %swap3A_542 = vector.shape_cast %swap3A_541 : vector<1x16xf32> to vector<16xf32>
        %swap3A_543 = vector.shape_cast %mul3A_538 : vector<16xf32> to vector<1x16xf32>
        tpu.vector_store %arg10[%swap3A_539, %swap3A_540], %swap3A_543 {strides = array<i32>} : memref<128x128xf32, #tpu.memory_space<vmem>>, vector<1x16xf32>,
        %get3A_544 = arith.index_cast %add3A_507 : i32 to index
        %get3A_545 = arith.constant 48 : index
        %get3A_546 = tpu.vector_load %arg10[%get3A_544, %get3A_545] {strides = array<i32>} : memref<128x128xf32, #tpu.memory_space<vmem>>, vector<1x16xf32>,
        %get3A_547 = vector.shape_cast %get3A_546 : vector<1x16xf32> to vector<16xf32>
        %mul3A_548 = arith.constant 11.3137083 : f32
        %mul3A_549 = vector.broadcast %mul3A_548 : f32 to vector<16xf32>
        %mul3A_550 = arith.mulf %get3A_547, %mul3A_549 : vector<16xf32>
        %swap3A_551 = arith.index_cast %add3A_507 : i32 to index
        %swap3A_552 = arith.constant 48 : index
        %swap3A_553 = tpu.vector_load %arg10[%swap3A_551, %swap3A_552] {strides = array<i32>} : memref<128x128xf32, #tpu.memory_space<vmem>>, vector<1x16xf32>,
        %swap3A_554 = vector.shape_cast %swap3A_553 : vector<1x16xf32> to vector<16xf32>
        %swap3A_555 = vector.shape_cast %mul3A_550 : vector<16xf32> to vector<1x16xf32>
        tpu.vector_store %arg10[%swap3A_551, %swap3A_552], %swap3A_555 {strides = array<i32>} : memref<128x128xf32, #tpu.memory_space<vmem>>, vector<1x16xf32>,
        %get3A_556 = arith.index_cast %add3A_507 : i32 to index
        %get3A_557 = arith.constant 64 : index
        %get3A_558 = tpu.vector_load %arg10[%get3A_556, %get3A_557] {strides = array<i32>} : memref<128x128xf32, #tpu.memory_space<vmem>>, vector<1x16xf32>,
        %get3A_559 = vector.shape_cast %get3A_558 : vector<1x16xf32> to vector<16xf32>
        %mul3A_560 = arith.constant 11.3137083 : f32
        %mul3A_561 = vector.broadcast %mul3A_560 : f32 to vector<16xf32>
        %mul3A_562 = arith.mulf %get3A_559, %mul3A_561 : vector<16xf32>
        %swap3A_563 = arith.index_cast %add3A_507 : i32 to index
        %swap3A_564 = arith.constant 64 : index
        %swap3A_565 = tpu.vector_load %arg10[%swap3A_563, %swap3A_564] {strides = array<i32>} : memref<128x128xf32, #tpu.memory_space<vmem>>, vector<1x16xf32>,
        %swap3A_566 = vector.shape_cast %swap3A_565 : vector<1x16xf32> to vector<16xf32>
        %swap3A_567 = vector.shape_cast %mul3A_562 : vector<16xf32> to vector<1x16xf32>
        tpu.vector_store %arg10[%swap3A_563, %swap3A_564], %swap3A_567 {strides = array<i32>} : memref<128x128xf32, #tpu.memory_space<vmem>>, vector<1x16xf32>,
        %get3A_568 = arith.index_cast %add3A_507 : i32 to index
        %get3A_569 = arith.constant 80 : index
        %get3A_570 = tpu.vector_load %arg10[%get3A_568, %get3A_569] {strides = array<i32>} : memref<128x128xf32, #tpu.memory_space<vmem>>, vector<1x16xf32>,
        %get3A_571 = vector.shape_cast %get3A_570 : vector<1x16xf32> to vector<16xf32>
        %mul3A_572 = arith.constant 11.3137083 : f32
        %mul3A_573 = vector.broadcast %mul3A_572 : f32 to vector<16xf32>
        %mul3A_574 = arith.mulf %get3A_571, %mul3A_573 : vector<16xf32>
        %swap3A_575 = arith.index_cast %add3A_507 : i32 to index
        %swap3A_576 = arith.constant 80 : index
        %swap3A_577 = tpu.vector_load %arg10[%swap3A_575, %swap3A_576] {strides = array<i32>} : memref<128x128xf32, #tpu.memory_space<vmem>>, vector<1x16xf32>,
        %swap3A_578 = vector.shape_cast %swap3A_577 : vector<1x16xf32> to vector<16xf32>
        %swap3A_579 = vector.shape_cast %mul3A_574 : vector<16xf32> to vector<1x16xf32>
        tpu.vector_store %arg10[%swap3A_575, %swap3A_576], %swap3A_579 {strides = array<i32>} : memref<128x128xf32, #tpu.memory_space<vmem>>, vector<1x16xf32>,
        %get3A_580 = arith.index_cast %add3A_507 : i32 to index
        %get3A_581 = arith.constant 96 : index
        %get3A_582 = tpu.vector_load %arg10[%get3A_580, %get3A_581] {strides = array<i32>} : memref<128x128xf32, #tpu.memory_space<vmem>>, vector<1x16xf32>,
        %get3A_583 = vector.shape_cast %get3A_582 : vector<1x16xf32> to vector<16xf32>
        %mul3A_584 = arith.constant 11.3137083 : f32
        %mul3A_585 = vector.broadcast %mul3A_584 : f32 to vector<16xf32>
        %mul3A_586 = arith.mulf %get3A_583, %mul3A_585 : vector<16xf32>
        %swap3A_587 = arith.index_cast %add3A_507 : i32 to index
        %swap3A_588 = arith.constant 96 : index
        %swap3A_589 = tpu.vector_load %arg10[%swap3A_587, %swap3A_588] {strides = array<i32>} : memref<128x128xf32, #tpu.memory_space<vmem>>, vector<1x16xf32>,
        %swap3A_590 = vector.shape_cast %swap3A_589 : vector<1x16xf32> to vector<16xf32>
        %swap3A_591 = vector.shape_cast %mul3A_586 : vector<16xf32> to vector<1x16xf32>
        tpu.vector_store %arg10[%swap3A_587, %swap3A_588], %swap3A_591 {strides = array<i32>} : memref<128x128xf32, #tpu.memory_space<vmem>>, vector<1x16xf32>,
        %get3A_592 = arith.index_cast %add3A_507 : i32 to index
        %get3A_593 = arith.constant 112 : index
        %get3A_594 = tpu.vector_load %arg10[%get3A_592, %get3A_593] {strides = array<i32>} : memref<128x128xf32, #tpu.memory_space<vmem>>, vector<1x16xf32>,
        %get3A_595 = vector.shape_cast %get3A_594 : vector<1x16xf32> to vector<16xf32>
        %mul3A_596 = arith.constant 11.3137083 : f32
        %mul3A_597 = vector.broadcast %mul3A_596 : f32 to vector<16xf32>
        %mul3A_598 = arith.mulf %get3A_595, %mul3A_597 : vector<16xf32>
        %swap3A_599 = arith.index_cast %add3A_507 : i32 to index
        %swap3A_600 = arith.constant 112 : index
        %swap3A_601 = tpu.vector_load %arg10[%swap3A_599, %swap3A_600] {strides = array<i32>} : memref<128x128xf32, #tpu.memory_space<vmem>>, vector<1x16xf32>,
        %swap3A_602 = vector.shape_cast %swap3A_601 : vector<1x16xf32> to vector<16xf32>
        %swap3A_603 = vector.shape_cast %mul3A_598 : vector<16xf32> to vector<1x16xf32>
        tpu.vector_store %arg10[%swap3A_599, %swap3A_600], %swap3A_603 {strides = array<i32>} : memref<128x128xf32, #tpu.memory_space<vmem>>, vector<1x16xf32>,
      }
      %scan3A_197 = arith.constant 32 : i32
      %mul3A_198 = arith.constant 128 : i32
      %mul3A_199 = arith.muli %add3A_176, %mul3A_198 : i32
      %add3A_200 = arith.addi %mul3A_2, %mul3A_199 : i32
      %dma_start3A_201 = arith.constant 0 : i32
      %dma_start3A_202 = tpu.memref_slice %arg4[%add3A_200, %dma_start3A_201] : memref<204800x128xf32, #tpu.memory_space<hbm>> -> memref<128x128xf32, #tpu.memory_space<hbm>>
      %dma_start3A_203 = arith.constant 0 : i32
      %dma_start3A_204 = tpu.memref_slice %arg4[%add3A_200, %dma_start3A_203] : memref<204800x128xf32, #tpu.memory_space<hbm>> -> memref<128x128xf32, #tpu.memory_space<hbm>>
      tpu.enqueue_dma source(%arg10 : memref<128x128xf32, #tpu.memory_space<vmem>>) target(%dma_start3A_204 : memref<128x128xf32, #tpu.memory_space<hbm>>) target_semaphore(%arg20 : memref<!tpu.dma_semaphore, #tpu.memory_space<semaphore_mem>>)
    }
    %scan3A_26 = arith.constant 10 : i32
    %dma_wait3A = arith.constant 0 : i32
    %dma_wait3A_27 = arith.constant 0 : i32
    %dma_wait3A_28 = tpu.memref_slice %arg4[%dma_wait3A, %dma_wait3A_27] : memref<204800x128xf32, #tpu.memory_space<hbm>> -> memref<128x128xf32, #tpu.memory_space<hbm>>
    %dma_wait3A_29 = arith.constant 0 : i32
    %dma_wait3A_30 = arith.constant 0 : i32
    %dma_wait3A_31 = tpu.memref_slice %arg4[%dma_wait3A_29, %dma_wait3A_30] : memref<204800x128xf32, #tpu.memory_space<hbm>> -> memref<128x128xf32, #tpu.memory_space<hbm>>
    tpu.wait_dma2 semaphore(%arg16 : memref<!tpu.dma_semaphore, #tpu.memory_space<semaphore_mem>>) src(%arg6 : memref<128x128xf32, #tpu.memory_space<vmem>>) dst(%dma_wait3A_31 : memref<128x128xf32, #tpu.memory_space<hbm>>)
    %dma_wait3A_32 = arith.constant 0 : i32
    %dma_wait3A_33 = arith.constant 0 : i32
    %dma_wait3A_34 = tpu.memref_slice %arg4[%dma_wait3A_32, %dma_wait3A_33] : memref<204800x128xf32, #tpu.memory_space<hbm>> -> memref<128x128xf32, #tpu.memory_space<hbm>>
    %dma_wait3A_35 = arith.constant 0 : i32
    %dma_wait3A_36 = arith.constant 0 : i32
    %dma_wait3A_37 = tpu.memref_slice %arg4[%dma_wait3A_35, %dma_wait3A_36] : memref<204800x128xf32, #tpu.memory_space<hbm>> -> memref<128x128xf32, #tpu.memory_space<hbm>>
    tpu.wait_dma2 semaphore(%arg17 : memref<!tpu.dma_semaphore, #tpu.memory_space<semaphore_mem>>) src(%arg7 : memref<128x128xf32, #tpu.memory_space<vmem>>) dst(%dma_wait3A_37 : memref<128x128xf32, #tpu.memory_space<hbm>>)
    %dma_wait3A_38 = arith.constant 0 : i32
    %dma_wait3A_39 = arith.constant 0 : i32
    %dma_wait3A_40 = tpu.memref_slice %arg4[%dma_wait3A_38, %dma_wait3A_39] : memref<204800x128xf32, #tpu.memory_space<hbm>> -> memref<128x128xf32, #tpu.memory_space<hbm>>
    %dma_wait3A_41 = arith.constant 0 : i32
    %dma_wait3A_42 = arith.constant 0 : i32
    %dma_wait3A_43 = tpu.memref_slice %arg4[%dma_wait3A_41, %dma_wait3A_42] : memref<204800x128xf32, #tpu.memory_space<hbm>> -> memref<128x128xf32, #tpu.memory_space<hbm>>
    tpu.wait_dma2 semaphore(%arg18 : memref<!tpu.dma_semaphore, #tpu.memory_space<semaphore_mem>>) src(%arg8 : memref<128x128xf32, #tpu.memory_space<vmem>>) dst(%dma_wait3A_43 : memref<128x128xf32, #tpu.memory_space<hbm>>)
    %dma_wait3A_44 = arith.constant 0 : i32
    %dma_wait3A_45 = arith.constant 0 : i32
    %dma_wait3A_46 = tpu.memref_slice %arg4[%dma_wait3A_44, %dma_wait3A_45] : memref<204800x128xf32, #tpu.memory_space<hbm>> -> memref<128x128xf32, #tpu.memory_space<hbm>>
    %dma_wait3A_47 = arith.constant 0 : i32
    %dma_wait3A_48 = arith.constant 0 : i32
    %dma_wait3A_49 = tpu.memref_slice %arg4[%dma_wait3A_47, %dma_wait3A_48] : memref<204800x128xf32, #tpu.memory_space<hbm>> -> memref<128x128xf32, #tpu.memory_space<hbm>>
    tpu.wait_dma2 semaphore(%arg19 : memref<!tpu.dma_semaphore, #tpu.memory_space<semaphore_mem>>) src(%arg9 : memref<128x128xf32, #tpu.memory_space<vmem>>) dst(%dma_wait3A_49 : memref<128x128xf32, #tpu.memory_space<hbm>>)
    %dma_wait3A_50 = arith.constant 0 : i32
    %dma_wait3A_51 = arith.constant 0 : i32
    %dma_wait3A_52 = tpu.memref_slice %arg4[%dma_wait3A_50, %dma_wait3A_51] : memref<204800x128xf32, #tpu.memory_space<hbm>> -> memref<128x128xf32, #tpu.memory_space<hbm>>
    %dma_wait3A_53 = arith.constant 0 : i32
    %dma_wait3A_54 = arith.constant 0 : i32
    %dma_wait3A_55 = tpu.memref_slice %arg4[%dma_wait3A_53, %dma_wait3A_54] : memref<204800x128xf32, #tpu.memory_space<hbm>> -> memref<128x128xf32, #tpu.memory_space<hbm>>
    tpu.wait_dma2 semaphore(%arg20 : memref<!tpu.dma_semaphore, #tpu.memory_space<semaphore_mem>>) src(%arg10 : memref<128x128xf32, #tpu.memory_space<vmem>>) dst(%dma_wait3A_55 : memref<128x128xf32, #tpu.memory_space<hbm>>)
    return
  }
}

</mosaic_0001>

<sc_bundles>
// kernel: kernel.3.cloned.1.call-start
scs
__scs_entry_jumppad:
0x0: {  	(pc) =	sbr.rel $0x88, $3  }
0x1: {  	(tag) =	ssettag $0x0;
	lr =	simm.s32 $0x1  }
0x2: {  	[smem:$0x3F9F] =	sst lr;
	_ =	strace $0xD0000000  }
0x3: {  	_ = 	snop  }
0x4: {  	_ = 	snop  }
0x5: {  	_ = 	snop  }
0x6: {  	_ = 	snop  }
0x7: {  	_ = 	snop  }
__scs_overlays_trampoline_lowered:
0x8: {  	[smem:$0x3FAE] =	sst s0  }
0x9: {  	[smem:$0x3FAF] =	sst s1  }
0xa: {  	[smem:$0x3FB0] =	sst s2  }
0xb: {  	[smem:$0x3FB1] =	sst s3  }
0xc: {  	[smem:$0x3FB2] =	sst s4  }
0xd: {  	[smem:$0x3FB3] =	sst s5  }
0xe: {  	[smem:$0x3FB4] =	sst s6  }
0xf: {  	[smem:$0x3FB5] =	sst s7  }
0x10: {  	[smem:$0x3FB6] =	sst s8  }
0x11: {  	[smem:$0x3FB7] =	sst s9;
	s0 =	simm.s32 @!p0 $0x0  }
0x12: {  	s1 =	sld [smem:$0x3F9D];
	s0 =	simm.s32 @p0 $0x1  }
0x13: {  	[smem:$0x3FB8] =	sst s0;
	s0 =	simm.s32 @!p1 $0x0  }
0x14: {  	s2 =	sld [smem:$0x3F9C];
	s0 =	simm.s32 @p1 $0x1  }
0x15: {  	[smem:$0x3FB9] =	sst s0;
	s0 =	simm.s32 @!p2 $0x0  }
0x16: {  	s3 =	sld [smem:$0x3FDB];
	s0 =	simm.s32 @p2 $0x1  }
0x17: {  	s4 =	simm.s32 $0x1BF5;
	[smem:$0x3FBB] =	sst s0  }
0x18: {  	s0 =	sld [smem:$0x3F9E];
	_ =	swait.ge [sflag:s4], $0x0  }
0x19: {  	s7 =	sld [smem:$0x3F9F]  }
0x1a: {  	s8 =	sadd.s32 $0xFFFFE003, lr  }
0x1b: {  	s9 =	sadd.s32 $0xFFFFFEF7, lr;
	s5 =	simm.s32 $0xFFFFFFFF;
	p2 =	slt.u32 s8, $0xFFFFF086  }
0x1c: {  	p1 =	slt.u32 s9, $0xF7A;
	s5 =	simm.s32 @!p2 $0x0  }
0x1d: {  	s5 =	simm.s32 @p1 $0x1;
	p0 =	seq.s32 s7, s2  }
0x1e: {  	s7 =	smul.u32 @!p0 $0xF7A, s2;
	p2 =	seq.s32 @!p0 s5, $0x0  }
0x1f: {  	s9 =	smul.u32 $0xF7A, s1;
	s8 =	simm.s32 @!p0 $0x1BF5;
	p2 =	por !p2, p0  }
0x20: {  	[sflag:s8] =	ssyncset.s32 @!p0 $0xFFFFF086;
	s6 =	sadd.s32 @!p0 s3, s7;
	s7 =	simm.s32 @!p0 $0x108  }
0x21: {  	s3 =	sadd.s32 s3, s9;
	s6 =	sadd.s32 @!p0 $0x88, s6;
	s7 =	simm.s32 @p2 $0x1082  }
0x22: {  	[simem:s7], [sflag:s8] =	dma.local @!p0 [hbm:s6], $0xF7A  }
0x23: {  	s9 =	sor.u32 $0xD0000000, s2;
	s6 =	simm.s32 $0x108;
	_ =	swait.ge @!p0 [sflag:s8], $0x0  }
0x24: {  	s3 =	sadd.s32 $0x88, s3;
	s6 =	simm.s32 @!p1 $0x1082;
	[sflag:s4] =	ssyncset.s32 $0xFFFFF086  }
0x25: {  	[simem:s6], [sflag:s4] =	dma.local [hbm:s3], $0xF7A  }
0x26: {  	[smem:$0x3F9F] =	sst s1;
	(tag) =	ssettag s2;
	_ =	strace s9  }
0x27: {  	s1 =	sld [smem:$0x3FAF]  }
0x28: {  	s2 =	sld [smem:$0x3FB0]  }
0x29: {  	s4 =	sld [smem:$0x3FB2]  }
0x2a: {  	p0 =	seq.s32 s5, $0x0;
	s5 =	sld [smem:$0x3FB3]  }
0x2b: {  	s6 =	sld [smem:$0x3FB4]  }
0x2c: {  	s7 =	sld [smem:$0x3FB5]  }
0x2d: {  	s3 =	simm.s32 $0x108;
	s8 =	sld [smem:$0x3FB6]  }
0x2e: {  	s3 =	simm.s32 @!p0 $0x1082;
	s9 =	sld [smem:$0x3FB7]  }
0x2f: {  	lr =	sadd.s32 s0, s3;
	s0 =	sld [smem:$0x3FAE]  }
0x30: {  	s3 =	sld [smem:$0x3FB1]  }
0x31: {  	[smem:$0x3FBA] =	sst s10  }
0x32: {  	s10 =	sld [smem:$0x3FB8];
	_ =	sdelay $0x3  }
0x33: {  	p0 =	seq.s32 s10, $0x1;
	s10 =	sld [smem:$0x3FBA];
	_ =	sdelay $0x3  }
0x34: {  	[smem:$0x3FBA] =	sst s10  }
0x35: {  	s10 =	sld [smem:$0x3FB9];
	_ =	sdelay $0x3  }
0x36: {  	p1 =	seq.s32 s10, $0x1;
	s10 =	sld [smem:$0x3FBA];
	_ =	sdelay $0x3  }
0x37: {  	[smem:$0x3FBA] =	sst s10  }
0x38: {  	s10 =	sld [smem:$0x3FBB]  }
0x39: {  	_ = 	snop;
	(pc) =	sbr.ind lr, $3  }
0x3a: {  	_ = 	snop  }
0x3b: {  	_ = 	snop  }
0x3c: {  	p2 =	seq.s32 s10, $0x1;
	s10 =	sld [smem:$0x3FBA]  }
0x3d: {  	_ =	shalt  }
0x3e: {  	_ =	shalt  }
0x3f: {  	_ =	shalt  }
0x40: {  	_ =	shalt  }
0x41: {  	_ =	shalt  }
0x42: {  	_ =	shalt  }
0x43: {  	_ =	shalt  }
0x44: {  	_ =	shalt  }
0x45: {  	_ =	shalt  }
0x46: {  	_ =	shalt  }
0x47: {  	_ =	shalt  }
0x48: {  	_ =	shalt  }
0x49: {  	_ =	shalt  }
0x4a: {  	_ =	shalt  }
0x4b: {  	_ =	shalt  }
0x4c: {  	_ =	shalt  }
0x4d: {  	_ =	shalt  }
0x4e: {  	_ =	shalt  }
0x4f: {  	_ =	shalt  }
0x50: {  	_ =	shalt  }
0x51: {  	_ =	shalt  }
0x52: {  	_ =	shalt  }
0x53: {  	_ =	shalt  }
0x54: {  	_ =	shalt  }
0x55: {  	_ =	shalt  }
0x56: {  	_ =	shalt  }
0x57: {  	_ =	shalt  }
0x58: {  	_ =	shalt  }
0x59: {  	_ =	shalt  }
0x5a: {  	_ =	shalt  }
0x5b: {  	_ =	shalt  }
0x5c: {  	_ =	shalt  }
0x5d: {  	_ =	shalt  }
0x5e: {  	_ =	shalt  }
0x5f: {  	_ =	shalt  }
0x60: {  	_ =	shalt  }
0x61: {  	_ =	shalt  }
0x62: {  	_ =	shalt  }
0x63: {  	_ =	shalt  }
0x64: {  	_ =	shalt  }
0x65: {  	_ =	shalt  }
0x66: {  	_ =	shalt  }
0x67: {  	_ =	shalt  }
0x68: {  	_ =	shalt  }
0x69: {  	_ =	shalt  }
0x6a: {  	_ =	shalt  }
0x6b: {  	_ =	shalt  }
0x6c: {  	_ =	shalt  }
0x6d: {  	_ =	shalt  }
0x6e: {  	_ =	shalt  }
0x6f: {  	_ =	shalt  }
0x70: {  	_ =	shalt  }
0x71: {  	_ =	shalt  }
0x72: {  	_ =	shalt  }
0x73: {  	_ =	shalt  }
0x74: {  	_ =	shalt  }
0x75: {  	_ =	shalt  }
0x76: {  	_ =	shalt  }
0x77: {  	_ =	shalt  }
0x78: {  	_ =	shalt  }
0x79: {  	_ =	shalt  }
0x7a: {  	_ =	shalt  }
0x7b: {  	_ =	shalt  }
0x7c: {  	_ =	shalt  }
0x7d: {  	_ =	shalt  }
0x7e: {  	_ =	shalt  }
0x7f: {  	_ =	shalt  }
0x80: {  	_ =	shalt  }
0x81: {  	_ =	shalt  }
0x82: {  	_ =	shalt  }
0x83: {  	_ =	shalt  }
0x84: {  	_ =	shalt  }
0x85: {  	_ =	shalt  }
0x86: {  	_ =	shalt  }
0x87: {  	_ =	shalt  }
.Lfunc_end0:
.L_simem_size_0:
called_computation_lowered:
.L_overlay_start_0:
0x88: {  	s2 =	sld [smem:$0x3FD9]  }
0x89: {  	s3 =	sld [smem:$0x3FFE];
	_ =	sdelay $0x1  }
0x8a: {  	s1 =	srdreg.scid  }
0x8b: {  	s0 =	sand.u32 $0x1, s1  }
0x8c: {  	s17 =	sshll.u32 s0, $0xA;
	s2 =	sadd.s32 s3, s2  }
0x8d: {  	s2 =	sadd.s32 s2, s17  }
0x8e: {  	[smem:$0x3FC6] =	sst s2  }
0x8f: {  	_ = 	snop  }
0x90: {  	s2 =	sld [smem:$0x3FC8]  }
0x91: {  	s18 =	sld [smem:$0x3FD0];
	(tm) =	ssettm $0x1  }
0x92: {  	s4 =	sld [smem:$0x3FFB];
	_ =	sdelay $0x3  }
0x93: {  	_ =	strace s4  }
0x94: {  	s4 =	sld [smem:$0x3FFC];
	_ =	sdelay $0x3  }
0x95: {  	_ =	strace s4  }
0x96: {  	s4 =	sld [smem:$0x3FFD];
	_ =	sdelay $0x3  }
0x97: {  	_ =	strace s4  }
0x98: {  	_ =	strace $0x8FFFFFFF  }
0x99: {  	s19 =	sld [smem:$0x3FDB];
	_ =	sdelay $0x1  }
0x9a: {  	s5 =	simm.s32 $_scs_section_size  }
0x9b: {  	s6 =	simm.s32 $_size__tile_overlayer_lowered;
	s7 =	simm.s32 $_tile_overlayer_lowered  }
0x9c: {  	s22 =	simm.s32 $0x1BFF;
	s21 =	sshll.u32 s7, $0x1;
	s4 =	sadd.s32 s5, s19  }
0x9d: {  	s8 =	simm.s32 $0x0;
	s20 =	sshll.u32 s6, $0x1;
	s6 =	sadd.s32 s21, s4  }
0x9e: {  	[timem:s8], [sflag:s22] =	dma.local [hbm:s6], s20  }
0x9f: {  	_ =	swait.ge [sflag:s22], s20  }
0xa0: {  	s5 =	ssub.s32 $0x0, s20;
	[sflag:s22] =	ssyncset.done $0x0  }
0xa1: {  	[sflag:s22] =	ssyncadd.s32 s5;
	_ =	sdelay $0x1  }
0xa2: {  	s23 =	simm.s32 $0x1B8B  }
0xa3: {  	_ =	swait.ge [sflag:s23], $0x1  }
0xa4: {  	[sflag:s23] =	ssyncset.done $0x0  }
0xa5: {  	s25 =	simm.s32 $0x1B8E;
	s24 =	sld [smem:$0x3FFE];
	[sflag:s23] =	ssyncadd.s32 $0xFFFFFFFF  }
0xa6: {  	s26 =	simm.s32 $execute0_lowered;
	[smem:$0x3FD2] =	sst s25  }
0xa7: {  	s6 =	sshll.u32 s26, $0x1;
	_ =	strace $0x80000046;
	[dreg:$0x1] =	wrdreg $0xFFFFFFFF  }
0xa8: {  	s28 =	simm.s32 $_size_execute0_lowered;
	s4 =	sadd.s32 s4, s6;
	[dreg:$0x0] =	wrdreg $0x0  }
0xa9: {  	s6 =	sshll.u32 s28, $0x1;
	[dreg:$0x2] =	wrdreg s4  }
0xaa: {  	[dreg:$0x3] =	wrdreg s6  }
0xab: {  	[dreg:$0x4] =	wrdreg $0xC0  }
0xac: {  	_ =	task [dreg:s8], $0x5FFFF  }
0xad: {  	[dreg:$0x1] =	wrdreg $0xFFFFFFFF  }
0xae: {  	[dreg:$0x0] =	wrdreg $0x60  }
0xaf: {  	[dreg:$0x2] =	wrdreg s2  }
0xb0: {  	[dreg:$0x3] =	wrdreg s24  }
0xb1: {  	[dreg:$0x4] =	wrdreg s18  }
0xb2: {  	[dreg:$0x5] =	wrdreg $0x9  }
0xb3: {  	_ =	task.clear_ibuf [dreg:s8], $0x6FFFF;
	_ =	strace $0x90000046  }
0xb4: {  	s29 =	simm.s32 $0x9;
	_ =	strace $0x80000048  }
0xb5: {  	_ =	swait.ge [sflag:s29], $0x1  }
0xb6: {  	[sflag:s29] =	ssyncadd.s32 $0xFFFFFFFF  }
0xb7: {  	_ =	strace $0x90000048  }
0xb8: {  	_ =	sfence  }
0xb9: {  	s30 =	sld [smem:$0x0];
	_ =	sdelay $0x2  }
0xba: {  	s31 =	sshll.u32 s1, $0xD;
	s1 =	sshrl.u32 s1, $0x2  }
0xbb: {  	s3 =	sand.u32 $0x4000, s31;
	s1 =	sadd.s32 s1, s30  }
0xbc: {  	s0 =	sor.u32 s3, s0;
	s1 =	sshll.u32 s1, $0x11  }
0xbd: {  	s0 =	sor.u32 s1, s0  }
0xbe: {  	s0 =	sadd.s32 $0x8F2B, s0  }
0xbf: {  	[sflag:s0] =	ssyncadd.remote.s32 $0x1  }
0xc0: {  	_ =	sfence.sel $0xFFFF  }
0xc1: {  	[dreg:$0x0] =	wrdreg $0xFFFFFFFF;
	(pc) =	sbr.abs _section_cstart, $3  }
0xc2: {  	[dreg:$0x1] =	wrdreg $0xFFFFFFFF  }
0xc3: {  	_ =	task.clear_ibuf [dreg:s8], $0x2FFFF;
	_ =	strace $0x9FFFFFFF  }
0xc4: {  	(tm) =	ssettm $0x7FFFFFFF  }
0xc5: {  	_ =	shalt  }
tec
execute0_lowered:
.L_overlay_start_1:
0x0: {  	(tag) =	ssettag $0x1  }
0x1: {  	s1 =	rddreg [dreg:$0x0]  }
0x2: {  	s0 =	srdreg.scid;
	s6 =	rddreg [dreg:$0x1]  }
0x3: {  	s2 =	stileid.u32;
	s3 =	rddreg [dreg:$0x2]  }
0x4: {  	s5 =	simm.s32 $0x0;
	s13 =	simm.s32 $0x80;
	s14 =	simm.s32 $0x1900  }
0x5: {  	s15 =	simm.s32 $0x5900;
	s17 =	simm.s32 $0x9900;
	s19 =	simm.s32 $0xD900  }
0x6: {  	s20 =	simm.s32 $0x11900;
	s21 =	simm.s32 $0x1;
	s22 =	simm.s32 $0x2  }
0x7: {  	s23 =	simm.s32 $0x3;
	s24 =	simm.s32 $0x4;
	s25 =	simm.s32 $0x5  }
0x8: {  	s28 =	simm.s32 $0x7;
	s0 =	sand.u32 $0x1, s0;
	s2 =	sshll.u32 s2, $0x1  }
0x9: {  	s29 =	simm.s32 $0x8;
	s30 =	simm.s32 $0x9;
	s2 =	sor.u32 s0, s2  }
0xa: {  	[smem:$0x7FF] =	sst s5;
	s0 =	ssub.s32 $0x2, s0;
	s4 =	smul.u32 $0x1900, s2  }
0xb: {  	s31 =	simm.s32 $0xA;
	_ =	strace $0x80000047;
	s8 =	sshrl.u32 s0, $0x1  }
0xc: {  	s0 =	ssub.s32 s0, s8;
	s7 =	sshrl.u32 s4, $0x3;
	s8 =	sor.u32 $0x80, s4  }
0xd: {  	s0 =	smax.u32 s0, $0x1;
	s7 =	sadd.s32 s7, s6;
	s6 =	smul.u32 $0xC8000, s2  }
0xe: {  	[dreg:$0x5] =	wrdreg s0;
	s2 =	simm.s32 $0x0;
	s26 =	sadd.s32 $0x400, s7  }
0xf: {  	[dreg:$0x4] =	wrdreg s26;
	s9 =	sadd.s32 $0x8000, s6;
	s10 =	sadd.s32 $0xC000, s6  }
.LBB2_1:
0x10: {  	s0 =	rddreg [dreg:$0x4];
	s16 =	simm.s32 $0xB  }
0x11: {  	[tilespmem:s5], [sflag:$0xB] =	stream.linear.gather [hbm4b:s0+s5], $0x1900, $0x38;
	[tilespmem:$0x15900] =	vst v63  }
0x12: {  	_ =	swait.ge [sflag:s16], $0x1900  }
0x13: {  	[sflag:s16] =	ssyncset.done $0x0  }
0x14: {  	[sflag:s16] =	ssyncadd.s32 $0xFFFFE700  }
0x15: {  	[tilespmem:s14], [sflag:$0x1] =	stream.indirect.gather [hbm4b:s1+s13], $0x80, s5, s13, $0xb8;
	[tilespmem:$0x15900] =	vst v63  }
0x16: {  	_ = 	snop  }
0x17: {  	[tilespmem:s15], [sflag:$0x2] =	stream.indirect.gather [hbm4b:s1+s13], $0x80, s13, s13, $0xb8;
	[tilespmem:$0x15900] =	vst v63  }
0x18: {  	s18 =	simm.s32 $0x100  }
0x19: {  	[tilespmem:s17], [sflag:$0x3] =	stream.indirect.gather [hbm4b:s1+s13], $0x80, s18, s13, $0xb8;
	[tilespmem:$0x15900] =	vst v63  }
0x1a: {  	s26 =	simm.s32 $0x180;
	s0 =	simm.s32 $0x0  }
0x1b: {  	[tilespmem:s19], [sflag:$0x4] =	stream.indirect.gather [hbm4b:s1+s13], $0x80, s26, s13, $0xb8;
	[tilespmem:$0x15900] =	vst v63  }
.LBB2_2:
0x1c: {  	s7 =	smul.u32 $0x5, s0;
	p0 =	seq.s32 s0, $0x0  }
0x1d: {  	s11 =	simm.s32 @!p0 $0xA  }
0x1e: {  	s16 =	sadd.s32 $0x4, s7;
	_ =	swait.ge @!p0 [sflag:s11], $0x4000  }
0x1f: {  	[sflag:s11] =	ssyncset.done @!p0 $0x0;
	s7 =	sshll.u32 s16, $0x7  }
0x20: {  	[sflag:s11] =	ssyncadd.s32 @!p0 $0xFFFFC000;
	s7 =	sand.u32 $0x3FFFFF80, s7  }
0x21: {  	[tilespmem:s20], [sflag:$0x5] =	stream.indirect.gather [hbm4b:s1+s13], $0x80, s7, s13, $0xb8;
	[tilespmem:$0x15900] =	vst v63  }
0x22: {  	_ =	swait.ge [sflag:s21], $0x4000  }
0x23: {  	[sflag:s21] =	ssyncset.done $0x0  }
0x24: {  	s18 =	simm.s32 $0x0;
	[sflag:s21] =	ssyncadd.s32 $0xFFFFC000  }
0x25: {  	v0 =	vld [tilespmem:s18+$0x1900]  }
0x26: {  	v1 =	vld [tilespmem:s18+$0x1910]  }
0x27: {  	v2 =	vld [tilespmem:s18+$0x1920]  }
0x28: {  	v3 =	vld [tilespmem:s18+$0x1930]  }
0x29: {  	v4 =	vld [tilespmem:s18+$0x1940]  }
0x2a: {  	v5 =	vld [tilespmem:s18+$0x1950];
	v0 =	vmul.f32 $1.131370830e+01, v0  }
0x2b: {  	v6 =	vld [tilespmem:s18+$0x1960];
	v1 =	vmul.f32 $1.131370830e+01, v1  }
0x2c: {  	v2 =	vmul.f32 $1.131370830e+01, v2;
	[tilespmem:s18+$0x1900] =	vst v0;
	v0 =	vld [tilespmem:s18+$0x1970]  }
0x2d: {  	v3 =	vmul.f32 $1.131370830e+01, v3;
	[tilespmem:s18+$0x1910] =	vst v1;
	v1 =	vld [tilespmem:s18+$0x1980]  }
0x2e: {  	v4 =	vmul.f32 $1.131370830e+01, v4;
	[tilespmem:s18+$0x1920] =	vst v2;
	v2 =	vld [tilespmem:s18+$0x1990]  }
0x2f: {  	v5 =	vmul.f32 $1.131370830e+01, v5;
	[tilespmem:s18+$0x1930] =	vst v3;
	v3 =	vld [tilespmem:s18+$0x19A0]  }
0x30: {  	v6 =	vmul.f32 $1.131370830e+01, v6;
	[tilespmem:s18+$0x1940] =	vst v4;
	v4 =	vld [tilespmem:s18+$0x19B0]  }
0x31: {  	[tilespmem:s18+$0x1950] =	vst v5;
	v5 =	vld [tilespmem:s18+$0x19C0];
	v0 =	vmul.f32 $1.131370830e+01, v0  }
0x32: {  	[tilespmem:s18+$0x1960] =	vst v6;
	v6 =	vld [tilespmem:s18+$0x19D0];
	v1 =	vmul.f32 $1.131370830e+01, v1  }
0x33: {  	v2 =	vmul.f32 $1.131370830e+01, v2;
	[tilespmem:s18+$0x1970] =	vst v0;
	v0 =	vld [tilespmem:s18+$0x19E0]  }
0x34: {  	v3 =	vmul.f32 $1.131370830e+01, v3;
	[tilespmem:s18+$0x1980] =	vst v1;
	v1 =	vld [tilespmem:s18+$0x19F0]  }
0x35: {  	v4 =	vmul.f32 $1.131370830e+01, v4;
	[tilespmem:s18+$0x1990] =	vst v2;
	v2 =	vld [tilespmem:s18+$0x1A00]  }
0x36: {  	v5 =	vmul.f32 $1.131370830e+01, v5;
	[tilespmem:s18+$0x19A0] =	vst v3;
	v3 =	vld [tilespmem:s18+$0x1A10]  }
0x37: {  	v6 =	vmul.f32 $1.131370830e+01, v6;
	[tilespmem:s18+$0x19B0] =	vst v4;
	v4 =	vld [tilespmem:s18+$0x1A20]  }
0x38: {  	[tilespmem:s18+$0x19C0] =	vst v5;
	v5 =	vld [tilespmem:s18+$0x1A30];
	v0 =	vmul.f32 $1.131370830e+01, v0  }
0x39: {  	[tilespmem:s18+$0x19D0] =	vst v6;
	v6 =	vld [tilespmem:s18+$0x1A40]  }
0x3a: {  	v1 =	vmul.f32 $1.131370830e+01, v1;
	[tilespmem:s18+$0x19E0] =	vst v0;
	v0 =	vld [tilespmem:s18+$0x1A50]  }
0x3b: {  	v2 =	vmul.f32 $1.131370830e+01, v2  }
0x3c: {  	[tilespmem:s18+$0x19F0] =	vst v1;
	v1 =	vmul.f32 $1.131370830e+01, v3;
	v3 =	vld [tilespmem:s18+$0x1A70]  }
0x3d: {  	v7 =	vld [tilespmem:s18+$0x1A60];
	[tilespmem:s18+$0x1A00] =	vst v2;
	v2 =	vmul.f32 $1.131370830e+01, v4  }
0x3e: {  	v4 =	vld [tilespmem:s18+$0x1A80];
	[tilespmem:s18+$0x1A10] =	vst v1;
	v1 =	vmul.f32 $1.131370830e+01, v5  }
0x3f: {  	[tilespmem:s18+$0x1A20] =	vst v2;
	v5 =	vld [tilespmem:s18+$0x1A90];
	v2 =	vmul.f32 $1.131370830e+01, v6;
	v6 =	vmul.f32 $1.131370830e+01, v0  }
0x40: {  	[tilespmem:s18+$0x1A30] =	vst v1;
	v1 =	vld [tilespmem:s18+$0x1AA0]  }
0x41: {  	v0 =	vld [tilespmem:s18+$0x1AB0];
	[tilespmem:s18+$0x1A50] =	vst v6;
	v6 =	vmul.f32 $1.131370830e+01, v3  }
0x42: {  	v7 =	vmul.f32 $1.131370830e+01, v7;
	[tilespmem:s18+$0x1A40] =	vst v2;
	v2 =	vld [tilespmem:s18+$0x1AC0]  }
0x43: {  	v3 =	vld [tilespmem:s18+$0x1AD0];
	[tilespmem:s18+$0x1A70] =	vst v6;
	v6 =	vmul.f32 $1.131370830e+01, v4  }
0x44: {  	s7 =	simm.s32 $0x800;
	[tilespmem:s18+$0x1A60] =	vst v7;
	v5 =	vmul.f32 $1.131370830e+01, v5;
	v4 =	vld [tilespmem:s18+$0x1AE0]  }
.LBB2_3:
0x45: {  	s11 =	sshra.s32 s7, $0x2;
	p0 =	sne.s32 s7, $0xF800;
	[tilespmem:s18+$0x1A80] =	vst v6;
	v1 =	vmul.f32 $1.131370830e+01, v1;
	v6 =	vld [tilespmem:s18+$0x1AF0]  }
0x46: {  	v7 =	vld [tilespmem:s11+$0x1900];
	[tilespmem:s18+$0x1A90] =	vst v5;
	v0 =	vmul.f32 $1.131370830e+01, v0  }
0x47: {  	v5 =	vld [tilespmem:s11+$0x1910];
	[tilespmem:s18+$0x1AA0] =	vst v1;
	v1 =	vmul.f32 $1.131370830e+01, v2  }
0x48: {  	v2 =	vld [tilespmem:s11+$0x1920];
	[tilespmem:s18+$0x1AB0] =	vst v0;
	v0 =	vmul.f32 $1.131370830e+01, v3  }
0x49: {  	v3 =	vld [tilespmem:s11+$0x1930];
	[tilespmem:s18+$0x1AC0] =	vst v1;
	v1 =	vmul.f32 $1.131370830e+01, v4  }
0x4a: {  	v4 =	vld [tilespmem:s11+$0x1940];
	[tilespmem:s18+$0x1AD0] =	vst v0;
	v0 =	vmul.f32 $1.131370830e+01, v6  }
0x4b: {  	v6 =	vmul.f32 $1.131370830e+01, v7;
	v7 =	vld [tilespmem:s11+$0x1950];
	[tilespmem:s18+$0x1AE0] =	vst v1  }
0x4c: {  	v1 =	vmul.f32 $1.131370830e+01, v5;
	v5 =	vld [tilespmem:s11+$0x1960];
	[tilespmem:s18+$0x1AF0] =	vst v0;
	s18 =	smov.u32 s11  }
0x4d: {  	[tilespmem:s18+$0x1900] =	vst v6;
	v0 =	vmul.f32 $1.131370830e+01, v2;
	v2 =	vld [tilespmem:s18+$0x1970]  }
0x4e: {  	[tilespmem:s18+$0x1910] =	vst v1;
	v1 =	vmul.f32 $1.131370830e+01, v3;
	v3 =	vld [tilespmem:s18+$0x1980]  }
0x4f: {  	[tilespmem:s18+$0x1920] =	vst v0;
	v0 =	vmul.f32 $1.131370830e+01, v4;
	v4 =	vld [tilespmem:s18+$0x1990]  }
0x50: {  	[tilespmem:s18+$0x1930] =	vst v1;
	v1 =	vmul.f32 $1.131370830e+01, v7;
	v6 =	vld [tilespmem:s18+$0x19A0]  }
0x51: {  	[tilespmem:s18+$0x1940] =	vst v0;
	v0 =	vmul.f32 $1.131370830e+01, v5;
	v5 =	vld [tilespmem:s18+$0x19B0]  }
0x52: {  	[tilespmem:s18+$0x1950] =	vst v1;
	v1 =	vmul.f32 $1.131370830e+01, v2;
	v2 =	vld [tilespmem:s18+$0x19C0]  }
0x53: {  	[tilespmem:s18+$0x1960] =	vst v0;
	v0 =	vmul.f32 $1.131370830e+01, v3;
	v3 =	vld [tilespmem:s18+$0x19D0]  }
0x54: {  	[tilespmem:s18+$0x1970] =	vst v1;
	v1 =	vmul.f32 $1.131370830e+01, v4;
	v4 =	vld [tilespmem:s18+$0x19E0]  }
0x55: {  	[tilespmem:s18+$0x1980] =	vst v0;
	v0 =	vmul.f32 $1.131370830e+01, v6;
	v6 =	vld [tilespmem:s18+$0x19F0]  }
0x56: {  	[tilespmem:s18+$0x1990] =	vst v1;
	v1 =	vmul.f32 $1.131370830e+01, v5;
	v5 =	vld [tilespmem:s18+$0x1A00]  }
0x57: {  	[tilespmem:s18+$0x19A0] =	vst v0;
	v0 =	vmul.f32 $1.131370830e+01, v2;
	v2 =	vld [tilespmem:s18+$0x1A10]  }
0x58: {  	[tilespmem:s18+$0x19B0] =	vst v1;
	v1 =	vmul.f32 $1.131370830e+01, v3;
	v3 =	vld [tilespmem:s18+$0x1A20]  }
0x59: {  	[tilespmem:s18+$0x19C0] =	vst v0;
	v0 =	vmul.f32 $1.131370830e+01, v4;
	v4 =	vld [tilespmem:s18+$0x1A30]  }
0x5a: {  	[tilespmem:s18+$0x19D0] =	vst v1;
	v1 =	vmul.f32 $1.131370830e+01, v6;
	v6 =	vld [tilespmem:s18+$0x1A40]  }
0x5b: {  	[tilespmem:s18+$0x19E0] =	vst v0;
	v0 =	vmul.f32 $1.131370830e+01, v5;
	v5 =	vld [tilespmem:s18+$0x1A50]  }
0x5c: {  	[tilespmem:s18+$0x19F0] =	vst v1;
	v1 =	vmul.f32 $1.131370830e+01, v2;
	v2 =	vld [tilespmem:s18+$0x1A60]  }
0x5d: {  	[tilespmem:s18+$0x1A00] =	vst v0;
	v0 =	vmul.f32 $1.131370830e+01, v3;
	v3 =	vld [tilespmem:s18+$0x1A70]  }
0x5e: {  	[tilespmem:s18+$0x1A10] =	vst v1;
	v1 =	vmul.f32 $1.131370830e+01, v4;
	v4 =	vld [tilespmem:s18+$0x1A80]  }
0x5f: {  	[tilespmem:s18+$0x1A20] =	vst v0;
	v0 =	vmul.f32 $1.131370830e+01, v6;
	v7 =	vld [tilespmem:s18+$0x1A90]  }
.Ltmp0:
0x60: {  	[tilespmem:s18+$0x1A30] =	vst v1;
	v5 =	vmul.f32 $1.131370830e+01, v5;
	v1 =	vld [tilespmem:s18+$0x1AA0];
	(pc) =	sbr.rel @p0 .LBB2_3-.Ltmp0, $4  }
0x61: {  	[tilespmem:s18+$0x1A40] =	vst v0;
	v6 =	vmul.f32 $1.131370830e+01, v2;
	v0 =	vld [tilespmem:s18+$0x1AB0]  }
0x62: {  	[tilespmem:s18+$0x1A50] =	vst v5;
	v5 =	vmul.f32 $1.131370830e+01, v3;
	v2 =	vld [tilespmem:s18+$0x1AC0]  }
0x63: {  	[tilespmem:s18+$0x1A60] =	vst v6;
	v6 =	vmul.f32 $1.131370830e+01, v4;
	v3 =	vld [tilespmem:s18+$0x1AD0]  }
0x64: {  	s7 =	sadd.s32 $0x800, s7;
	[tilespmem:s18+$0x1A70] =	vst v5;
	v5 =	vmul.f32 $1.131370830e+01, v7;
	v4 =	vld [tilespmem:s18+$0x1AE0]  }
0x65: {  	[tilespmem:s18+$0x1A80] =	vst v6;
	v1 =	vmul.f32 $1.131370830e+01, v1;
	v6 =	vld [tilespmem:s18+$0x1AF0]  }
0x66: {  	[tilespmem:s18+$0x1A90] =	vst v5;
	v0 =	vmul.f32 $1.131370830e+01, v0  }
0x67: {  	[tilespmem:s18+$0x1AA0] =	vst v1;
	v1 =	vmul.f32 $1.131370830e+01, v2  }
0x68: {  	s7 =	smul.u32 $0x280, s0;
	[tilespmem:s18+$0x1AB0] =	vst v0;
	v0 =	vmul.f32 $1.131370830e+01, v3  }
0x69: {  	[tilespmem:s18+$0x1AC0] =	vst v1;
	v1 =	vmul.f32 $1.131370830e+01, v4  }
0x6a: {  	s11 =	sadd.s32 s4, s7;
	[tilespmem:s18+$0x1AD0] =	vst v0;
	v0 =	vmul.f32 $1.131370830e+01, v6  }
0x6b: {  	s11 =	sshll.u32 s11, $0x4;
	[tilespmem:s18+$0x1AE0] =	vst v1  }
0x6c: {  	p0 =	seq.s32 s0, $0x9;
	s11 =	sadd.s32 s3, s11;
	[tilespmem:s18+$0x1AF0] =	vst v0  }
0x6d: {  	[hbm4b:s11+s5] =	stream.linear.scatter [tilespmem:s14], [sflag:$0x6], $0x4000, $0x38;
	[tilespmem:$0x15900] =	vst v63  }
0x6e: {  	s12 =	smul.u32 @!p0 $0xA00, s0;
	s11 =	simm.s32 @!p0 $0x6  }
0x6f: {  	_ =	swait.ge @!p0 [sflag:s11], $0x4000  }
0x70: {  	s26 =	simm.s32 @!p0 $0x1900;
	s18 =	sshra.s32 @!p0 s12, $0x2;
	[sflag:s11] =	ssyncset.done @!p0 $0x0  }
0x71: {  	s12 =	simm.s32 @!p0 $0x80;
	[sflag:s11] =	ssyncadd.s32 @!p0 $0xFFFFC000;
	s11 =	sadd.s32 @!p0 $0x280, s18  }
0x72: {  	[tilespmem:s26], [sflag:$0x1] =	stream.indirect.gather @!p0 [hbm4b:s1+s12], $0x80, s11, s12, $0xb8;
	[tilespmem:$0x15900] =	vst v63  }
0x73: {  	_ =	swait.ge [sflag:s22], $0x4000  }
0x74: {  	[sflag:s22] =	ssyncset.done $0x0  }
0x75: {  	s11 =	simm.s32 $0x0;
	[sflag:s22] =	ssyncadd.s32 $0xFFFFC000  }
0x76: {  	v0 =	vld [tilespmem:s11+$0x5900]  }
0x77: {  	v1 =	vld [tilespmem:s11+$0x5910]  }
0x78: {  	v2 =	vld [tilespmem:s11+$0x5920]  }
0x79: {  	v3 =	vld [tilespmem:s11+$0x5930]  }
0x7a: {  	v4 =	vld [tilespmem:s11+$0x5940]  }
0x7b: {  	v5 =	vld [tilespmem:s11+$0x5950];
	v0 =	vmul.f32 $1.131370830e+01, v0  }
0x7c: {  	v6 =	vld [tilespmem:s11+$0x5960];
	v1 =	vmul.f32 $1.131370830e+01, v1  }
0x7d: {  	v2 =	vmul.f32 $1.131370830e+01, v2;
	[tilespmem:s11+$0x5900] =	vst v0;
	v0 =	vld [tilespmem:s11+$0x5970]  }
0x7e: {  	v3 =	vmul.f32 $1.131370830e+01, v3;
	[tilespmem:s11+$0x5910] =	vst v1;
	v1 =	vld [tilespmem:s11+$0x5980]  }
0x7f: {  	v4 =	vmul.f32 $1.131370830e+01, v4;
	[tilespmem:s11+$0x5920] =	vst v2;
	v2 =	vld [tilespmem:s11+$0x5990]  }
0x80: {  	v5 =	vmul.f32 $1.131370830e+01, v5;
	[tilespmem:s11+$0x5930] =	vst v3;
	v3 =	vld [tilespmem:s11+$0x59A0]  }
0x81: {  	v6 =	vmul.f32 $1.131370830e+01, v6;
	[tilespmem:s11+$0x5940] =	vst v4;
	v4 =	vld [tilespmem:s11+$0x59B0]  }
0x82: {  	[tilespmem:s11+$0x5950] =	vst v5;
	v5 =	vld [tilespmem:s11+$0x59C0];
	v0 =	vmul.f32 $1.131370830e+01, v0  }
0x83: {  	[tilespmem:s11+$0x5960] =	vst v6;
	v6 =	vld [tilespmem:s11+$0x59D0];
	v1 =	vmul.f32 $1.131370830e+01, v1  }
0x84: {  	v2 =	vmul.f32 $1.131370830e+01, v2;
	[tilespmem:s11+$0x5970] =	vst v0;
	v0 =	vld [tilespmem:s11+$0x59E0]  }
0x85: {  	v3 =	vmul.f32 $1.131370830e+01, v3;
	[tilespmem:s11+$0x5980] =	vst v1;
	v1 =	vld [tilespmem:s11+$0x59F0]  }
0x86: {  	v4 =	vmul.f32 $1.131370830e+01, v4;
	[tilespmem:s11+$0x5990] =	vst v2;
	v2 =	vld [tilespmem:s11+$0x5A00]  }
0x87: {  	v5 =	vmul.f32 $1.131370830e+01, v5;
	[tilespmem:s11+$0x59A0] =	vst v3;
	v3 =	vld [tilespmem:s11+$0x5A10]  }
0x88: {  	v6 =	vmul.f32 $1.131370830e+01, v6;
	[tilespmem:s11+$0x59B0] =	vst v4;
	v4 =	vld [tilespmem:s11+$0x5A20]  }
0x89: {  	[tilespmem:s11+$0x59C0] =	vst v5;
	v5 =	vld [tilespmem:s11+$0x5A30];
	v0 =	vmul.f32 $1.131370830e+01, v0  }
0x8a: {  	[tilespmem:s11+$0x59D0] =	vst v6;
	v6 =	vld [tilespmem:s11+$0x5A40]  }
0x8b: {  	v1 =	vmul.f32 $1.131370830e+01, v1;
	[tilespmem:s11+$0x59E0] =	vst v0;
	v0 =	vld [tilespmem:s11+$0x5A50]  }
0x8c: {  	v2 =	vmul.f32 $1.131370830e+01, v2  }
0x8d: {  	[tilespmem:s11+$0x59F0] =	vst v1;
	v1 =	vmul.f32 $1.131370830e+01, v3;
	v3 =	vld [tilespmem:s11+$0x5A70]  }
0x8e: {  	v7 =	vld [tilespmem:s11+$0x5A60];
	[tilespmem:s11+$0x5A00] =	vst v2;
	v2 =	vmul.f32 $1.131370830e+01, v4  }
0x8f: {  	v4 =	vld [tilespmem:s11+$0x5A80];
	[tilespmem:s11+$0x5A10] =	vst v1;
	v1 =	vmul.f32 $1.131370830e+01, v5  }
0x90: {  	[tilespmem:s11+$0x5A20] =	vst v2;
	v5 =	vld [tilespmem:s11+$0x5A90];
	v2 =	vmul.f32 $1.131370830e+01, v6;
	v6 =	vmul.f32 $1.131370830e+01, v0  }
0x91: {  	[tilespmem:s11+$0x5A30] =	vst v1;
	v1 =	vld [tilespmem:s11+$0x5AA0]  }
0x92: {  	v0 =	vld [tilespmem:s11+$0x5AB0];
	[tilespmem:s11+$0x5A50] =	vst v6;
	v6 =	vmul.f32 $1.131370830e+01, v3  }
0x93: {  	v7 =	vmul.f32 $1.131370830e+01, v7;
	[tilespmem:s11+$0x5A40] =	vst v2;
	v2 =	vld [tilespmem:s11+$0x5AC0]  }
0x94: {  	v3 =	vld [tilespmem:s11+$0x5AD0];
	[tilespmem:s11+$0x5A70] =	vst v6;
	v6 =	vmul.f32 $1.131370830e+01, v4  }
0x95: {  	s12 =	simm.s32 $0x800;
	[tilespmem:s11+$0x5A60] =	vst v7;
	v5 =	vmul.f32 $1.131370830e+01, v5;
	v4 =	vld [tilespmem:s11+$0x5AE0]  }
.LBB2_5:
0x96: {  	s26 =	sshra.s32 s12, $0x2;
	p1 =	sne.s32 s12, $0xF800;
	[tilespmem:s11+$0x5A80] =	vst v6;
	v1 =	vmul.f32 $1.131370830e+01, v1;
	v6 =	vld [tilespmem:s11+$0x5AF0]  }
0x97: {  	v7 =	vld [tilespmem:s26+$0x5900];
	[tilespmem:s11+$0x5A90] =	vst v5;
	v0 =	vmul.f32 $1.131370830e+01, v0  }
0x98: {  	v5 =	vld [tilespmem:s26+$0x5910];
	[tilespmem:s11+$0x5AA0] =	vst v1;
	v1 =	vmul.f32 $1.131370830e+01, v2  }
0x99: {  	v2 =	vld [tilespmem:s26+$0x5920];
	[tilespmem:s11+$0x5AB0] =	vst v0;
	v0 =	vmul.f32 $1.131370830e+01, v3  }
0x9a: {  	v3 =	vld [tilespmem:s26+$0x5930];
	[tilespmem:s11+$0x5AC0] =	vst v1;
	v1 =	vmul.f32 $1.131370830e+01, v4  }
0x9b: {  	v4 =	vld [tilespmem:s26+$0x5940];
	[tilespmem:s11+$0x5AD0] =	vst v0;
	v0 =	vmul.f32 $1.131370830e+01, v6  }
0x9c: {  	v6 =	vmul.f32 $1.131370830e+01, v7;
	v7 =	vld [tilespmem:s26+$0x5950];
	[tilespmem:s11+$0x5AE0] =	vst v1  }
0x9d: {  	v1 =	vmul.f32 $1.131370830e+01, v5;
	v5 =	vld [tilespmem:s26+$0x5960];
	[tilespmem:s11+$0x5AF0] =	vst v0;
	s11 =	smov.u32 s26  }
0x9e: {  	[tilespmem:s11+$0x5900] =	vst v6;
	v0 =	vmul.f32 $1.131370830e+01, v2;
	v2 =	vld [tilespmem:s11+$0x5970]  }
0x9f: {  	[tilespmem:s11+$0x5910] =	vst v1;
	v1 =	vmul.f32 $1.131370830e+01, v3;
	v3 =	vld [tilespmem:s11+$0x5980]  }
0xa0: {  	[tilespmem:s11+$0x5920] =	vst v0;
	v0 =	vmul.f32 $1.131370830e+01, v4;
	v4 =	vld [tilespmem:s11+$0x5990]  }
0xa1: {  	[tilespmem:s11+$0x5930] =	vst v1;
	v1 =	vmul.f32 $1.131370830e+01, v7;
	v6 =	vld [tilespmem:s11+$0x59A0]  }
0xa2: {  	[tilespmem:s11+$0x5940] =	vst v0;
	v0 =	vmul.f32 $1.131370830e+01, v5;
	v5 =	vld [tilespmem:s11+$0x59B0]  }
0xa3: {  	[tilespmem:s11+$0x5950] =	vst v1;
	v1 =	vmul.f32 $1.131370830e+01, v2;
	v2 =	vld [tilespmem:s11+$0x59C0]  }
0xa4: {  	[tilespmem:s11+$0x5960] =	vst v0;
	v0 =	vmul.f32 $1.131370830e+01, v3;
	v3 =	vld [tilespmem:s11+$0x59D0]  }
0xa5: {  	[tilespmem:s11+$0x5970] =	vst v1;
	v1 =	vmul.f32 $1.131370830e+01, v4;
	v4 =	vld [tilespmem:s11+$0x59E0]  }
0xa6: {  	[tilespmem:s11+$0x5980] =	vst v0;
	v0 =	vmul.f32 $1.131370830e+01, v6;
	v6 =	vld [tilespmem:s11+$0x59F0]  }
0xa7: {  	[tilespmem:s11+$0x5990] =	vst v1;
	v1 =	vmul.f32 $1.131370830e+01, v5;
	v5 =	vld [tilespmem:s11+$0x5A00]  }
0xa8: {  	[tilespmem:s11+$0x59A0] =	vst v0;
	v0 =	vmul.f32 $1.131370830e+01, v2;
	v2 =	vld [tilespmem:s11+$0x5A10]  }
0xa9: {  	[tilespmem:s11+$0x59B0] =	vst v1;
	v1 =	vmul.f32 $1.131370830e+01, v3;
	v3 =	vld [tilespmem:s11+$0x5A20]  }
0xaa: {  	[tilespmem:s11+$0x59C0] =	vst v0;
	v0 =	vmul.f32 $1.131370830e+01, v4;
	v4 =	vld [tilespmem:s11+$0x5A30]  }
0xab: {  	[tilespmem:s11+$0x59D0] =	vst v1;
	v1 =	vmul.f32 $1.131370830e+01, v6;
	v6 =	vld [tilespmem:s11+$0x5A40]  }
0xac: {  	[tilespmem:s11+$0x59E0] =	vst v0;
	v0 =	vmul.f32 $1.131370830e+01, v5;
	v5 =	vld [tilespmem:s11+$0x5A50]  }
0xad: {  	[tilespmem:s11+$0x59F0] =	vst v1;
	v1 =	vmul.f32 $1.131370830e+01, v2;
	v2 =	vld [tilespmem:s11+$0x5A60]  }
0xae: {  	[tilespmem:s11+$0x5A00] =	vst v0;
	v0 =	vmul.f32 $1.131370830e+01, v3;
	v3 =	vld [tilespmem:s11+$0x5A70]  }
0xaf: {  	[tilespmem:s11+$0x5A10] =	vst v1;
	v1 =	vmul.f32 $1.131370830e+01, v4;
	v4 =	vld [tilespmem:s11+$0x5A80]  }
0xb0: {  	[tilespmem:s11+$0x5A20] =	vst v0;
	v0 =	vmul.f32 $1.131370830e+01, v6;
	v7 =	vld [tilespmem:s11+$0x5A90]  }
.Ltmp1:
0xb1: {  	[tilespmem:s11+$0x5A30] =	vst v1;
	v5 =	vmul.f32 $1.131370830e+01, v5;
	v1 =	vld [tilespmem:s11+$0x5AA0];
	(pc) =	sbr.rel @p1 .LBB2_5-.Ltmp1, $4  }
0xb2: {  	[tilespmem:s11+$0x5A40] =	vst v0;
	v6 =	vmul.f32 $1.131370830e+01, v2;
	v0 =	vld [tilespmem:s11+$0x5AB0]  }
0xb3: {  	[tilespmem:s11+$0x5A50] =	vst v5;
	v5 =	vmul.f32 $1.131370830e+01, v3;
	v2 =	vld [tilespmem:s11+$0x5AC0]  }
0xb4: {  	[tilespmem:s11+$0x5A60] =	vst v6;
	v6 =	vmul.f32 $1.131370830e+01, v4;
	v3 =	vld [tilespmem:s11+$0x5AD0]  }
0xb5: {  	s12 =	sadd.s32 $0x800, s12;
	[tilespmem:s11+$0x5A70] =	vst v5;
	v5 =	vmul.f32 $1.131370830e+01, v7;
	v4 =	vld [tilespmem:s11+$0x5AE0]  }
0xb6: {  	[tilespmem:s11+$0x5A80] =	vst v6;
	v1 =	vmul.f32 $1.131370830e+01, v1;
	v6 =	vld [tilespmem:s11+$0x5AF0]  }
0xb7: {  	[tilespmem:s11+$0x5A90] =	vst v5;
	v0 =	vmul.f32 $1.131370830e+01, v0  }
0xb8: {  	[tilespmem:s11+$0x5AA0] =	vst v1;
	v1 =	vmul.f32 $1.131370830e+01, v2  }
0xb9: {  	[tilespmem:s11+$0x5AB0] =	vst v0;
	v0 =	vmul.f32 $1.131370830e+01, v3  }
0xba: {  	[tilespmem:s11+$0x5AC0] =	vst v1;
	v1 =	vmul.f32 $1.131370830e+01, v4  }
0xbb: {  	s7 =	sadd.s32 s7, s8;
	[tilespmem:s11+$0x5AD0] =	vst v0;
	v0 =	vmul.f32 $1.131370830e+01, v6  }
0xbc: {  	s7 =	sshll.u32 s7, $0x4;
	[tilespmem:s11+$0x5AE0] =	vst v1  }
0xbd: {  	s7 =	sadd.s32 s3, s7;
	[tilespmem:s11+$0x5AF0] =	vst v0  }
0xbe: {  	[hbm4b:s7+s5] =	stream.linear.scatter [tilespmem:s15], [sflag:$0x7], $0x4000, $0x38;
	[tilespmem:$0x15900] =	vst v63  }
0xbf: {  	s7 =	simm.s32 @!p0 $0x7  }
0xc0: {  	_ =	swait.ge @!p0 [sflag:s7], $0x4000  }
0xc1: {  	s12 =	simm.s32 @!p0 $0x5900;
	[sflag:s7] =	ssyncset.done @!p0 $0x0  }
0xc2: {  	s11 =	simm.s32 @!p0 $0x80;
	[sflag:s7] =	ssyncadd.s32 @!p0 $0xFFFFC000;
	s7 =	sadd.s32 @!p0 $0x300, s18  }
0xc3: {  	[tilespmem:s12], [sflag:$0x2] =	stream.indirect.gather @!p0 [hbm4b:s1+s11], $0x80, s7, s11, $0xb8;
	[tilespmem:$0x15900] =	vst v63  }
0xc4: {  	_ =	swait.ge [sflag:s23], $0x4000  }
0xc5: {  	[sflag:s23] =	ssyncset.done $0x0  }
0xc6: {  	s11 =	simm.s32 $0x0;
	[sflag:s23] =	ssyncadd.s32 $0xFFFFC000  }
0xc7: {  	v0 =	vld [tilespmem:s11+$0x9900]  }
0xc8: {  	v1 =	vld [tilespmem:s11+$0x9910]  }
0xc9: {  	v2 =	vld [tilespmem:s11+$0x9920]  }
0xca: {  	v3 =	vld [tilespmem:s11+$0x9930]  }
0xcb: {  	v4 =	vld [tilespmem:s11+$0x9940]  }
0xcc: {  	v5 =	vld [tilespmem:s11+$0x9950];
	v0 =	vmul.f32 $1.131370830e+01, v0  }
0xcd: {  	v6 =	vld [tilespmem:s11+$0x9960];
	v1 =	vmul.f32 $1.131370830e+01, v1  }
0xce: {  	v2 =	vmul.f32 $1.131370830e+01, v2;
	[tilespmem:s11+$0x9900] =	vst v0;
	v0 =	vld [tilespmem:s11+$0x9970]  }
0xcf: {  	v3 =	vmul.f32 $1.131370830e+01, v3;
	[tilespmem:s11+$0x9910] =	vst v1;
	v1 =	vld [tilespmem:s11+$0x9980]  }
0xd0: {  	v4 =	vmul.f32 $1.131370830e+01, v4;
	[tilespmem:s11+$0x9920] =	vst v2;
	v2 =	vld [tilespmem:s11+$0x9990]  }
0xd1: {  	v5 =	vmul.f32 $1.131370830e+01, v5;
	[tilespmem:s11+$0x9930] =	vst v3;
	v3 =	vld [tilespmem:s11+$0x99A0]  }
0xd2: {  	v6 =	vmul.f32 $1.131370830e+01, v6;
	[tilespmem:s11+$0x9940] =	vst v4;
	v4 =	vld [tilespmem:s11+$0x99B0]  }
0xd3: {  	[tilespmem:s11+$0x9950] =	vst v5;
	v5 =	vld [tilespmem:s11+$0x99C0];
	v0 =	vmul.f32 $1.131370830e+01, v0  }
0xd4: {  	[tilespmem:s11+$0x9960] =	vst v6;
	v6 =	vld [tilespmem:s11+$0x99D0];
	v1 =	vmul.f32 $1.131370830e+01, v1  }
0xd5: {  	v2 =	vmul.f32 $1.131370830e+01, v2;
	[tilespmem:s11+$0x9970] =	vst v0;
	v0 =	vld [tilespmem:s11+$0x99E0]  }
0xd6: {  	v3 =	vmul.f32 $1.131370830e+01, v3;
	[tilespmem:s11+$0x9980] =	vst v1;
	v1 =	vld [tilespmem:s11+$0x99F0]  }
0xd7: {  	v4 =	vmul.f32 $1.131370830e+01, v4;
	[tilespmem:s11+$0x9990] =	vst v2;
	v2 =	vld [tilespmem:s11+$0x9A00]  }
0xd8: {  	v5 =	vmul.f32 $1.131370830e+01, v5;
	[tilespmem:s11+$0x99A0] =	vst v3;
	v3 =	vld [tilespmem:s11+$0x9A10]  }
0xd9: {  	v6 =	vmul.f32 $1.131370830e+01, v6;
	[tilespmem:s11+$0x99B0] =	vst v4;
	v4 =	vld [tilespmem:s11+$0x9A20]  }
0xda: {  	[tilespmem:s11+$0x99C0] =	vst v5;
	v5 =	vld [tilespmem:s11+$0x9A30];
	v0 =	vmul.f32 $1.131370830e+01, v0  }
0xdb: {  	[tilespmem:s11+$0x99D0] =	vst v6;
	v6 =	vld [tilespmem:s11+$0x9A40]  }
0xdc: {  	v1 =	vmul.f32 $1.131370830e+01, v1;
	[tilespmem:s11+$0x99E0] =	vst v0;
	v0 =	vld [tilespmem:s11+$0x9A50]  }
0xdd: {  	v2 =	vmul.f32 $1.131370830e+01, v2  }
0xde: {  	[tilespmem:s11+$0x99F0] =	vst v1;
	v1 =	vmul.f32 $1.131370830e+01, v3;
	v3 =	vld [tilespmem:s11+$0x9A70]  }
0xdf: {  	v7 =	vld [tilespmem:s11+$0x9A60];
	[tilespmem:s11+$0x9A00] =	vst v2;
	v2 =	vmul.f32 $1.131370830e+01, v4  }
0xe0: {  	v4 =	vld [tilespmem:s11+$0x9A80];
	[tilespmem:s11+$0x9A10] =	vst v1;
	v1 =	vmul.f32 $1.131370830e+01, v5  }
0xe1: {  	[tilespmem:s11+$0x9A20] =	vst v2;
	v5 =	vld [tilespmem:s11+$0x9A90];
	v2 =	vmul.f32 $1.131370830e+01, v6;
	v6 =	vmul.f32 $1.131370830e+01, v0  }
0xe2: {  	[tilespmem:s11+$0x9A30] =	vst v1;
	v1 =	vld [tilespmem:s11+$0x9AA0]  }
0xe3: {  	v0 =	vld [tilespmem:s11+$0x9AB0];
	[tilespmem:s11+$0x9A50] =	vst v6;
	v6 =	vmul.f32 $1.131370830e+01, v3  }
0xe4: {  	v7 =	vmul.f32 $1.131370830e+01, v7;
	[tilespmem:s11+$0x9A40] =	vst v2;
	v2 =	vld [tilespmem:s11+$0x9AC0]  }
0xe5: {  	v3 =	vld [tilespmem:s11+$0x9AD0];
	[tilespmem:s11+$0x9A70] =	vst v6;
	v6 =	vmul.f32 $1.131370830e+01, v4  }
0xe6: {  	s7 =	simm.s32 $0x800;
	[tilespmem:s11+$0x9A60] =	vst v7;
	v5 =	vmul.f32 $1.131370830e+01, v5;
	v4 =	vld [tilespmem:s11+$0x9AE0]  }
.LBB2_7:
0xe7: {  	s12 =	sshra.s32 s7, $0x2;
	p1 =	sne.s32 s7, $0xF800;
	[tilespmem:s11+$0x9A80] =	vst v6;
	v1 =	vmul.f32 $1.131370830e+01, v1;
	v6 =	vld [tilespmem:s11+$0x9AF0]  }
0xe8: {  	v7 =	vld [tilespmem:s12+$0x9900];
	[tilespmem:s11+$0x9A90] =	vst v5;
	v0 =	vmul.f32 $1.131370830e+01, v0  }
0xe9: {  	v5 =	vld [tilespmem:s12+$0x9910];
	[tilespmem:s11+$0x9AA0] =	vst v1;
	v1 =	vmul.f32 $1.131370830e+01, v2  }
0xea: {  	v2 =	vld [tilespmem:s12+$0x9920];
	[tilespmem:s11+$0x9AB0] =	vst v0;
	v0 =	vmul.f32 $1.131370830e+01, v3  }
0xeb: {  	v3 =	vld [tilespmem:s12+$0x9930];
	[tilespmem:s11+$0x9AC0] =	vst v1;
	v1 =	vmul.f32 $1.131370830e+01, v4  }
0xec: {  	v4 =	vld [tilespmem:s12+$0x9940];
	[tilespmem:s11+$0x9AD0] =	vst v0;
	v0 =	vmul.f32 $1.131370830e+01, v6  }
0xed: {  	v6 =	vmul.f32 $1.131370830e+01, v7;
	v7 =	vld [tilespmem:s12+$0x9950];
	[tilespmem:s11+$0x9AE0] =	vst v1  }
0xee: {  	v1 =	vmul.f32 $1.131370830e+01, v5;
	v5 =	vld [tilespmem:s12+$0x9960];
	[tilespmem:s11+$0x9AF0] =	vst v0;
	s11 =	smov.u32 s12  }
0xef: {  	[tilespmem:s11+$0x9900] =	vst v6;
	v0 =	vmul.f32 $1.131370830e+01, v2;
	v2 =	vld [tilespmem:s11+$0x9970]  }
0xf0: {  	[tilespmem:s11+$0x9910] =	vst v1;
	v1 =	vmul.f32 $1.131370830e+01, v3;
	v3 =	vld [tilespmem:s11+$0x9980]  }
0xf1: {  	[tilespmem:s11+$0x9920] =	vst v0;
	v0 =	vmul.f32 $1.131370830e+01, v4;
	v4 =	vld [tilespmem:s11+$0x9990]  }
0xf2: {  	[tilespmem:s11+$0x9930] =	vst v1;
	v1 =	vmul.f32 $1.131370830e+01, v7;
	v6 =	vld [tilespmem:s11+$0x99A0]  }
0xf3: {  	[tilespmem:s11+$0x9940] =	vst v0;
	v0 =	vmul.f32 $1.131370830e+01, v5;
	v5 =	vld [tilespmem:s11+$0x99B0]  }
0xf4: {  	[tilespmem:s11+$0x9950] =	vst v1;
	v1 =	vmul.f32 $1.131370830e+01, v2;
	v2 =	vld [tilespmem:s11+$0x99C0]  }
0xf5: {  	[tilespmem:s11+$0x9960] =	vst v0;
	v0 =	vmul.f32 $1.131370830e+01, v3;
	v3 =	vld [tilespmem:s11+$0x99D0]  }
0xf6: {  	[tilespmem:s11+$0x9970] =	vst v1;
	v1 =	vmul.f32 $1.131370830e+01, v4;
	v4 =	vld [tilespmem:s11+$0x99E0]  }
0xf7: {  	[tilespmem:s11+$0x9980] =	vst v0;
	v0 =	vmul.f32 $1.131370830e+01, v6;
	v6 =	vld [tilespmem:s11+$0x99F0]  }
0xf8: {  	[tilespmem:s11+$0x9990] =	vst v1;
	v1 =	vmul.f32 $1.131370830e+01, v5;
	v5 =	vld [tilespmem:s11+$0x9A00]  }
0xf9: {  	[tilespmem:s11+$0x99A0] =	vst v0;
	v0 =	vmul.f32 $1.131370830e+01, v2;
	v2 =	vld [tilespmem:s11+$0x9A10]  }
0xfa: {  	[tilespmem:s11+$0x99B0] =	vst v1;
	v1 =	vmul.f32 $1.131370830e+01, v3;
	v3 =	vld [tilespmem:s11+$0x9A20]  }
0xfb: {  	[tilespmem:s11+$0x99C0] =	vst v0;
	v0 =	vmul.f32 $1.131370830e+01, v4;
	v4 =	vld [tilespmem:s11+$0x9A30]  }
0xfc: {  	[tilespmem:s11+$0x99D0] =	vst v1;
	v1 =	vmul.f32 $1.131370830e+01, v6;
	v6 =	vld [tilespmem:s11+$0x9A40]  }
0xfd: {  	[tilespmem:s11+$0x99E0] =	vst v0;
	v0 =	vmul.f32 $1.131370830e+01, v5;
	v5 =	vld [tilespmem:s11+$0x9A50]  }
0xfe: {  	[tilespmem:s11+$0x99F0] =	vst v1;
	v1 =	vmul.f32 $1.131370830e+01, v2;
	v2 =	vld [tilespmem:s11+$0x9A60]  }
0xff: {  	[tilespmem:s11+$0x9A00] =	vst v0;
	v0 =	vmul.f32 $1.131370830e+01, v3;
	v3 =	vld [tilespmem:s11+$0x9A70]  }
0x100: {  	[tilespmem:s11+$0x9A10] =	vst v1;
	v1 =	vmul.f32 $1.131370830e+01, v4;
	v4 =	vld [tilespmem:s11+$0x9A80]  }
0x101: {  	[tilespmem:s11+$0x9A20] =	vst v0;
	v0 =	vmul.f32 $1.131370830e+01, v6;
	v7 =	vld [tilespmem:s11+$0x9A90]  }
.Ltmp2:
0x102: {  	[tilespmem:s11+$0x9A30] =	vst v1;
	v5 =	vmul.f32 $1.131370830e+01, v5;
	v1 =	vld [tilespmem:s11+$0x9AA0];
	(pc) =	sbr.rel @p1 .LBB2_7-.Ltmp2, $4  }
0x103: {  	[tilespmem:s11+$0x9A40] =	vst v0;
	v6 =	vmul.f32 $1.131370830e+01, v2;
	v0 =	vld [tilespmem:s11+$0x9AB0]  }
0x104: {  	[tilespmem:s11+$0x9A50] =	vst v5;
	v5 =	vmul.f32 $1.131370830e+01, v3;
	v2 =	vld [tilespmem:s11+$0x9AC0]  }
0x105: {  	[tilespmem:s11+$0x9A60] =	vst v6;
	v6 =	vmul.f32 $1.131370830e+01, v4;
	v3 =	vld [tilespmem:s11+$0x9AD0]  }
0x106: {  	s7 =	sadd.s32 $0x800, s7;
	[tilespmem:s11+$0x9A70] =	vst v5;
	v5 =	vmul.f32 $1.131370830e+01, v7;
	v4 =	vld [tilespmem:s11+$0x9AE0]  }
0x107: {  	[tilespmem:s11+$0x9A80] =	vst v6;
	v1 =	vmul.f32 $1.131370830e+01, v1;
	v6 =	vld [tilespmem:s11+$0x9AF0]  }
0x108: {  	[tilespmem:s11+$0x9A90] =	vst v5;
	v0 =	vmul.f32 $1.131370830e+01, v0  }
0x109: {  	[tilespmem:s11+$0x9AA0] =	vst v1;
	v1 =	vmul.f32 $1.131370830e+01, v2  }
0x10a: {  	s7 =	smul.u32 $0x14000, s0;
	[tilespmem:s11+$0x9AB0] =	vst v0;
	v0 =	vmul.f32 $1.131370830e+01, v3  }
0x10b: {  	[tilespmem:s11+$0x9AC0] =	vst v1;
	v1 =	vmul.f32 $1.131370830e+01, v4  }
0x10c: {  	s12 =	sadd.s32 s9, s7;
	[tilespmem:s11+$0x9AD0] =	vst v0;
	v0 =	vmul.f32 $1.131370830e+01, v6  }
0x10d: {  	s12 =	sshrl.u32 s12, $0x3;
	[tilespmem:s11+$0x9AE0] =	vst v1  }
0x10e: {  	s26 =	sadd.s32 s3, s12;
	[tilespmem:s11+$0x9AF0] =	vst v0;
	s11 =	simm.s32 @!p0 $0x8  }
0x10f: {  	[hbm4b:s26+s5] =	stream.linear.scatter [tilespmem:s17], [sflag:$0x8], $0x4000, $0x38;
	[tilespmem:$0x15900] =	vst v63  }
0x110: {  	_ =	swait.ge @!p0 [sflag:s11], $0x4000  }
0x111: {  	s12 =	simm.s32 @!p0 $0x80;
	[sflag:s11] =	ssyncset.done @!p0 $0x0  }
0x112: {  	s26 =	simm.s32 @!p0 $0x9900;
	[sflag:s11] =	ssyncadd.s32 @!p0 $0xFFFFC000;
	s11 =	sadd.s32 @!p0 $0x380, s18  }
0x113: {  	[tilespmem:s26], [sflag:$0x3] =	stream.indirect.gather @!p0 [hbm4b:s1+s12], $0x80, s11, s12, $0xb8;
	[tilespmem:$0x15900] =	vst v63  }
0x114: {  	_ =	swait.ge [sflag:s24], $0x4000  }
0x115: {  	[sflag:s24] =	ssyncset.done $0x0  }
0x116: {  	s11 =	simm.s32 $0x0;
	[sflag:s24] =	ssyncadd.s32 $0xFFFFC000  }
0x117: {  	v0 =	vld [tilespmem:s11+$0xD900]  }
0x118: {  	v1 =	vld [tilespmem:s11+$0xD910]  }
0x119: {  	v2 =	vld [tilespmem:s11+$0xD920]  }
0x11a: {  	v3 =	vld [tilespmem:s11+$0xD930]  }
0x11b: {  	v4 =	vld [tilespmem:s11+$0xD940]  }
0x11c: {  	v5 =	vld [tilespmem:s11+$0xD950];
	v0 =	vmul.f32 $1.131370830e+01, v0  }
0x11d: {  	v6 =	vld [tilespmem:s11+$0xD960];
	v1 =	vmul.f32 $1.131370830e+01, v1  }
0x11e: {  	v2 =	vmul.f32 $1.131370830e+01, v2;
	[tilespmem:s11+$0xD900] =	vst v0;
	v0 =	vld [tilespmem:s11+$0xD970]  }
0x11f: {  	v3 =	vmul.f32 $1.131370830e+01, v3;
	[tilespmem:s11+$0xD910] =	vst v1;
	v1 =	vld [tilespmem:s11+$0xD980]  }
0x120: {  	v4 =	vmul.f32 $1.131370830e+01, v4;
	[tilespmem:s11+$0xD920] =	vst v2;
	v2 =	vld [tilespmem:s11+$0xD990]  }
0x121: {  	v5 =	vmul.f32 $1.131370830e+01, v5;
	[tilespmem:s11+$0xD930] =	vst v3;
	v3 =	vld [tilespmem:s11+$0xD9A0]  }
0x122: {  	v6 =	vmul.f32 $1.131370830e+01, v6;
	[tilespmem:s11+$0xD940] =	vst v4;
	v4 =	vld [tilespmem:s11+$0xD9B0]  }
0x123: {  	[tilespmem:s11+$0xD950] =	vst v5;
	v5 =	vld [tilespmem:s11+$0xD9C0];
	v0 =	vmul.f32 $1.131370830e+01, v0  }
0x124: {  	[tilespmem:s11+$0xD960] =	vst v6;
	v6 =	vld [tilespmem:s11+$0xD9D0];
	v1 =	vmul.f32 $1.131370830e+01, v1  }
0x125: {  	v2 =	vmul.f32 $1.131370830e+01, v2;
	[tilespmem:s11+$0xD970] =	vst v0;
	v0 =	vld [tilespmem:s11+$0xD9E0]  }
0x126: {  	v3 =	vmul.f32 $1.131370830e+01, v3;
	[tilespmem:s11+$0xD980] =	vst v1;
	v1 =	vld [tilespmem:s11+$0xD9F0]  }
0x127: {  	v4 =	vmul.f32 $1.131370830e+01, v4;
	[tilespmem:s11+$0xD990] =	vst v2;
	v2 =	vld [tilespmem:s11+$0xDA00]  }
0x128: {  	v5 =	vmul.f32 $1.131370830e+01, v5;
	[tilespmem:s11+$0xD9A0] =	vst v3;
	v3 =	vld [tilespmem:s11+$0xDA10]  }
0x129: {  	v6 =	vmul.f32 $1.131370830e+01, v6;
	[tilespmem:s11+$0xD9B0] =	vst v4;
	v4 =	vld [tilespmem:s11+$0xDA20]  }
0x12a: {  	[tilespmem:s11+$0xD9C0] =	vst v5;
	v5 =	vld [tilespmem:s11+$0xDA30];
	v0 =	vmul.f32 $1.131370830e+01, v0  }
0x12b: {  	[tilespmem:s11+$0xD9D0] =	vst v6;
	v6 =	vld [tilespmem:s11+$0xDA40]  }
0x12c: {  	v1 =	vmul.f32 $1.131370830e+01, v1;
	[tilespmem:s11+$0xD9E0] =	vst v0;
	v0 =	vld [tilespmem:s11+$0xDA50]  }
0x12d: {  	v2 =	vmul.f32 $1.131370830e+01, v2  }
0x12e: {  	[tilespmem:s11+$0xD9F0] =	vst v1;
	v1 =	vmul.f32 $1.131370830e+01, v3;
	v3 =	vld [tilespmem:s11+$0xDA70]  }
0x12f: {  	v7 =	vld [tilespmem:s11+$0xDA60];
	[tilespmem:s11+$0xDA00] =	vst v2;
	v2 =	vmul.f32 $1.131370830e+01, v4  }
0x130: {  	v4 =	vld [tilespmem:s11+$0xDA80];
	[tilespmem:s11+$0xDA10] =	vst v1;
	v1 =	vmul.f32 $1.131370830e+01, v5  }
0x131: {  	[tilespmem:s11+$0xDA20] =	vst v2;
	v5 =	vld [tilespmem:s11+$0xDA90];
	v2 =	vmul.f32 $1.131370830e+01, v6;
	v6 =	vmul.f32 $1.131370830e+01, v0  }
0x132: {  	[tilespmem:s11+$0xDA30] =	vst v1;
	v1 =	vld [tilespmem:s11+$0xDAA0]  }
0x133: {  	v0 =	vld [tilespmem:s11+$0xDAB0];
	[tilespmem:s11+$0xDA50] =	vst v6;
	v6 =	vmul.f32 $1.131370830e+01, v3  }
0x134: {  	v7 =	vmul.f32 $1.131370830e+01, v7;
	[tilespmem:s11+$0xDA40] =	vst v2;
	v2 =	vld [tilespmem:s11+$0xDAC0]  }
0x135: {  	v3 =	vld [tilespmem:s11+$0xDAD0];
	[tilespmem:s11+$0xDA70] =	vst v6;
	v6 =	vmul.f32 $1.131370830e+01, v4  }
0x136: {  	s12 =	simm.s32 $0x800;
	[tilespmem:s11+$0xDA60] =	vst v7;
	v5 =	vmul.f32 $1.131370830e+01, v5;
	v4 =	vld [tilespmem:s11+$0xDAE0]  }
.LBB2_9:
0x137: {  	s26 =	sshra.s32 s12, $0x2;
	p1 =	sne.s32 s12, $0xF800;
	[tilespmem:s11+$0xDA80] =	vst v6;
	v1 =	vmul.f32 $1.131370830e+01, v1;
	v6 =	vld [tilespmem:s11+$0xDAF0]  }
0x138: {  	v7 =	vld [tilespmem:s26+$0xD900];
	[tilespmem:s11+$0xDA90] =	vst v5;
	v0 =	vmul.f32 $1.131370830e+01, v0  }
0x139: {  	v5 =	vld [tilespmem:s26+$0xD910];
	[tilespmem:s11+$0xDAA0] =	vst v1;
	v1 =	vmul.f32 $1.131370830e+01, v2  }
0x13a: {  	v2 =	vld [tilespmem:s26+$0xD920];
	[tilespmem:s11+$0xDAB0] =	vst v0;
	v0 =	vmul.f32 $1.131370830e+01, v3  }
0x13b: {  	v3 =	vld [tilespmem:s26+$0xD930];
	[tilespmem:s11+$0xDAC0] =	vst v1;
	v1 =	vmul.f32 $1.131370830e+01, v4  }
0x13c: {  	v4 =	vld [tilespmem:s26+$0xD940];
	[tilespmem:s11+$0xDAD0] =	vst v0;
	v0 =	vmul.f32 $1.131370830e+01, v6  }
0x13d: {  	v6 =	vmul.f32 $1.131370830e+01, v7;
	v7 =	vld [tilespmem:s26+$0xD950];
	[tilespmem:s11+$0xDAE0] =	vst v1  }
0x13e: {  	v1 =	vmul.f32 $1.131370830e+01, v5;
	v5 =	vld [tilespmem:s26+$0xD960];
	[tilespmem:s11+$0xDAF0] =	vst v0;
	s11 =	smov.u32 s26  }
0x13f: {  	[tilespmem:s11+$0xD900] =	vst v6;
	v0 =	vmul.f32 $1.131370830e+01, v2;
	v2 =	vld [tilespmem:s11+$0xD970]  }
0x140: {  	[tilespmem:s11+$0xD910] =	vst v1;
	v1 =	vmul.f32 $1.131370830e+01, v3;
	v3 =	vld [tilespmem:s11+$0xD980]  }
0x141: {  	[tilespmem:s11+$0xD920] =	vst v0;
	v0 =	vmul.f32 $1.131370830e+01, v4;
	v4 =	vld [tilespmem:s11+$0xD990]  }
0x142: {  	[tilespmem:s11+$0xD930] =	vst v1;
	v1 =	vmul.f32 $1.131370830e+01, v7;
	v6 =	vld [tilespmem:s11+$0xD9A0]  }
0x143: {  	[tilespmem:s11+$0xD940] =	vst v0;
	v0 =	vmul.f32 $1.131370830e+01, v5;
	v5 =	vld [tilespmem:s11+$0xD9B0]  }
0x144: {  	[tilespmem:s11+$0xD950] =	vst v1;
	v1 =	vmul.f32 $1.131370830e+01, v2;
	v2 =	vld [tilespmem:s11+$0xD9C0]  }
0x145: {  	[tilespmem:s11+$0xD960] =	vst v0;
	v0 =	vmul.f32 $1.131370830e+01, v3;
	v3 =	vld [tilespmem:s11+$0xD9D0]  }
0x146: {  	[tilespmem:s11+$0xD970] =	vst v1;
	v1 =	vmul.f32 $1.131370830e+01, v4;
	v4 =	vld [tilespmem:s11+$0xD9E0]  }
0x147: {  	[tilespmem:s11+$0xD980] =	vst v0;
	v0 =	vmul.f32 $1.131370830e+01, v6;
	v6 =	vld [tilespmem:s11+$0xD9F0]  }
0x148: {  	[tilespmem:s11+$0xD990] =	vst v1;
	v1 =	vmul.f32 $1.131370830e+01, v5;
	v5 =	vld [tilespmem:s11+$0xDA00]  }
0x149: {  	[tilespmem:s11+$0xD9A0] =	vst v0;
	v0 =	vmul.f32 $1.131370830e+01, v2;
	v2 =	vld [tilespmem:s11+$0xDA10]  }
0x14a: {  	[tilespmem:s11+$0xD9B0] =	vst v1;
	v1 =	vmul.f32 $1.131370830e+01, v3;
	v3 =	vld [tilespmem:s11+$0xDA20]  }
0x14b: {  	[tilespmem:s11+$0xD9C0] =	vst v0;
	v0 =	vmul.f32 $1.131370830e+01, v4;
	v4 =	vld [tilespmem:s11+$0xDA30]  }
0x14c: {  	[tilespmem:s11+$0xD9D0] =	vst v1;
	v1 =	vmul.f32 $1.131370830e+01, v6;
	v6 =	vld [tilespmem:s11+$0xDA40]  }
0x14d: {  	[tilespmem:s11+$0xD9E0] =	vst v0;
	v0 =	vmul.f32 $1.131370830e+01, v5;
	v5 =	vld [tilespmem:s11+$0xDA50]  }
0x14e: {  	[tilespmem:s11+$0xD9F0] =	vst v1;
	v1 =	vmul.f32 $1.131370830e+01, v2;
	v2 =	vld [tilespmem:s11+$0xDA60]  }
0x14f: {  	[tilespmem:s11+$0xDA00] =	vst v0;
	v0 =	vmul.f32 $1.131370830e+01, v3;
	v3 =	vld [tilespmem:s11+$0xDA70]  }
0x150: {  	[tilespmem:s11+$0xDA10] =	vst v1;
	v1 =	vmul.f32 $1.131370830e+01, v4;
	v4 =	vld [tilespmem:s11+$0xDA80]  }
0x151: {  	[tilespmem:s11+$0xDA20] =	vst v0;
	v0 =	vmul.f32 $1.131370830e+01, v6;
	v7 =	vld [tilespmem:s11+$0xDA90]  }
.Ltmp3:
0x152: {  	[tilespmem:s11+$0xDA30] =	vst v1;
	v5 =	vmul.f32 $1.131370830e+01, v5;
	v1 =	vld [tilespmem:s11+$0xDAA0];
	(pc) =	sbr.rel @p1 .LBB2_9-.Ltmp3, $4  }
0x153: {  	[tilespmem:s11+$0xDA40] =	vst v0;
	v6 =	vmul.f32 $1.131370830e+01, v2;
	v0 =	vld [tilespmem:s11+$0xDAB0]  }
0x154: {  	[tilespmem:s11+$0xDA50] =	vst v5;
	v5 =	vmul.f32 $1.131370830e+01, v3;
	v2 =	vld [tilespmem:s11+$0xDAC0]  }
0x155: {  	[tilespmem:s11+$0xDA60] =	vst v6;
	v6 =	vmul.f32 $1.131370830e+01, v4;
	v3 =	vld [tilespmem:s11+$0xDAD0]  }
0x156: {  	s12 =	sadd.s32 $0x800, s12;
	[tilespmem:s11+$0xDA70] =	vst v5;
	v5 =	vmul.f32 $1.131370830e+01, v7;
	v4 =	vld [tilespmem:s11+$0xDAE0]  }
0x157: {  	[tilespmem:s11+$0xDA80] =	vst v6;
	v1 =	vmul.f32 $1.131370830e+01, v1;
	v6 =	vld [tilespmem:s11+$0xDAF0]  }
0x158: {  	[tilespmem:s11+$0xDA90] =	vst v5;
	v0 =	vmul.f32 $1.131370830e+01, v0  }
0x159: {  	[tilespmem:s11+$0xDAA0] =	vst v1;
	v1 =	vmul.f32 $1.131370830e+01, v2  }
0x15a: {  	[tilespmem:s11+$0xDAB0] =	vst v0;
	v0 =	vmul.f32 $1.131370830e+01, v3  }
0x15b: {  	[tilespmem:s11+$0xDAC0] =	vst v1;
	v1 =	vmul.f32 $1.131370830e+01, v4  }
0x15c: {  	s7 =	sadd.s32 s10, s7;
	[tilespmem:s11+$0xDAD0] =	vst v0;
	v0 =	vmul.f32 $1.131370830e+01, v6  }
0x15d: {  	s7 =	sshrl.u32 s7, $0x3;
	[tilespmem:s11+$0xDAE0] =	vst v1  }
0x15e: {  	s7 =	sadd.s32 s3, s7;
	[tilespmem:s11+$0xDAF0] =	vst v0  }
0x15f: {  	[hbm4b:s7+s5] =	stream.linear.scatter [tilespmem:s19], [sflag:$0x9], $0x4000, $0x38;
	[tilespmem:$0x15900] =	vst v63  }
0x160: {  	s7 =	simm.s32 @!p0 $0x9  }
0x161: {  	_ =	swait.ge @!p0 [sflag:s7], $0x4000  }
0x162: {  	s12 =	simm.s32 @!p0 $0xD900;
	[sflag:s7] =	ssyncset.done @!p0 $0x0  }
0x163: {  	s11 =	simm.s32 @!p0 $0x80;
	[sflag:s7] =	ssyncadd.s32 @!p0 $0xFFFFC000;
	s7 =	sadd.s32 @!p0 $0x400, s18  }
0x164: {  	[tilespmem:s12], [sflag:$0x4] =	stream.indirect.gather @!p0 [hbm4b:s1+s11], $0x80, s7, s11, $0xb8;
	[tilespmem:$0x15900] =	vst v63  }
0x165: {  	_ =	swait.ge [sflag:s25], $0x4000  }
0x166: {  	[sflag:s25] =	ssyncset.done $0x0  }
0x167: {  	s7 =	simm.s32 $0x0;
	[sflag:s25] =	ssyncadd.s32 $0xFFFFC000  }
0x168: {  	v0 =	vld [tilespmem:s7+$0x11900]  }
0x169: {  	v1 =	vld [tilespmem:s7+$0x11910]  }
0x16a: {  	v2 =	vld [tilespmem:s7+$0x11920]  }
0x16b: {  	v3 =	vld [tilespmem:s7+$0x11930]  }
0x16c: {  	v4 =	vld [tilespmem:s7+$0x11940]  }
0x16d: {  	v5 =	vld [tilespmem:s7+$0x11950];
	v0 =	vmul.f32 $1.131370830e+01, v0  }
0x16e: {  	v6 =	vld [tilespmem:s7+$0x11960];
	v1 =	vmul.f32 $1.131370830e+01, v1  }
0x16f: {  	v2 =	vmul.f32 $1.131370830e+01, v2;
	[tilespmem:s7+$0x11900] =	vst v0;
	v0 =	vld [tilespmem:s7+$0x11970]  }
0x170: {  	v3 =	vmul.f32 $1.131370830e+01, v3;
	[tilespmem:s7+$0x11910] =	vst v1;
	v1 =	vld [tilespmem:s7+$0x11980]  }
0x171: {  	v4 =	vmul.f32 $1.131370830e+01, v4;
	[tilespmem:s7+$0x11920] =	vst v2;
	v2 =	vld [tilespmem:s7+$0x11990]  }
0x172: {  	v5 =	vmul.f32 $1.131370830e+01, v5;
	[tilespmem:s7+$0x11930] =	vst v3;
	v3 =	vld [tilespmem:s7+$0x119A0]  }
0x173: {  	v6 =	vmul.f32 $1.131370830e+01, v6;
	[tilespmem:s7+$0x11940] =	vst v4;
	v4 =	vld [tilespmem:s7+$0x119B0]  }
0x174: {  	[tilespmem:s7+$0x11950] =	vst v5;
	v5 =	vld [tilespmem:s7+$0x119C0];
	v0 =	vmul.f32 $1.131370830e+01, v0  }
0x175: {  	[tilespmem:s7+$0x11960] =	vst v6;
	v6 =	vld [tilespmem:s7+$0x119D0];
	v1 =	vmul.f32 $1.131370830e+01, v1  }
0x176: {  	v2 =	vmul.f32 $1.131370830e+01, v2;
	[tilespmem:s7+$0x11970] =	vst v0;
	v0 =	vld [tilespmem:s7+$0x119E0]  }
0x177: {  	v3 =	vmul.f32 $1.131370830e+01, v3;
	[tilespmem:s7+$0x11980] =	vst v1;
	v1 =	vld [tilespmem:s7+$0x119F0]  }
0x178: {  	v4 =	vmul.f32 $1.131370830e+01, v4;
	[tilespmem:s7+$0x11990] =	vst v2;
	v2 =	vld [tilespmem:s7+$0x11A00]  }
0x179: {  	v5 =	vmul.f32 $1.131370830e+01, v5;
	[tilespmem:s7+$0x119A0] =	vst v3;
	v3 =	vld [tilespmem:s7+$0x11A10]  }
0x17a: {  	v6 =	vmul.f32 $1.131370830e+01, v6;
	[tilespmem:s7+$0x119B0] =	vst v4;
	v4 =	vld [tilespmem:s7+$0x11A20]  }
0x17b: {  	[tilespmem:s7+$0x119C0] =	vst v5;
	v5 =	vld [tilespmem:s7+$0x11A30];
	v0 =	vmul.f32 $1.131370830e+01, v0  }
0x17c: {  	[tilespmem:s7+$0x119D0] =	vst v6;
	v6 =	vld [tilespmem:s7+$0x11A40]  }
0x17d: {  	v1 =	vmul.f32 $1.131370830e+01, v1;
	[tilespmem:s7+$0x119E0] =	vst v0;
	v0 =	vld [tilespmem:s7+$0x11A50]  }
0x17e: {  	v2 =	vmul.f32 $1.131370830e+01, v2  }
0x17f: {  	[tilespmem:s7+$0x119F0] =	vst v1;
	v1 =	vmul.f32 $1.131370830e+01, v3;
	v3 =	vld [tilespmem:s7+$0x11A70]  }
0x180: {  	v7 =	vld [tilespmem:s7+$0x11A60];
	[tilespmem:s7+$0x11A00] =	vst v2;
	v2 =	vmul.f32 $1.131370830e+01, v4  }
0x181: {  	v4 =	vld [tilespmem:s7+$0x11A80];
	[tilespmem:s7+$0x11A10] =	vst v1;
	v1 =	vmul.f32 $1.131370830e+01, v5  }
0x182: {  	[tilespmem:s7+$0x11A20] =	vst v2;
	v5 =	vld [tilespmem:s7+$0x11A90];
	v2 =	vmul.f32 $1.131370830e+01, v6;
	v6 =	vmul.f32 $1.131370830e+01, v0  }
0x183: {  	[tilespmem:s7+$0x11A30] =	vst v1;
	v1 =	vld [tilespmem:s7+$0x11AA0]  }
0x184: {  	v0 =	vld [tilespmem:s7+$0x11AB0];
	[tilespmem:s7+$0x11A50] =	vst v6;
	v6 =	vmul.f32 $1.131370830e+01, v3  }
0x185: {  	v7 =	vmul.f32 $1.131370830e+01, v7;
	[tilespmem:s7+$0x11A40] =	vst v2;
	v2 =	vld [tilespmem:s7+$0x11AC0]  }
0x186: {  	v3 =	vld [tilespmem:s7+$0x11AD0];
	[tilespmem:s7+$0x11A70] =	vst v6;
	v6 =	vmul.f32 $1.131370830e+01, v4  }
0x187: {  	s11 =	simm.s32 $0x800;
	[tilespmem:s7+$0x11A60] =	vst v7;
	v5 =	vmul.f32 $1.131370830e+01, v5;
	v4 =	vld [tilespmem:s7+$0x11AE0]  }
.LBB2_11:
0x188: {  	s12 =	sshra.s32 s11, $0x2;
	p0 =	sne.s32 s11, $0xF800;
	[tilespmem:s7+$0x11A80] =	vst v6;
	v1 =	vmul.f32 $1.131370830e+01, v1;
	v6 =	vld [tilespmem:s7+$0x11AF0]  }
0x189: {  	v7 =	vld [tilespmem:s12+$0x11900];
	[tilespmem:s7+$0x11A90] =	vst v5;
	v0 =	vmul.f32 $1.131370830e+01, v0  }
0x18a: {  	v5 =	vld [tilespmem:s12+$0x11910];
	[tilespmem:s7+$0x11AA0] =	vst v1;
	v1 =	vmul.f32 $1.131370830e+01, v2  }
0x18b: {  	v2 =	vld [tilespmem:s12+$0x11920];
	[tilespmem:s7+$0x11AB0] =	vst v0;
	v0 =	vmul.f32 $1.131370830e+01, v3  }
0x18c: {  	v3 =	vld [tilespmem:s12+$0x11930];
	[tilespmem:s7+$0x11AC0] =	vst v1;
	v1 =	vmul.f32 $1.131370830e+01, v4  }
0x18d: {  	v4 =	vld [tilespmem:s12+$0x11940];
	[tilespmem:s7+$0x11AD0] =	vst v0;
	v0 =	vmul.f32 $1.131370830e+01, v6  }
0x18e: {  	v6 =	vmul.f32 $1.131370830e+01, v7;
	v7 =	vld [tilespmem:s12+$0x11950];
	[tilespmem:s7+$0x11AE0] =	vst v1  }
0x18f: {  	v1 =	vmul.f32 $1.131370830e+01, v5;
	v5 =	vld [tilespmem:s12+$0x11960];
	[tilespmem:s7+$0x11AF0] =	vst v0;
	s7 =	smov.u32 s12  }
0x190: {  	[tilespmem:s7+$0x11900] =	vst v6;
	v0 =	vmul.f32 $1.131370830e+01, v2;
	v2 =	vld [tilespmem:s7+$0x11970]  }
0x191: {  	[tilespmem:s7+$0x11910] =	vst v1;
	v1 =	vmul.f32 $1.131370830e+01, v3;
	v3 =	vld [tilespmem:s7+$0x11980]  }
0x192: {  	[tilespmem:s7+$0x11920] =	vst v0;
	v0 =	vmul.f32 $1.131370830e+01, v4;
	v4 =	vld [tilespmem:s7+$0x11990]  }
0x193: {  	[tilespmem:s7+$0x11930] =	vst v1;
	v1 =	vmul.f32 $1.131370830e+01, v7;
	v6 =	vld [tilespmem:s7+$0x119A0]  }
0x194: {  	[tilespmem:s7+$0x11940] =	vst v0;
	v0 =	vmul.f32 $1.131370830e+01, v5;
	v5 =	vld [tilespmem:s7+$0x119B0]  }
0x195: {  	[tilespmem:s7+$0x11950] =	vst v1;
	v1 =	vmul.f32 $1.131370830e+01, v2;
	v2 =	vld [tilespmem:s7+$0x119C0]  }
0x196: {  	[tilespmem:s7+$0x11960] =	vst v0;
	v0 =	vmul.f32 $1.131370830e+01, v3;
	v3 =	vld [tilespmem:s7+$0x119D0]  }
0x197: {  	[tilespmem:s7+$0x11970] =	vst v1;
	v1 =	vmul.f32 $1.131370830e+01, v4;
	v4 =	vld [tilespmem:s7+$0x119E0]  }
0x198: {  	[tilespmem:s7+$0x11980] =	vst v0;
	v0 =	vmul.f32 $1.131370830e+01, v6;
	v6 =	vld [tilespmem:s7+$0x119F0]  }
0x199: {  	[tilespmem:s7+$0x11990] =	vst v1;
	v1 =	vmul.f32 $1.131370830e+01, v5;
	v5 =	vld [tilespmem:s7+$0x11A00]  }
0x19a: {  	[tilespmem:s7+$0x119A0] =	vst v0;
	v0 =	vmul.f32 $1.131370830e+01, v2;
	v2 =	vld [tilespmem:s7+$0x11A10]  }
0x19b: {  	[tilespmem:s7+$0x119B0] =	vst v1;
	v1 =	vmul.f32 $1.131370830e+01, v3;
	v3 =	vld [tilespmem:s7+$0x11A20]  }
0x19c: {  	[tilespmem:s7+$0x119C0] =	vst v0;
	v0 =	vmul.f32 $1.131370830e+01, v4;
	v4 =	vld [tilespmem:s7+$0x11A30]  }
0x19d: {  	[tilespmem:s7+$0x119D0] =	vst v1;
	v1 =	vmul.f32 $1.131370830e+01, v6;
	v6 =	vld [tilespmem:s7+$0x11A40]  }
0x19e: {  	[tilespmem:s7+$0x119E0] =	vst v0;
	v0 =	vmul.f32 $1.131370830e+01, v5;
	v5 =	vld [tilespmem:s7+$0x11A50]  }
0x19f: {  	[tilespmem:s7+$0x119F0] =	vst v1;
	v1 =	vmul.f32 $1.131370830e+01, v2;
	v2 =	vld [tilespmem:s7+$0x11A60]  }
0x1a0: {  	[tilespmem:s7+$0x11A00] =	vst v0;
	v0 =	vmul.f32 $1.131370830e+01, v3;
	v3 =	vld [tilespmem:s7+$0x11A70]  }
0x1a1: {  	[tilespmem:s7+$0x11A10] =	vst v1;
	v1 =	vmul.f32 $1.131370830e+01, v4;
	v4 =	vld [tilespmem:s7+$0x11A80]  }
0x1a2: {  	[tilespmem:s7+$0x11A20] =	vst v0;
	v0 =	vmul.f32 $1.131370830e+01, v6;
	v7 =	vld [tilespmem:s7+$0x11A90]  }
.Ltmp4:
0x1a3: {  	[tilespmem:s7+$0x11A30] =	vst v1;
	v5 =	vmul.f32 $1.131370830e+01, v5;
	v1 =	vld [tilespmem:s7+$0x11AA0];
	(pc) =	sbr.rel @p0 .LBB2_11-.Ltmp4, $4  }
0x1a4: {  	[tilespmem:s7+$0x11A40] =	vst v0;
	v6 =	vmul.f32 $1.131370830e+01, v2;
	v0 =	vld [tilespmem:s7+$0x11AB0]  }
0x1a5: {  	[tilespmem:s7+$0x11A50] =	vst v5;
	v5 =	vmul.f32 $1.131370830e+01, v3;
	v2 =	vld [tilespmem:s7+$0x11AC0]  }
0x1a6: {  	[tilespmem:s7+$0x11A60] =	vst v6;
	v6 =	vmul.f32 $1.131370830e+01, v4;
	v3 =	vld [tilespmem:s7+$0x11AD0]  }
0x1a7: {  	s11 =	sadd.s32 $0x800, s11;
	[tilespmem:s7+$0x11A70] =	vst v5;
	v5 =	vmul.f32 $1.131370830e+01, v7;
	v4 =	vld [tilespmem:s7+$0x11AE0]  }
0x1a8: {  	[tilespmem:s7+$0x11A80] =	vst v6;
	v1 =	vmul.f32 $1.131370830e+01, v1;
	v59 =	vld [tilespmem:s7+$0x11AF0]  }
0x1a9: {  	[tilespmem:s7+$0x11A90] =	vst v5;
	v0 =	vmul.f32 $1.131370830e+01, v0  }
0x1aa: {  	s0 =	sadd.s32 $0x1, s0;
	[tilespmem:s7+$0x11AA0] =	vst v1;
	v60 =	vmul.f32 $1.131370830e+01, v2  }
0x1ab: {  	p0 =	sne.s32 s0, $0xA;
	[tilespmem:s7+$0x11AB0] =	vst v0;
	v61 =	vmul.f32 $1.131370830e+01, v3  }
.Ltmp5:
0x1ac: {  	s11 =	sshll.u32 s16, $0xE;
	[tilespmem:s7+$0x11AC0] =	vst v60;
	v62 =	vmul.f32 $1.131370830e+01, v4;
	(pc) =	sbr.rel @p0 .LBB2_2-.Ltmp5, $4  }
0x1ad: {  	s11 =	sadd.s32 s6, s11;
	[tilespmem:s7+$0x11AD0] =	vst v61;
	v63 =	vmul.f32 $1.131370830e+01, v59  }
0x1ae: {  	s11 =	sshrl.u32 s11, $0x3;
	[tilespmem:s7+$0x11AE0] =	vst v62  }
0x1af: {  	s26 =	sadd.s32 s3, s11;
	[tilespmem:s7+$0x11AF0] =	vst v63  }
0x1b0: {  	[hbm4b:s26+s5] =	stream.linear.scatter [tilespmem:s20], [sflag:$0xA], $0x4000, $0x38;
	[tilespmem:$0x15900] =	vst v63  }
0x1b1: {  	s0 =	simm.s32 $0x6  }
0x1b2: {  	_ =	swait.ge [sflag:s0], $0x4000  }
0x1b3: {  	[sflag:s0] =	ssyncset.done $0x0  }
0x1b4: {  	[sflag:s0] =	ssyncadd.s32 $0xFFFFC000  }
0x1b5: {  	_ =	swait.ge [sflag:s28], $0x4000  }
0x1b6: {  	[sflag:s28] =	ssyncset.done $0x0  }
0x1b7: {  	[sflag:s28] =	ssyncadd.s32 $0xFFFFC000  }
0x1b8: {  	_ =	swait.ge [sflag:s29], $0x4000  }
0x1b9: {  	[sflag:s29] =	ssyncset.done $0x0  }
0x1ba: {  	[sflag:s29] =	ssyncadd.s32 $0xFFFFC000  }
0x1bb: {  	_ =	swait.ge [sflag:s30], $0x4000  }
0x1bc: {  	[sflag:s30] =	ssyncset.done $0x0  }
0x1bd: {  	[sflag:s30] =	ssyncadd.s32 $0xFFFFC000  }
0x1be: {  	_ =	swait.ge [sflag:s31], $0x4000  }
0x1bf: {  	s2 =	sadd.s32 $0x1, s2;
	s26 =	rddreg [dreg:$0x5]  }
0x1c0: {  	p0 =	sne.s32 s2, s26  }
.Ltmp6:
0x1c1: {  	_ = 	snop;
	(pc) =	sbr.rel @p0 .LBB2_1-.Ltmp6, $3  }
0x1c2: {  	_ =	sdelay $0x1  }
0x1c3: {  	[sflag:s31] =	ssyncset.done $0x0  }
0x1c4: {  	[sflag:s31] =	ssyncadd.s32 $0xFFFFC000  }
0x1c5: {  	_ =	sfence.sel $0x180000  }
0x1c6: {  	[bflag:$0x0] =	sbarrier.arrive $0xFFFF  }
0x1c7: {  	_ =	strace $0x90000047  }
0x1c8: {  	s0 =	stileid.u32;
	[bflag:$0x2] =	sbarrier.arrive $0xFFFF  }
0x1c9: {  	p0 =	sne.s32 s0, $0x0;
	s0 =	rddreg [dreg:$0x3]  }
0x1ca: {  	s0 =	sadd.s32 @!p0 $0x100000, s0  }
0x1cb: {  	[sflag:s0] =	ssyncadd.tile.s32 @!p0 $0x1;
	_ =	shalt  }
.Lfunc_end2:
_tile_overlayer_lowered:
.L_overlay_start_2:
0x1cc: {  	(tag) =	ssettag $0x2  }
0x1cd: {  	s0 =	rddreg [dreg:$0x0];
	s2 =	stileid.u32  }
0x1ce: {  	s1 =	rddreg [dreg:$0x1];
	p0 =	sne.s32 s2, $0x0  }
0x1cf: {  	s3 =	rddreg [dreg:$0x2];
	[bflag:$0x3] =	sbarrier.arrive $0xFFFF;
	s2 =	simm.s32 @!p0 $0x1C0B  }
0x1d0: {  	[timem:s3], [sflag:s2] =	dma.local @!p0 [hbm:s0], s1  }
0x1d1: {  	s0 =	simm.s32 @!p0 $0xB  }
0x1d2: {  	_ =	swait.ge @!p0 [sflag:s0], s1  }
0x1d3: {  	s1 =	ssub.s32 @!p0 $0x0, s1;
	[sflag:s0] =	ssyncset.done @!p0 $0x0  }
0x1d4: {  	[sflag:s0] =	ssyncadd.s32 @!p0 s1  }
0x1d5: {  	[bflag:$0x3] =	sbarrier.arrive $0xFFFF  }
0x1d6: {  	_ =	shalt  }

</sc_bundles>
